<compile_context>
chip_gen: v7x
topology: tpu7x:2x2x1
jax: 0.10.2.dev20260603
libtpu: 0.0.44.dev20260713+nightly
codegen_flags: <defaults>
</compile_context>

<pallas_src>
import functools

import jax
import jax.numpy as jnp
from jax import lax
from jax.experimental import pallas as pl
from jax.experimental.pallas import tpu as pltpu
from jax.experimental.pallas import tpu_sc as plsc

_B = 16
_N = 3136
_D = 768
_T = 16
_S = 196
_KT = 8
_KN = _KT * _S

_NW = 32
_ROWS = _B * _KN
_RPW = _ROWS // _NW
_CHUNK = 56
_NCHUNK = _RPW // _CHUNK
_NBUF = 3


def _saliency_rank_body(sk_ref, keep_ref, gidx_ref):
    sk = sk_ref[...]
    vel = sk[:, 1:] - sk[:, :-1]
    speed = jnp.sqrt(jnp.sum(vel * vel, axis=-1))
    spd = jnp.mean(speed, axis=-1)
    fs = jnp.concatenate([spd[:, :1], spd], axis=1)
    fs = fs / (jnp.max(fs, axis=1, keepdims=True) + 1e-6)
    ts = jnp.mean(fs.reshape(_B, _T, 2), axis=-1)

    tj = ts[:, None, :]
    tt = ts[:, :, None]
    jj = lax.broadcasted_iota(jnp.int32, (_B, _T, _T), 2)
    ii = lax.broadcasted_iota(jnp.int32, (_B, _T, _T), 1)
    before = (tj > tt) | ((tj == tt) & (jj < ii))
    rank = jnp.sum(before.astype(jnp.int32), axis=2)

    rr = lax.broadcasted_iota(jnp.int32, (_B, _T, _KT), 2)
    t3 = lax.broadcasted_iota(jnp.int32, (_B, _T, _KT), 1)
    onehot = rank[:, :, None] == rr
    order = jnp.sum(jnp.where(onehot, t3, 0), axis=1)

    ss = lax.broadcasted_iota(jnp.int32, (_B, _KT, _S), 2)
    ki = (order[:, :, None] * _S + ss).reshape(_B, _KN)
    keep_ref[...] = ki
    bb = lax.broadcasted_iota(jnp.int32, (_B, _KN), 0)
    gidx_ref[...] = ki + bb * _N


def _saliency_rank(skeleton):
    return pl.pallas_call(
        _saliency_rank_body,
        out_shape=[jax.ShapeDtypeStruct((_B, _KN), jnp.int32)] * 2,
    )(skeleton)


def _build_sc_gather():
    mesh = plsc.VectorSubcoreMesh(core_axis_name="c", subcore_axis_name="s")

    @functools.partial(
        pl.kernel,
        mesh=mesh,
        out_type=[jax.ShapeDtypeStruct((_ROWS, _D), jnp.float32)] * 2,
        scratch_types=[
            pltpu.VMEM((_RPW,), jnp.int32),
            pltpu.VMEM((_CHUNK, _D), jnp.float32),
            pltpu.VMEM((_CHUNK, _D), jnp.float32),
            pltpu.VMEM((_CHUNK, _D), jnp.float32),
            pltpu.SemaphoreType.DMA,
            pltpu.SemaphoreType.DMA,
            pltpu.SemaphoreType.DMA,
            pltpu.SemaphoreType.DMA,
            pltpu.SemaphoreType.DMA,
            pltpu.SemaphoreType.DMA,
        ],
    )
    def gather_k(v_hbm, p_hbm, gidx_hbm, outv_hbm, outp_hbm,
                 idx_v, buf0, buf1, buf2, g0, g1, g2, w0, w1, w2):
        wid = lax.axis_index("s") * 2 + lax.axis_index("c")
        base = wid * _RPW
        pltpu.sync_copy(gidx_hbm.at[pl.ds(base, _RPW)], idx_v)

        bufs = (buf0, buf1, buf2)
        gsems = (g0, g1, g2)
        wsems = (w0, w1, w2)
        units = []
        for src, dst in ((v_hbm, outv_hbm), (p_hbm, outp_hbm)):
            for c in range(_NCHUNK):
                units.append((src, dst, c * _CHUNK))
        n = len(units)
        gd = [None] * n
        wd = [None] * n

        def start_gather(i):
            src, _, off = units[i]
            gd[i] = pltpu.async_copy(
                src.at[idx_v.at[pl.ds(off, _CHUNK)]],
                bufs[i % _NBUF], gsems[i % _NBUF])

        def start_write(i):
            _, dst, off = units[i]
            wd[i] = pltpu.async_copy(
                bufs[i % _NBUF], dst.at[pl.ds(base + off, _CHUNK)],
                wsems[i % _NBUF])

        start_gather(0)
        start_gather(1)
        for i in range(n):
            if i + 2 < n:
                if i >= 1:
                    wd[i - 1].wait()
                start_gather(i + 2)
            gd[i].wait()
            start_write(i)
        wd[n - 2].wait()
        wd[n - 1].wait()

    return gather_k


def kernel(skeleton, video_tokens, pos_tokens, num_tubes, spatial_per_tube,
           tubelet_size):
    del num_tubes, spatial_per_tube, tubelet_size
    keep_idx, gidx = _saliency_rank(skeleton)
    vrows = video_tokens.reshape(_B * _N, _D)
    prows = pos_tokens.reshape(_B * _N, _D)
    outv, outp = _build_sc_gather()(vrows, prows, gidx.reshape(-1))
    return (outv.reshape(_B, _KN, _D), outp.reshape(_B, _KN, _D), keep_idx)

# --- scband reference (transcript-rebuilt; emitter-appended) ---
"""Pipeline reference for scband-pose-aware-token-pruner-23630910063019 (READ-ONLY COPY).

The authoritative reference and input builder live on the scoring server;
editing this copy changes nothing except your own understanding.
"""

import jax, jax.numpy as jnp
import numpy as np

KEEP_RATIO = 0.5
NUM_TUBES_STATIC = 16
SPATIAL_PER_TUBE_STATIC = 196
TUBELET_SIZE_STATIC = 2

def setup_inputs(seed: int = 0) -> dict:
    key = jax.random.key(seed)
    k1, k2, k3 = jax.random.split(key, 3)
    skeleton = jax.random.normal(k1, (16, 32, 25, 3), dtype=jnp.float32)
    video_tokens = jax.random.normal(k2, (16, 3136, 768), dtype=jnp.float32)
    pos_tokens = jax.random.normal(k3, (16, 3136, 768), dtype=jnp.float32)
    return {
        "skeleton": skeleton,
        "video_tokens": video_tokens,
        "pos_tokens": pos_tokens,
        "num_tubes": 16,
        "spatial_per_tube": 196,
        "tubelet_size": 2,
    }

def compute_frame_saliency(skeleton):
    velocity = skeleton[:, 1:] - skeleton[:, :-1]
    speed = jnp.linalg.norm(velocity, axis=-1).mean(axis=-1)
    first = speed[:, :1]
    frame_sal = jnp.concatenate([first, speed], axis=1)
    frame_sal = frame_sal / (jnp.max(frame_sal, axis=1, keepdims=True) + 1e-06)
    return frame_sal

def reference(skeleton, video_tokens, pos_tokens, num_tubes, spatial_per_tube, tubelet_size):
    b, n, d = video_tokens.shape
    frame_sal = compute_frame_saliency(skeleton)
    dep_zero = (num_tubes - NUM_TUBES_STATIC) + (spatial_per_tube - SPATIAL_PER_TUBE_STATIC) + (tubelet_size - TUBELET_SIZE_STATIC)
    frame_sal = frame_sal + dep_zero
    total_frames = frame_sal.shape[1]
    usable = NUM_TUBES_STATIC * TUBELET_SIZE_STATIC
    if usable > total_frames:
        pad = usable - total_frames
        frame_sal = jnp.concatenate(
            [frame_sal, jnp.broadcast_to(frame_sal[:, -1:], (b, pad))], axis=1
        )
    else:
        frame_sal = frame_sal[:, :usable]
    tube_sal = frame_sal.reshape(b, NUM_TUBES_STATIC, TUBELET_SIZE_STATIC).mean(axis=-1)
    token_sal = jnp.broadcast_to(
        tube_sal[:, :, None], (b, NUM_TUBES_STATIC, SPATIAL_PER_TUBE_STATIC)
    ).reshape(b, -1)
    assert token_sal.shape[1] == n
    keep_n = max(1, int(n * KEEP_RATIO))
    _, keep_idx = jax.lax.top_k(token_sal, keep_n)
    gather_idx = keep_idx[:, :, None]
    pruned_tokens = jnp.take_along_axis(video_tokens, gather_idx, axis=1)
    pruned_pos = jnp.take_along_axis(pos_tokens, gather_idx, axis=1)
    return (pruned_tokens, pruned_pos, keep_idx)

if __name__ == "__main__":
    import jax
    _d = setup_inputs()
    print(jax.jit(kernel)(*tuple(_d.values())))

</pallas_src>

<mosaic_0001>
#map = affine_map<(d0, d1) -> (0, 0)>
#map1 = affine_map<(d0, d1) -> (0)>
module attributes {stable_mosaic.version = 14 : i64} {
  func.func @gather_k(%arg0: i32, %arg1: i32, %arg2: memref<50176x768xf32, #tpu.memory_space<hbm>>, %arg3: memref<50176x768xf32, #tpu.memory_space<hbm>>, %arg4: memref<25088xi32, #tpu.memory_space<hbm>>, %arg5: memref<25088x768xf32, #tpu.memory_space<hbm>>, %arg6: memref<25088x768xf32, #tpu.memory_space<hbm>>, %arg7: memref<784xi32, #tpu.memory_space<vmem>>, %arg8: memref<56x768xf32, #tpu.memory_space<vmem>>, %arg9: memref<56x768xf32, #tpu.memory_space<vmem>>, %arg10: memref<56x768xf32, #tpu.memory_space<vmem>>, %arg11: memref<!tpu.dma_semaphore, #tpu.memory_space<semaphore_mem>>, %arg12: memref<!tpu.dma_semaphore, #tpu.memory_space<semaphore_mem>>, %arg13: memref<!tpu.dma_semaphore, #tpu.memory_space<semaphore_mem>>, %arg14: memref<!tpu.dma_semaphore, #tpu.memory_space<semaphore_mem>>, %arg15: memref<!tpu.dma_semaphore, #tpu.memory_space<semaphore_mem>>, %arg16: memref<!tpu.dma_semaphore, #tpu.memory_space<semaphore_mem>>) attributes {dimension_semantics = [#tpu.dimension_semantics<core_parallel>, #tpu.dimension_semantics<subcore_parallel>], iteration_bounds = array<i64: 2, 16>, scalar_prefetch = 0 : i64, scratch_operands = 10 : i64, tpu.core_type = #tpu.core_type<sc_vector_subcore>, window_params = [{transform_indices = #map}, {transform_indices = #map}, {transform_indices = #map1}, {transform_indices = #map}, {transform_indices = #map}]} {
    %mul3A = arith.constant 2 : i32
    %mul3A_0 = arith.muli %arg1, %mul3A : i32
    %add3A = arith.addi %mul3A_0, %arg0 : i32
    %mul3A_1 = arith.constant 784 : i32
    %mul3A_2 = arith.muli %add3A, %mul3A_1 : i32
    "tpu.region"() ({
      %run_scoped3A = tpu.sem_alloc : memref<!tpu.dma_semaphore, #tpu.memory_space<semaphore_mem>>
      %dma_start3A_557 = tpu.memref_slice %arg4[%mul3A_2] : memref<25088xi32, #tpu.memory_space<hbm>> -> memref<784xi32, #tpu.memory_space<hbm>>
      %dma_start3A_558 = tpu.memref_slice %arg4[%mul3A_2] : memref<25088xi32, #tpu.memory_space<hbm>> -> memref<784xi32, #tpu.memory_space<hbm>>
      tpu.enqueue_dma source(%dma_start3A_558 : memref<784xi32, #tpu.memory_space<hbm>>) target(%arg7 : memref<784xi32, #tpu.memory_space<vmem>>) target_semaphore(%run_scoped3A : memref<!tpu.dma_semaphore, #tpu.memory_space<semaphore_mem>>)
      %dma_wait3A_559 = tpu.memref_slice %arg4[%mul3A_2] : memref<25088xi32, #tpu.memory_space<hbm>> -> memref<784xi32, #tpu.memory_space<hbm>>
      %dma_wait3A_560 = tpu.memref_slice %arg4[%mul3A_2] : memref<25088xi32, #tpu.memory_space<hbm>> -> memref<784xi32, #tpu.memory_space<hbm>>
      tpu.wait_dma2 semaphore(%run_scoped3A : memref<!tpu.dma_semaphore, #tpu.memory_space<semaphore_mem>>) src(%dma_wait3A_560 : memref<784xi32, #tpu.memory_space<hbm>>) dst(%arg7 : memref<784xi32, #tpu.memory_space<vmem>>)
      tpu.yield
    }) : () -> ()
    %dma_start3A = arith.constant 0 : i32
    %dma_start3A_3 = tpu.memref_slice %arg7[%dma_start3A] : memref<784xi32, #tpu.memory_space<vmem>> -> memref<56xi32, #tpu.memory_space<vmem>>
    %dma_start3A_4 = arith.constant 0 : i32
    %dma_start3A_5 = arith.constant 0 : i32
    %dma_start3A_6 = tpu.memref_slice %arg2[%dma_start3A_4, %dma_start3A_5] : memref<50176x768xf32, #tpu.memory_space<hbm>> -> memref<50176x768xf32, #tpu.memory_space<hbm>>
    tpu.enqueue_indirect_dma source(%dma_start3A_6 : memref<50176x768xf32, #tpu.memory_space<hbm>>) target(%arg8 : memref<56x768xf32, #tpu.memory_space<vmem>>) offsets(%dma_start3A_3 : memref<56xi32, #tpu.memory_space<vmem>>) semaphore(%arg11 : memref<!tpu.dma_semaphore, #tpu.memory_space<semaphore_mem>>)
    %dma_start3A_7 = arith.constant 56 : i32
    %dma_start3A_8 = tpu.memref_slice %arg7[%dma_start3A_7] : memref<784xi32, #tpu.memory_space<vmem>> -> memref<56xi32, #tpu.memory_space<vmem>>
    %dma_start3A_9 = arith.constant 0 : i32
    %dma_start3A_10 = arith.constant 0 : i32
    %dma_start3A_11 = tpu.memref_slice %arg2[%dma_start3A_9, %dma_start3A_10] : memref<50176x768xf32, #tpu.memory_space<hbm>> -> memref<50176x768xf32, #tpu.memory_space<hbm>>
    tpu.enqueue_indirect_dma source(%dma_start3A_11 : memref<50176x768xf32, #tpu.memory_space<hbm>>) target(%arg9 : memref<56x768xf32, #tpu.memory_space<vmem>>) offsets(%dma_start3A_8 : memref<56xi32, #tpu.memory_space<vmem>>) semaphore(%arg12 : memref<!tpu.dma_semaphore, #tpu.memory_space<semaphore_mem>>)
    %dma_start3A_12 = arith.constant 112 : i32
    %dma_start3A_13 = tpu.memref_slice %arg7[%dma_start3A_12] : memref<784xi32, #tpu.memory_space<vmem>> -> memref<56xi32, #tpu.memory_space<vmem>>
    %dma_start3A_14 = arith.constant 0 : i32
    %dma_start3A_15 = arith.constant 0 : i32
    %dma_start3A_16 = tpu.memref_slice %arg2[%dma_start3A_14, %dma_start3A_15] : memref<50176x768xf32, #tpu.memory_space<hbm>> -> memref<50176x768xf32, #tpu.memory_space<hbm>>
    tpu.enqueue_indirect_dma source(%dma_start3A_16 : memref<50176x768xf32, #tpu.memory_space<hbm>>) target(%arg10 : memref<56x768xf32, #tpu.memory_space<vmem>>) offsets(%dma_start3A_13 : memref<56xi32, #tpu.memory_space<vmem>>) semaphore(%arg13 : memref<!tpu.dma_semaphore, #tpu.memory_space<semaphore_mem>>)
    %dma_wait3A = arith.constant 0 : i32
    %dma_wait3A_17 = tpu.memref_slice %arg7[%dma_wait3A] : memref<784xi32, #tpu.memory_space<vmem>> -> memref<56xi32, #tpu.memory_space<vmem>>
    %dma_wait3A_18 = arith.constant 0 : i32
    %dma_wait3A_19 = arith.constant 0 : i32
    %dma_wait3A_20 = tpu.memref_slice %arg2[%dma_wait3A_18, %dma_wait3A_19] : memref<50176x768xf32, #tpu.memory_space<hbm>> -> memref<50176x768xf32, #tpu.memory_space<hbm>>
    tpu.wait_indirect_dma semaphore(%arg11 : memref<!tpu.dma_semaphore, #tpu.memory_space<semaphore_mem>>) src(%dma_wait3A_20 : memref<50176x768xf32, #tpu.memory_space<hbm>>) dst(%arg8 : memref<56x768xf32, #tpu.memory_space<vmem>>)
    %add3A_21 = arith.constant 0 : i32
    %add3A_22 = arith.addi %mul3A_2, %add3A_21 : i32
    %dma_start3A_23 = arith.constant 0 : i32
    %dma_start3A_24 = tpu.memref_slice %arg5[%add3A_22, %dma_start3A_23] : memref<25088x768xf32, #tpu.memory_space<hbm>> -> memref<56x768xf32, #tpu.memory_space<hbm>>
    %dma_start3A_25 = arith.constant 0 : i32
    %dma_start3A_26 = tpu.memref_slice %arg5[%add3A_22, %dma_start3A_25] : memref<25088x768xf32, #tpu.memory_space<hbm>> -> memref<56x768xf32, #tpu.memory_space<hbm>>
    tpu.enqueue_dma source(%arg8 : memref<56x768xf32, #tpu.memory_space<vmem>>) target(%dma_start3A_26 : memref<56x768xf32, #tpu.memory_space<hbm>>) target_semaphore(%arg14 : memref<!tpu.dma_semaphore, #tpu.memory_space<semaphore_mem>>)
    %dma_wait3A_27 = arith.constant 0 : i32
    %dma_wait3A_28 = tpu.memref_slice %arg5[%add3A_22, %dma_wait3A_27] : memref<25088x768xf32, #tpu.memory_space<hbm>> -> memref<56x768xf32, #tpu.memory_space<hbm>>
    %dma_wait3A_29 = arith.constant 0 : i32
    %dma_wait3A_30 = tpu.memref_slice %arg5[%add3A_22, %dma_wait3A_29] : memref<25088x768xf32, #tpu.memory_space<hbm>> -> memref<56x768xf32, #tpu.memory_space<hbm>>
    tpu.wait_dma2 semaphore(%arg14 : memref<!tpu.dma_semaphore, #tpu.memory_space<semaphore_mem>>) src(%arg8 : memref<56x768xf32, #tpu.memory_space<vmem>>) dst(%dma_wait3A_30 : memref<56x768xf32, #tpu.memory_space<hbm>>)
    %dma_start3A_31 = arith.constant 168 : i32
    %dma_start3A_32 = tpu.memref_slice %arg7[%dma_start3A_31] : memref<784xi32, #tpu.memory_space<vmem>> -> memref<56xi32, #tpu.memory_space<vmem>>
    %dma_start3A_33 = arith.constant 0 : i32
    %dma_start3A_34 = arith.constant 0 : i32
    %dma_start3A_35 = tpu.memref_slice %arg2[%dma_start3A_33, %dma_start3A_34] : memref<50176x768xf32, #tpu.memory_space<hbm>> -> memref<50176x768xf32, #tpu.memory_space<hbm>>
    tpu.enqueue_indirect_dma source(%dma_start3A_35 : memref<50176x768xf32, #tpu.memory_space<hbm>>) target(%arg8 : memref<56x768xf32, #tpu.memory_space<vmem>>) offsets(%dma_start3A_32 : memref<56xi32, #tpu.memory_space<vmem>>) semaphore(%arg11 : memref<!tpu.dma_semaphore, #tpu.memory_space<semaphore_mem>>)
    %dma_wait3A_36 = arith.constant 56 : i32
    %dma_wait3A_37 = tpu.memref_slice %arg7[%dma_wait3A_36] : memref<784xi32, #tpu.memory_space<vmem>> -> memref<56xi32, #tpu.memory_space<vmem>>
    %dma_wait3A_38 = arith.constant 0 : i32
    %dma_wait3A_39 = arith.constant 0 : i32
    %dma_wait3A_40 = tpu.memref_slice %arg2[%dma_wait3A_38, %dma_wait3A_39] : memref<50176x768xf32, #tpu.memory_space<hbm>> -> memref<50176x768xf32, #tpu.memory_space<hbm>>
    tpu.wait_indirect_dma semaphore(%arg12 : memref<!tpu.dma_semaphore, #tpu.memory_space<semaphore_mem>>) src(%dma_wait3A_40 : memref<50176x768xf32, #tpu.memory_space<hbm>>) dst(%arg9 : memref<56x768xf32, #tpu.memory_space<vmem>>)
    %add3A_41 = arith.constant 56 : i32
    %add3A_42 = arith.addi %mul3A_2, %add3A_41 : i32
    %dma_start3A_43 = arith.constant 0 : i32
    %dma_start3A_44 = tpu.memref_slice %arg5[%add3A_42, %dma_start3A_43] : memref<25088x768xf32, #tpu.memory_space<hbm>> -> memref<56x768xf32, #tpu.memory_space<hbm>>
    %dma_start3A_45 = arith.constant 0 : i32
    %dma_start3A_46 = tpu.memref_slice %arg5[%add3A_42, %dma_start3A_45] : memref<25088x768xf32, #tpu.memory_space<hbm>> -> memref<56x768xf32, #tpu.memory_space<hbm>>
    tpu.enqueue_dma source(%arg9 : memref<56x768xf32, #tpu.memory_space<vmem>>) target(%dma_start3A_46 : memref<56x768xf32, #tpu.memory_space<hbm>>) target_semaphore(%arg15 : memref<!tpu.dma_semaphore, #tpu.memory_space<semaphore_mem>>)
    %dma_wait3A_47 = arith.constant 0 : i32
    %dma_wait3A_48 = tpu.memref_slice %arg5[%add3A_42, %dma_wait3A_47] : memref<25088x768xf32, #tpu.memory_space<hbm>> -> memref<56x768xf32, #tpu.memory_space<hbm>>
    %dma_wait3A_49 = arith.constant 0 : i32
    %dma_wait3A_50 = tpu.memref_slice %arg5[%add3A_42, %dma_wait3A_49] : memref<25088x768xf32, #tpu.memory_space<hbm>> -> memref<56x768xf32, #tpu.memory_space<hbm>>
    tpu.wait_dma2 semaphore(%arg15 : memref<!tpu.dma_semaphore, #tpu.memory_space<semaphore_mem>>) src(%arg9 : memref<56x768xf32, #tpu.memory_space<vmem>>) dst(%dma_wait3A_50 : memref<56x768xf32, #tpu.memory_space<hbm>>)
    %dma_start3A_51 = arith.constant 224 : i32
    %dma_start3A_52 = tpu.memref_slice %arg7[%dma_start3A_51] : memref<784xi32, #tpu.memory_space<vmem>> -> memref<56xi32, #tpu.memory_space<vmem>>
    %dma_start3A_53 = arith.constant 0 : i32
    %dma_start3A_54 = arith.constant 0 : i32
    %dma_start3A_55 = tpu.memref_slice %arg2[%dma_start3A_53, %dma_start3A_54] : memref<50176x768xf32, #tpu.memory_space<hbm>> -> memref<50176x768xf32, #tpu.memory_space<hbm>>
    tpu.enqueue_indirect_dma source(%dma_start3A_55 : memref<50176x768xf32, #tpu.memory_space<hbm>>) target(%arg9 : memref<56x768xf32, #tpu.memory_space<vmem>>) offsets(%dma_start3A_52 : memref<56xi32, #tpu.memory_space<vmem>>) semaphore(%arg12 : memref<!tpu.dma_semaphore, #tpu.memory_space<semaphore_mem>>)
    %dma_wait3A_56 = arith.constant 112 : i32
    %dma_wait3A_57 = tpu.memref_slice %arg7[%dma_wait3A_56] : memref<784xi32, #tpu.memory_space<vmem>> -> memref<56xi32, #tpu.memory_space<vmem>>
    %dma_wait3A_58 = arith.constant 0 : i32
    %dma_wait3A_59 = arith.constant 0 : i32
    %dma_wait3A_60 = tpu.memref_slice %arg2[%dma_wait3A_58, %dma_wait3A_59] : memref<50176x768xf32, #tpu.memory_space<hbm>> -> memref<50176x768xf32, #tpu.memory_space<hbm>>
    tpu.wait_indirect_dma semaphore(%arg13 : memref<!tpu.dma_semaphore, #tpu.memory_space<semaphore_mem>>) src(%dma_wait3A_60 : memref<50176x768xf32, #tpu.memory_space<hbm>>) dst(%arg10 : memref<56x768xf32, #tpu.memory_space<vmem>>)
    %add3A_61 = arith.constant 112 : i32
    %add3A_62 = arith.addi %mul3A_2, %add3A_61 : i32
    %dma_start3A_63 = arith.constant 0 : i32
    %dma_start3A_64 = tpu.memref_slice %arg5[%add3A_62, %dma_start3A_63] : memref<25088x768xf32, #tpu.memory_space<hbm>> -> memref<56x768xf32, #tpu.memory_space<hbm>>
    %dma_start3A_65 = arith.constant 0 : i32
    %dma_start3A_66 = tpu.memref_slice %arg5[%add3A_62, %dma_start3A_65] : memref<25088x768xf32, #tpu.memory_space<hbm>> -> memref<56x768xf32, #tpu.memory_space<hbm>>
    tpu.enqueue_dma source(%arg10 : memref<56x768xf32, #tpu.memory_space<vmem>>) target(%dma_start3A_66 : memref<56x768xf32, #tpu.memory_space<hbm>>) target_semaphore(%arg16 : memref<!tpu.dma_semaphore, #tpu.memory_space<semaphore_mem>>)
    %dma_wait3A_67 = arith.constant 0 : i32
    %dma_wait3A_68 = tpu.memref_slice %arg5[%add3A_62, %dma_wait3A_67] : memref<25088x768xf32, #tpu.memory_space<hbm>> -> memref<56x768xf32, #tpu.memory_space<hbm>>
    %dma_wait3A_69 = arith.constant 0 : i32
    %dma_wait3A_70 = tpu.memref_slice %arg5[%add3A_62, %dma_wait3A_69] : memref<25088x768xf32, #tpu.memory_space<hbm>> -> memref<56x768xf32, #tpu.memory_space<hbm>>
    tpu.wait_dma2 semaphore(%arg16 : memref<!tpu.dma_semaphore, #tpu.memory_space<semaphore_mem>>) src(%arg10 : memref<56x768xf32, #tpu.memory_space<vmem>>) dst(%dma_wait3A_70 : memref<56x768xf32, #tpu.memory_space<hbm>>)
    %dma_start3A_71 = arith.constant 280 : i32
    %dma_start3A_72 = tpu.memref_slice %arg7[%dma_start3A_71] : memref<784xi32, #tpu.memory_space<vmem>> -> memref<56xi32, #tpu.memory_space<vmem>>
    %dma_start3A_73 = arith.constant 0 : i32
    %dma_start3A_74 = arith.constant 0 : i32
    %dma_start3A_75 = tpu.memref_slice %arg2[%dma_start3A_73, %dma_start3A_74] : memref<50176x768xf32, #tpu.memory_space<hbm>> -> memref<50176x768xf32, #tpu.memory_space<hbm>>
    tpu.enqueue_indirect_dma source(%dma_start3A_75 : memref<50176x768xf32, #tpu.memory_space<hbm>>) target(%arg10 : memref<56x768xf32, #tpu.memory_space<vmem>>) offsets(%dma_start3A_72 : memref<56xi32, #tpu.memory_space<vmem>>) semaphore(%arg13 : memref<!tpu.dma_semaphore, #tpu.memory_space<semaphore_mem>>)
    %dma_wait3A_76 = arith.constant 168 : i32
    %dma_wait3A_77 = tpu.memref_slice %arg7[%dma_wait3A_76] : memref<784xi32, #tpu.memory_space<vmem>> -> memref<56xi32, #tpu.memory_space<vmem>>
    %dma_wait3A_78 = arith.constant 0 : i32
    %dma_wait3A_79 = arith.constant 0 : i32
    %dma_wait3A_80 = tpu.memref_slice %arg2[%dma_wait3A_78, %dma_wait3A_79] : memref<50176x768xf32, #tpu.memory_space<hbm>> -> memref<50176x768xf32, #tpu.memory_space<hbm>>
    tpu.wait_indirect_dma semaphore(%arg11 : memref<!tpu.dma_semaphore, #tpu.memory_space<semaphore_mem>>) src(%dma_wait3A_80 : memref<50176x768xf32, #tpu.memory_space<hbm>>) dst(%arg8 : memref<56x768xf32, #tpu.memory_space<vmem>>)
    %add3A_81 = arith.constant 168 : i32
    %add3A_82 = arith.addi %mul3A_2, %add3A_81 : i32
    %dma_start3A_83 = arith.constant 0 : i32
    %dma_start3A_84 = tpu.memref_slice %arg5[%add3A_82, %dma_start3A_83] : memref<25088x768xf32, #tpu.memory_space<hbm>> -> memref<56x768xf32, #tpu.memory_space<hbm>>
    %dma_start3A_85 = arith.constant 0 : i32
    %dma_start3A_86 = tpu.memref_slice %arg5[%add3A_82, %dma_start3A_85] : memref<25088x768xf32, #tpu.memory_space<hbm>> -> memref<56x768xf32, #tpu.memory_space<hbm>>
    tpu.enqueue_dma source(%arg8 : memref<56x768xf32, #tpu.memory_space<vmem>>) target(%dma_start3A_86 : memref<56x768xf32, #tpu.memory_space<hbm>>) target_semaphore(%arg14 : memref<!tpu.dma_semaphore, #tpu.memory_space<semaphore_mem>>)
    %dma_wait3A_87 = arith.constant 0 : i32
    %dma_wait3A_88 = tpu.memref_slice %arg5[%add3A_82, %dma_wait3A_87] : memref<25088x768xf32, #tpu.memory_space<hbm>> -> memref<56x768xf32, #tpu.memory_space<hbm>>
    %dma_wait3A_89 = arith.constant 0 : i32
    %dma_wait3A_90 = tpu.memref_slice %arg5[%add3A_82, %dma_wait3A_89] : memref<25088x768xf32, #tpu.memory_space<hbm>> -> memref<56x768xf32, #tpu.memory_space<hbm>>
    tpu.wait_dma2 semaphore(%arg14 : memref<!tpu.dma_semaphore, #tpu.memory_space<semaphore_mem>>) src(%arg8 : memref<56x768xf32, #tpu.memory_space<vmem>>) dst(%dma_wait3A_90 : memref<56x768xf32, #tpu.memory_space<hbm>>)
    %dma_start3A_91 = arith.constant 336 : i32
    %dma_start3A_92 = tpu.memref_slice %arg7[%dma_start3A_91] : memref<784xi32, #tpu.memory_space<vmem>> -> memref<56xi32, #tpu.memory_space<vmem>>
    %dma_start3A_93 = arith.constant 0 : i32
    %dma_start3A_94 = arith.constant 0 : i32
    %dma_start3A_95 = tpu.memref_slice %arg2[%dma_start3A_93, %dma_start3A_94] : memref<50176x768xf32, #tpu.memory_space<hbm>> -> memref<50176x768xf32, #tpu.memory_space<hbm>>
    tpu.enqueue_indirect_dma source(%dma_start3A_95 : memref<50176x768xf32, #tpu.memory_space<hbm>>) target(%arg8 : memref<56x768xf32, #tpu.memory_space<vmem>>) offsets(%dma_start3A_92 : memref<56xi32, #tpu.memory_space<vmem>>) semaphore(%arg11 : memref<!tpu.dma_semaphore, #tpu.memory_space<semaphore_mem>>)
    %dma_wait3A_96 = arith.constant 224 : i32
    %dma_wait3A_97 = tpu.memref_slice %arg7[%dma_wait3A_96] : memref<784xi32, #tpu.memory_space<vmem>> -> memref<56xi32, #tpu.memory_space<vmem>>
    %dma_wait3A_98 = arith.constant 0 : i32
    %dma_wait3A_99 = arith.constant 0 : i32
    %dma_wait3A_100 = tpu.memref_slice %arg2[%dma_wait3A_98, %dma_wait3A_99] : memref<50176x768xf32, #tpu.memory_space<hbm>> -> memref<50176x768xf32, #tpu.memory_space<hbm>>
    tpu.wait_indirect_dma semaphore(%arg12 : memref<!tpu.dma_semaphore, #tpu.memory_space<semaphore_mem>>) src(%dma_wait3A_100 : memref<50176x768xf32, #tpu.memory_space<hbm>>) dst(%arg9 : memref<56x768xf32, #tpu.memory_space<vmem>>)
    %add3A_101 = arith.constant 224 : i32
    %add3A_102 = arith.addi %mul3A_2, %add3A_101 : i32
    %dma_start3A_103 = arith.constant 0 : i32
    %dma_start3A_104 = tpu.memref_slice %arg5[%add3A_102, %dma_start3A_103] : memref<25088x768xf32, #tpu.memory_space<hbm>> -> memref<56x768xf32, #tpu.memory_space<hbm>>
    %dma_start3A_105 = arith.constant 0 : i32
    %dma_start3A_106 = tpu.memref_slice %arg5[%add3A_102, %dma_start3A_105] : memref<25088x768xf32, #tpu.memory_space<hbm>> -> memref<56x768xf32, #tpu.memory_space<hbm>>
    tpu.enqueue_dma source(%arg9 : memref<56x768xf32, #tpu.memory_space<vmem>>) target(%dma_start3A_106 : memref<56x768xf32, #tpu.memory_space<hbm>>) target_semaphore(%arg15 : memref<!tpu.dma_semaphore, #tpu.memory_space<semaphore_mem>>)
    %dma_wait3A_107 = arith.constant 0 : i32
    %dma_wait3A_108 = tpu.memref_slice %arg5[%add3A_102, %dma_wait3A_107] : memref<25088x768xf32, #tpu.memory_space<hbm>> -> memref<56x768xf32, #tpu.memory_space<hbm>>
    %dma_wait3A_109 = arith.constant 0 : i32
    %dma_wait3A_110 = tpu.memref_slice %arg5[%add3A_102, %dma_wait3A_109] : memref<25088x768xf32, #tpu.memory_space<hbm>> -> memref<56x768xf32, #tpu.memory_space<hbm>>
    tpu.wait_dma2 semaphore(%arg15 : memref<!tpu.dma_semaphore, #tpu.memory_space<semaphore_mem>>) src(%arg9 : memref<56x768xf32, #tpu.memory_space<vmem>>) dst(%dma_wait3A_110 : memref<56x768xf32, #tpu.memory_space<hbm>>)
    %dma_start3A_111 = arith.constant 392 : i32
    %dma_start3A_112 = tpu.memref_slice %arg7[%dma_start3A_111] : memref<784xi32, #tpu.memory_space<vmem>> -> memref<56xi32, #tpu.memory_space<vmem>>
    %dma_start3A_113 = arith.constant 0 : i32
    %dma_start3A_114 = arith.constant 0 : i32
    %dma_start3A_115 = tpu.memref_slice %arg2[%dma_start3A_113, %dma_start3A_114] : memref<50176x768xf32, #tpu.memory_space<hbm>> -> memref<50176x768xf32, #tpu.memory_space<hbm>>
    tpu.enqueue_indirect_dma source(%dma_start3A_115 : memref<50176x768xf32, #tpu.memory_space<hbm>>) target(%arg9 : memref<56x768xf32, #tpu.memory_space<vmem>>) offsets(%dma_start3A_112 : memref<56xi32, #tpu.memory_space<vmem>>) semaphore(%arg12 : memref<!tpu.dma_semaphore, #tpu.memory_space<semaphore_mem>>)
    %dma_wait3A_116 = arith.constant 280 : i32
    %dma_wait3A_117 = tpu.memref_slice %arg7[%dma_wait3A_116] : memref<784xi32, #tpu.memory_space<vmem>> -> memref<56xi32, #tpu.memory_space<vmem>>
    %dma_wait3A_118 = arith.constant 0 : i32
    %dma_wait3A_119 = arith.constant 0 : i32
    %dma_wait3A_120 = tpu.memref_slice %arg2[%dma_wait3A_118, %dma_wait3A_119] : memref<50176x768xf32, #tpu.memory_space<hbm>> -> memref<50176x768xf32, #tpu.memory_space<hbm>>
    tpu.wait_indirect_dma semaphore(%arg13 : memref<!tpu.dma_semaphore, #tpu.memory_space<semaphore_mem>>) src(%dma_wait3A_120 : memref<50176x768xf32, #tpu.memory_space<hbm>>) dst(%arg10 : memref<56x768xf32, #tpu.memory_space<vmem>>)
    %add3A_121 = arith.constant 280 : i32
    %add3A_122 = arith.addi %mul3A_2, %add3A_121 : i32
    %dma_start3A_123 = arith.constant 0 : i32
    %dma_start3A_124 = tpu.memref_slice %arg5[%add3A_122, %dma_start3A_123] : memref<25088x768xf32, #tpu.memory_space<hbm>> -> memref<56x768xf32, #tpu.memory_space<hbm>>
    %dma_start3A_125 = arith.constant 0 : i32
    %dma_start3A_126 = tpu.memref_slice %arg5[%add3A_122, %dma_start3A_125] : memref<25088x768xf32, #tpu.memory_space<hbm>> -> memref<56x768xf32, #tpu.memory_space<hbm>>
    tpu.enqueue_dma source(%arg10 : memref<56x768xf32, #tpu.memory_space<vmem>>) target(%dma_start3A_126 : memref<56x768xf32, #tpu.memory_space<hbm>>) target_semaphore(%arg16 : memref<!tpu.dma_semaphore, #tpu.memory_space<semaphore_mem>>)
    %dma_wait3A_127 = arith.constant 0 : i32
    %dma_wait3A_128 = tpu.memref_slice %arg5[%add3A_122, %dma_wait3A_127] : memref<25088x768xf32, #tpu.memory_space<hbm>> -> memref<56x768xf32, #tpu.memory_space<hbm>>
    %dma_wait3A_129 = arith.constant 0 : i32
    %dma_wait3A_130 = tpu.memref_slice %arg5[%add3A_122, %dma_wait3A_129] : memref<25088x768xf32, #tpu.memory_space<hbm>> -> memref<56x768xf32, #tpu.memory_space<hbm>>
    tpu.wait_dma2 semaphore(%arg16 : memref<!tpu.dma_semaphore, #tpu.memory_space<semaphore_mem>>) src(%arg10 : memref<56x768xf32, #tpu.memory_space<vmem>>) dst(%dma_wait3A_130 : memref<56x768xf32, #tpu.memory_space<hbm>>)
    %dma_start3A_131 = arith.constant 448 : i32
    %dma_start3A_132 = tpu.memref_slice %arg7[%dma_start3A_131] : memref<784xi32, #tpu.memory_space<vmem>> -> memref<56xi32, #tpu.memory_space<vmem>>
    %dma_start3A_133 = arith.constant 0 : i32
    %dma_start3A_134 = arith.constant 0 : i32
    %dma_start3A_135 = tpu.memref_slice %arg2[%dma_start3A_133, %dma_start3A_134] : memref<50176x768xf32, #tpu.memory_space<hbm>> -> memref<50176x768xf32, #tpu.memory_space<hbm>>
    tpu.enqueue_indirect_dma source(%dma_start3A_135 : memref<50176x768xf32, #tpu.memory_space<hbm>>) target(%arg10 : memref<56x768xf32, #tpu.memory_space<vmem>>) offsets(%dma_start3A_132 : memref<56xi32, #tpu.memory_space<vmem>>) semaphore(%arg13 : memref<!tpu.dma_semaphore, #tpu.memory_space<semaphore_mem>>)
    %dma_wait3A_136 = arith.constant 336 : i32
    %dma_wait3A_137 = tpu.memref_slice %arg7[%dma_wait3A_136] : memref<784xi32, #tpu.memory_space<vmem>> -> memref<56xi32, #tpu.memory_space<vmem>>
    %dma_wait3A_138 = arith.constant 0 : i32
    %dma_wait3A_139 = arith.constant 0 : i32
    %dma_wait3A_140 = tpu.memref_slice %arg2[%dma_wait3A_138, %dma_wait3A_139] : memref<50176x768xf32, #tpu.memory_space<hbm>> -> memref<50176x768xf32, #tpu.memory_space<hbm>>
    tpu.wait_indirect_dma semaphore(%arg11 : memref<!tpu.dma_semaphore, #tpu.memory_space<semaphore_mem>>) src(%dma_wait3A_140 : memref<50176x768xf32, #tpu.memory_space<hbm>>) dst(%arg8 : memref<56x768xf32, #tpu.memory_space<vmem>>)
    %add3A_141 = arith.constant 336 : i32
    %add3A_142 = arith.addi %mul3A_2, %add3A_141 : i32
    %dma_start3A_143 = arith.constant 0 : i32
    %dma_start3A_144 = tpu.memref_slice %arg5[%add3A_142, %dma_start3A_143] : memref<25088x768xf32, #tpu.memory_space<hbm>> -> memref<56x768xf32, #tpu.memory_space<hbm>>
    %dma_start3A_145 = arith.constant 0 : i32
    %dma_start3A_146 = tpu.memref_slice %arg5[%add3A_142, %dma_start3A_145] : memref<25088x768xf32, #tpu.memory_space<hbm>> -> memref<56x768xf32, #tpu.memory_space<hbm>>
    tpu.enqueue_dma source(%arg8 : memref<56x768xf32, #tpu.memory_space<vmem>>) target(%dma_start3A_146 : memref<56x768xf32, #tpu.memory_space<hbm>>) target_semaphore(%arg14 : memref<!tpu.dma_semaphore, #tpu.memory_space<semaphore_mem>>)
    %dma_wait3A_147 = arith.constant 0 : i32
    %dma_wait3A_148 = tpu.memref_slice %arg5[%add3A_142, %dma_wait3A_147] : memref<25088x768xf32, #tpu.memory_space<hbm>> -> memref<56x768xf32, #tpu.memory_space<hbm>>
    %dma_wait3A_149 = arith.constant 0 : i32
    %dma_wait3A_150 = tpu.memref_slice %arg5[%add3A_142, %dma_wait3A_149] : memref<25088x768xf32, #tpu.memory_space<hbm>> -> memref<56x768xf32, #tpu.memory_space<hbm>>
    tpu.wait_dma2 semaphore(%arg14 : memref<!tpu.dma_semaphore, #tpu.memory_space<semaphore_mem>>) src(%arg8 : memref<56x768xf32, #tpu.memory_space<vmem>>) dst(%dma_wait3A_150 : memref<56x768xf32, #tpu.memory_space<hbm>>)
    %dma_start3A_151 = arith.constant 504 : i32
    %dma_start3A_152 = tpu.memref_slice %arg7[%dma_start3A_151] : memref<784xi32, #tpu.memory_space<vmem>> -> memref<56xi32, #tpu.memory_space<vmem>>
    %dma_start3A_153 = arith.constant 0 : i32
    %dma_start3A_154 = arith.constant 0 : i32
    %dma_start3A_155 = tpu.memref_slice %arg2[%dma_start3A_153, %dma_start3A_154] : memref<50176x768xf32, #tpu.memory_space<hbm>> -> memref<50176x768xf32, #tpu.memory_space<hbm>>
    tpu.enqueue_indirect_dma source(%dma_start3A_155 : memref<50176x768xf32, #tpu.memory_space<hbm>>) target(%arg8 : memref<56x768xf32, #tpu.memory_space<vmem>>) offsets(%dma_start3A_152 : memref<56xi32, #tpu.memory_space<vmem>>) semaphore(%arg11 : memref<!tpu.dma_semaphore, #tpu.memory_space<semaphore_mem>>)
    %dma_wait3A_156 = arith.constant 392 : i32
    %dma_wait3A_157 = tpu.memref_slice %arg7[%dma_wait3A_156] : memref<784xi32, #tpu.memory_space<vmem>> -> memref<56xi32, #tpu.memory_space<vmem>>
    %dma_wait3A_158 = arith.constant 0 : i32
    %dma_wait3A_159 = arith.constant 0 : i32
    %dma_wait3A_160 = tpu.memref_slice %arg2[%dma_wait3A_158, %dma_wait3A_159] : memref<50176x768xf32, #tpu.memory_space<hbm>> -> memref<50176x768xf32, #tpu.memory_space<hbm>>
    tpu.wait_indirect_dma semaphore(%arg12 : memref<!tpu.dma_semaphore, #tpu.memory_space<semaphore_mem>>) src(%dma_wait3A_160 : memref<50176x768xf32, #tpu.memory_space<hbm>>) dst(%arg9 : memref<56x768xf32, #tpu.memory_space<vmem>>)
    %add3A_161 = arith.constant 392 : i32
    %add3A_162 = arith.addi %mul3A_2, %add3A_161 : i32
    %dma_start3A_163 = arith.constant 0 : i32
    %dma_start3A_164 = tpu.memref_slice %arg5[%add3A_162, %dma_start3A_163] : memref<25088x768xf32, #tpu.memory_space<hbm>> -> memref<56x768xf32, #tpu.memory_space<hbm>>
    %dma_start3A_165 = arith.constant 0 : i32
    %dma_start3A_166 = tpu.memref_slice %arg5[%add3A_162, %dma_start3A_165] : memref<25088x768xf32, #tpu.memory_space<hbm>> -> memref<56x768xf32, #tpu.memory_space<hbm>>
    tpu.enqueue_dma source(%arg9 : memref<56x768xf32, #tpu.memory_space<vmem>>) target(%dma_start3A_166 : memref<56x768xf32, #tpu.memory_space<hbm>>) target_semaphore(%arg15 : memref<!tpu.dma_semaphore, #tpu.memory_space<semaphore_mem>>)
    %dma_wait3A_167 = arith.constant 0 : i32
    %dma_wait3A_168 = tpu.memref_slice %arg5[%add3A_162, %dma_wait3A_167] : memref<25088x768xf32, #tpu.memory_space<hbm>> -> memref<56x768xf32, #tpu.memory_space<hbm>>
    %dma_wait3A_169 = arith.constant 0 : i32
    %dma_wait3A_170 = tpu.memref_slice %arg5[%add3A_162, %dma_wait3A_169] : memref<25088x768xf32, #tpu.memory_space<hbm>> -> memref<56x768xf32, #tpu.memory_space<hbm>>
    tpu.wait_dma2 semaphore(%arg15 : memref<!tpu.dma_semaphore, #tpu.memory_space<semaphore_mem>>) src(%arg9 : memref<56x768xf32, #tpu.memory_space<vmem>>) dst(%dma_wait3A_170 : memref<56x768xf32, #tpu.memory_space<hbm>>)
    %dma_start3A_171 = arith.constant 560 : i32
    %dma_start3A_172 = tpu.memref_slice %arg7[%dma_start3A_171] : memref<784xi32, #tpu.memory_space<vmem>> -> memref<56xi32, #tpu.memory_space<vmem>>
    %dma_start3A_173 = arith.constant 0 : i32
    %dma_start3A_174 = arith.constant 0 : i32
    %dma_start3A_175 = tpu.memref_slice %arg2[%dma_start3A_173, %dma_start3A_174] : memref<50176x768xf32, #tpu.memory_space<hbm>> -> memref<50176x768xf32, #tpu.memory_space<hbm>>
    tpu.enqueue_indirect_dma source(%dma_start3A_175 : memref<50176x768xf32, #tpu.memory_space<hbm>>) target(%arg9 : memref<56x768xf32, #tpu.memory_space<vmem>>) offsets(%dma_start3A_172 : memref<56xi32, #tpu.memory_space<vmem>>) semaphore(%arg12 : memref<!tpu.dma_semaphore, #tpu.memory_space<semaphore_mem>>)
    %dma_wait3A_176 = arith.constant 448 : i32
    %dma_wait3A_177 = tpu.memref_slice %arg7[%dma_wait3A_176] : memref<784xi32, #tpu.memory_space<vmem>> -> memref<56xi32, #tpu.memory_space<vmem>>
    %dma_wait3A_178 = arith.constant 0 : i32
    %dma_wait3A_179 = arith.constant 0 : i32
    %dma_wait3A_180 = tpu.memref_slice %arg2[%dma_wait3A_178, %dma_wait3A_179] : memref<50176x768xf32, #tpu.memory_space<hbm>> -> memref<50176x768xf32, #tpu.memory_space<hbm>>
    tpu.wait_indirect_dma semaphore(%arg13 : memref<!tpu.dma_semaphore, #tpu.memory_space<semaphore_mem>>) src(%dma_wait3A_180 : memref<50176x768xf32, #tpu.memory_space<hbm>>) dst(%arg10 : memref<56x768xf32, #tpu.memory_space<vmem>>)
    %add3A_181 = arith.constant 448 : i32
    %add3A_182 = arith.addi %mul3A_2, %add3A_181 : i32
    %dma_start3A_183 = arith.constant 0 : i32
    %dma_start3A_184 = tpu.memref_slice %arg5[%add3A_182, %dma_start3A_183] : memref<25088x768xf32, #tpu.memory_space<hbm>> -> memref<56x768xf32, #tpu.memory_space<hbm>>
    %dma_start3A_185 = arith.constant 0 : i32
    %dma_start3A_186 = tpu.memref_slice %arg5[%add3A_182, %dma_start3A_185] : memref<25088x768xf32, #tpu.memory_space<hbm>> -> memref<56x768xf32, #tpu.memory_space<hbm>>
    tpu.enqueue_dma source(%arg10 : memref<56x768xf32, #tpu.memory_space<vmem>>) target(%dma_start3A_186 : memref<56x768xf32, #tpu.memory_space<hbm>>) target_semaphore(%arg16 : memref<!tpu.dma_semaphore, #tpu.memory_space<semaphore_mem>>)
    %dma_wait3A_187 = arith.constant 0 : i32
    %dma_wait3A_188 = tpu.memref_slice %arg5[%add3A_182, %dma_wait3A_187] : memref<25088x768xf32, #tpu.memory_space<hbm>> -> memref<56x768xf32, #tpu.memory_space<hbm>>
    %dma_wait3A_189 = arith.constant 0 : i32
    %dma_wait3A_190 = tpu.memref_slice %arg5[%add3A_182, %dma_wait3A_189] : memref<25088x768xf32, #tpu.memory_space<hbm>> -> memref<56x768xf32, #tpu.memory_space<hbm>>
    tpu.wait_dma2 semaphore(%arg16 : memref<!tpu.dma_semaphore, #tpu.memory_space<semaphore_mem>>) src(%arg10 : memref<56x768xf32, #tpu.memory_space<vmem>>) dst(%dma_wait3A_190 : memref<56x768xf32, #tpu.memory_space<hbm>>)
    %dma_start3A_191 = arith.constant 616 : i32
    %dma_start3A_192 = tpu.memref_slice %arg7[%dma_start3A_191] : memref<784xi32, #tpu.memory_space<vmem>> -> memref<56xi32, #tpu.memory_space<vmem>>
    %dma_start3A_193 = arith.constant 0 : i32
    %dma_start3A_194 = arith.constant 0 : i32
    %dma_start3A_195 = tpu.memref_slice %arg2[%dma_start3A_193, %dma_start3A_194] : memref<50176x768xf32, #tpu.memory_space<hbm>> -> memref<50176x768xf32, #tpu.memory_space<hbm>>
    tpu.enqueue_indirect_dma source(%dma_start3A_195 : memref<50176x768xf32, #tpu.memory_space<hbm>>) target(%arg10 : memref<56x768xf32, #tpu.memory_space<vmem>>) offsets(%dma_start3A_192 : memref<56xi32, #tpu.memory_space<vmem>>) semaphore(%arg13 : memref<!tpu.dma_semaphore, #tpu.memory_space<semaphore_mem>>)
    %dma_wait3A_196 = arith.constant 504 : i32
    %dma_wait3A_197 = tpu.memref_slice %arg7[%dma_wait3A_196] : memref<784xi32, #tpu.memory_space<vmem>> -> memref<56xi32, #tpu.memory_space<vmem>>
    %dma_wait3A_198 = arith.constant 0 : i32
    %dma_wait3A_199 = arith.constant 0 : i32
    %dma_wait3A_200 = tpu.memref_slice %arg2[%dma_wait3A_198, %dma_wait3A_199] : memref<50176x768xf32, #tpu.memory_space<hbm>> -> memref<50176x768xf32, #tpu.memory_space<hbm>>
    tpu.wait_indirect_dma semaphore(%arg11 : memref<!tpu.dma_semaphore, #tpu.memory_space<semaphore_mem>>) src(%dma_wait3A_200 : memref<50176x768xf32, #tpu.memory_space<hbm>>) dst(%arg8 : memref<56x768xf32, #tpu.memory_space<vmem>>)
    %add3A_201 = arith.constant 504 : i32
    %add3A_202 = arith.addi %mul3A_2, %add3A_201 : i32
    %dma_start3A_203 = arith.constant 0 : i32
    %dma_start3A_204 = tpu.memref_slice %arg5[%add3A_202, %dma_start3A_203] : memref<25088x768xf32, #tpu.memory_space<hbm>> -> memref<56x768xf32, #tpu.memory_space<hbm>>
    %dma_start3A_205 = arith.constant 0 : i32
    %dma_start3A_206 = tpu.memref_slice %arg5[%add3A_202, %dma_start3A_205] : memref<25088x768xf32, #tpu.memory_space<hbm>> -> memref<56x768xf32, #tpu.memory_space<hbm>>
    tpu.enqueue_dma source(%arg8 : memref<56x768xf32, #tpu.memory_space<vmem>>) target(%dma_start3A_206 : memref<56x768xf32, #tpu.memory_space<hbm>>) target_semaphore(%arg14 : memref<!tpu.dma_semaphore, #tpu.memory_space<semaphore_mem>>)
    %dma_wait3A_207 = arith.constant 0 : i32
    %dma_wait3A_208 = tpu.memref_slice %arg5[%add3A_202, %dma_wait3A_207] : memref<25088x768xf32, #tpu.memory_space<hbm>> -> memref<56x768xf32, #tpu.memory_space<hbm>>
    %dma_wait3A_209 = arith.constant 0 : i32
    %dma_wait3A_210 = tpu.memref_slice %arg5[%add3A_202, %dma_wait3A_209] : memref<25088x768xf32, #tpu.memory_space<hbm>> -> memref<56x768xf32, #tpu.memory_space<hbm>>
    tpu.wait_dma2 semaphore(%arg14 : memref<!tpu.dma_semaphore, #tpu.memory_space<semaphore_mem>>) src(%arg8 : memref<56x768xf32, #tpu.memory_space<vmem>>) dst(%dma_wait3A_210 : memref<56x768xf32, #tpu.memory_space<hbm>>)
    %dma_start3A_211 = arith.constant 672 : i32
    %dma_start3A_212 = tpu.memref_slice %arg7[%dma_start3A_211] : memref<784xi32, #tpu.memory_space<vmem>> -> memref<56xi32, #tpu.memory_space<vmem>>
    %dma_start3A_213 = arith.constant 0 : i32
    %dma_start3A_214 = arith.constant 0 : i32
    %dma_start3A_215 = tpu.memref_slice %arg2[%dma_start3A_213, %dma_start3A_214] : memref<50176x768xf32, #tpu.memory_space<hbm>> -> memref<50176x768xf32, #tpu.memory_space<hbm>>
    tpu.enqueue_indirect_dma source(%dma_start3A_215 : memref<50176x768xf32, #tpu.memory_space<hbm>>) target(%arg8 : memref<56x768xf32, #tpu.memory_space<vmem>>) offsets(%dma_start3A_212 : memref<56xi32, #tpu.memory_space<vmem>>) semaphore(%arg11 : memref<!tpu.dma_semaphore, #tpu.memory_space<semaphore_mem>>)
    %dma_wait3A_216 = arith.constant 560 : i32
    %dma_wait3A_217 = tpu.memref_slice %arg7[%dma_wait3A_216] : memref<784xi32, #tpu.memory_space<vmem>> -> memref<56xi32, #tpu.memory_space<vmem>>
    %dma_wait3A_218 = arith.constant 0 : i32
    %dma_wait3A_219 = arith.constant 0 : i32
    %dma_wait3A_220 = tpu.memref_slice %arg2[%dma_wait3A_218, %dma_wait3A_219] : memref<50176x768xf32, #tpu.memory_space<hbm>> -> memref<50176x768xf32, #tpu.memory_space<hbm>>
    tpu.wait_indirect_dma semaphore(%arg12 : memref<!tpu.dma_semaphore, #tpu.memory_space<semaphore_mem>>) src(%dma_wait3A_220 : memref<50176x768xf32, #tpu.memory_space<hbm>>) dst(%arg9 : memref<56x768xf32, #tpu.memory_space<vmem>>)
    %add3A_221 = arith.constant 560 : i32
    %add3A_222 = arith.addi %mul3A_2, %add3A_221 : i32
    %dma_start3A_223 = arith.constant 0 : i32
    %dma_start3A_224 = tpu.memref_slice %arg5[%add3A_222, %dma_start3A_223] : memref<25088x768xf32, #tpu.memory_space<hbm>> -> memref<56x768xf32, #tpu.memory_space<hbm>>
    %dma_start3A_225 = arith.constant 0 : i32
    %dma_start3A_226 = tpu.memref_slice %arg5[%add3A_222, %dma_start3A_225] : memref<25088x768xf32, #tpu.memory_space<hbm>> -> memref<56x768xf32, #tpu.memory_space<hbm>>
    tpu.enqueue_dma source(%arg9 : memref<56x768xf32, #tpu.memory_space<vmem>>) target(%dma_start3A_226 : memref<56x768xf32, #tpu.memory_space<hbm>>) target_semaphore(%arg15 : memref<!tpu.dma_semaphore, #tpu.memory_space<semaphore_mem>>)
    %dma_wait3A_227 = arith.constant 0 : i32
    %dma_wait3A_228 = tpu.memref_slice %arg5[%add3A_222, %dma_wait3A_227] : memref<25088x768xf32, #tpu.memory_space<hbm>> -> memref<56x768xf32, #tpu.memory_space<hbm>>
    %dma_wait3A_229 = arith.constant 0 : i32
    %dma_wait3A_230 = tpu.memref_slice %arg5[%add3A_222, %dma_wait3A_229] : memref<25088x768xf32, #tpu.memory_space<hbm>> -> memref<56x768xf32, #tpu.memory_space<hbm>>
    tpu.wait_dma2 semaphore(%arg15 : memref<!tpu.dma_semaphore, #tpu.memory_space<semaphore_mem>>) src(%arg9 : memref<56x768xf32, #tpu.memory_space<vmem>>) dst(%dma_wait3A_230 : memref<56x768xf32, #tpu.memory_space<hbm>>)
    %dma_start3A_231 = arith.constant 728 : i32
    %dma_start3A_232 = tpu.memref_slice %arg7[%dma_start3A_231] : memref<784xi32, #tpu.memory_space<vmem>> -> memref<56xi32, #tpu.memory_space<vmem>>
    %dma_start3A_233 = arith.constant 0 : i32
    %dma_start3A_234 = arith.constant 0 : i32
    %dma_start3A_235 = tpu.memref_slice %arg2[%dma_start3A_233, %dma_start3A_234] : memref<50176x768xf32, #tpu.memory_space<hbm>> -> memref<50176x768xf32, #tpu.memory_space<hbm>>
    tpu.enqueue_indirect_dma source(%dma_start3A_235 : memref<50176x768xf32, #tpu.memory_space<hbm>>) target(%arg9 : memref<56x768xf32, #tpu.memory_space<vmem>>) offsets(%dma_start3A_232 : memref<56xi32, #tpu.memory_space<vmem>>) semaphore(%arg12 : memref<!tpu.dma_semaphore, #tpu.memory_space<semaphore_mem>>)
    %dma_wait3A_236 = arith.constant 616 : i32
    %dma_wait3A_237 = tpu.memref_slice %arg7[%dma_wait3A_236] : memref<784xi32, #tpu.memory_space<vmem>> -> memref<56xi32, #tpu.memory_space<vmem>>
    %dma_wait3A_238 = arith.constant 0 : i32
    %dma_wait3A_239 = arith.constant 0 : i32
    %dma_wait3A_240 = tpu.memref_slice %arg2[%dma_wait3A_238, %dma_wait3A_239] : memref<50176x768xf32, #tpu.memory_space<hbm>> -> memref<50176x768xf32, #tpu.memory_space<hbm>>
    tpu.wait_indirect_dma semaphore(%arg13 : memref<!tpu.dma_semaphore, #tpu.memory_space<semaphore_mem>>) src(%dma_wait3A_240 : memref<50176x768xf32, #tpu.memory_space<hbm>>) dst(%arg10 : memref<56x768xf32, #tpu.memory_space<vmem>>)
    %add3A_241 = arith.constant 616 : i32
    %add3A_242 = arith.addi %mul3A_2, %add3A_241 : i32
    %dma_start3A_243 = arith.constant 0 : i32
    %dma_start3A_244 = tpu.memref_slice %arg5[%add3A_242, %dma_start3A_243] : memref<25088x768xf32, #tpu.memory_space<hbm>> -> memref<56x768xf32, #tpu.memory_space<hbm>>
    %dma_start3A_245 = arith.constant 0 : i32
    %dma_start3A_246 = tpu.memref_slice %arg5[%add3A_242, %dma_start3A_245] : memref<25088x768xf32, #tpu.memory_space<hbm>> -> memref<56x768xf32, #tpu.memory_space<hbm>>
    tpu.enqueue_dma source(%arg10 : memref<56x768xf32, #tpu.memory_space<vmem>>) target(%dma_start3A_246 : memref<56x768xf32, #tpu.memory_space<hbm>>) target_semaphore(%arg16 : memref<!tpu.dma_semaphore, #tpu.memory_space<semaphore_mem>>)
    %dma_wait3A_247 = arith.constant 0 : i32
    %dma_wait3A_248 = tpu.memref_slice %arg5[%add3A_242, %dma_wait3A_247] : memref<25088x768xf32, #tpu.memory_space<hbm>> -> memref<56x768xf32, #tpu.memory_space<hbm>>
    %dma_wait3A_249 = arith.constant 0 : i32
    %dma_wait3A_250 = tpu.memref_slice %arg5[%add3A_242, %dma_wait3A_249] : memref<25088x768xf32, #tpu.memory_space<hbm>> -> memref<56x768xf32, #tpu.memory_space<hbm>>
    tpu.wait_dma2 semaphore(%arg16 : memref<!tpu.dma_semaphore, #tpu.memory_space<semaphore_mem>>) src(%arg10 : memref<56x768xf32, #tpu.memory_space<vmem>>) dst(%dma_wait3A_250 : memref<56x768xf32, #tpu.memory_space<hbm>>)
    %dma_start3A_251 = arith.constant 0 : i32
    %dma_start3A_252 = tpu.memref_slice %arg7[%dma_start3A_251] : memref<784xi32, #tpu.memory_space<vmem>> -> memref<56xi32, #tpu.memory_space<vmem>>
    %dma_start3A_253 = arith.constant 0 : i32
    %dma_start3A_254 = arith.constant 0 : i32
    %dma_start3A_255 = tpu.memref_slice %arg3[%dma_start3A_253, %dma_start3A_254] : memref<50176x768xf32, #tpu.memory_space<hbm>> -> memref<50176x768xf32, #tpu.memory_space<hbm>>
    tpu.enqueue_indirect_dma source(%dma_start3A_255 : memref<50176x768xf32, #tpu.memory_space<hbm>>) target(%arg10 : memref<56x768xf32, #tpu.memory_space<vmem>>) offsets(%dma_start3A_252 : memref<56xi32, #tpu.memory_space<vmem>>) semaphore(%arg13 : memref<!tpu.dma_semaphore, #tpu.memory_space<semaphore_mem>>)
    %dma_wait3A_256 = arith.constant 672 : i32
    %dma_wait3A_257 = tpu.memref_slice %arg7[%dma_wait3A_256] : memref<784xi32, #tpu.memory_space<vmem>> -> memref<56xi32, #tpu.memory_space<vmem>>
    %dma_wait3A_258 = arith.constant 0 : i32
    %dma_wait3A_259 = arith.constant 0 : i32
    %dma_wait3A_260 = tpu.memref_slice %arg2[%dma_wait3A_258, %dma_wait3A_259] : memref<50176x768xf32, #tpu.memory_space<hbm>> -> memref<50176x768xf32, #tpu.memory_space<hbm>>
    tpu.wait_indirect_dma semaphore(%arg11 : memref<!tpu.dma_semaphore, #tpu.memory_space<semaphore_mem>>) src(%dma_wait3A_260 : memref<50176x768xf32, #tpu.memory_space<hbm>>) dst(%arg8 : memref<56x768xf32, #tpu.memory_space<vmem>>)
    %add3A_261 = arith.constant 672 : i32
    %add3A_262 = arith.addi %mul3A_2, %add3A_261 : i32
    %dma_start3A_263 = arith.constant 0 : i32
    %dma_start3A_264 = tpu.memref_slice %arg5[%add3A_262, %dma_start3A_263] : memref<25088x768xf32, #tpu.memory_space<hbm>> -> memref<56x768xf32, #tpu.memory_space<hbm>>
    %dma_start3A_265 = arith.constant 0 : i32
    %dma_start3A_266 = tpu.memref_slice %arg5[%add3A_262, %dma_start3A_265] : memref<25088x768xf32, #tpu.memory_space<hbm>> -> memref<56x768xf32, #tpu.memory_space<hbm>>
    tpu.enqueue_dma source(%arg8 : memref<56x768xf32, #tpu.memory_space<vmem>>) target(%dma_start3A_266 : memref<56x768xf32, #tpu.memory_space<hbm>>) target_semaphore(%arg14 : memref<!tpu.dma_semaphore, #tpu.memory_space<semaphore_mem>>)
    %dma_wait3A_267 = arith.constant 0 : i32
    %dma_wait3A_268 = tpu.memref_slice %arg5[%add3A_262, %dma_wait3A_267] : memref<25088x768xf32, #tpu.memory_space<hbm>> -> memref<56x768xf32, #tpu.memory_space<hbm>>
    %dma_wait3A_269 = arith.constant 0 : i32
    %dma_wait3A_270 = tpu.memref_slice %arg5[%add3A_262, %dma_wait3A_269] : memref<25088x768xf32, #tpu.memory_space<hbm>> -> memref<56x768xf32, #tpu.memory_space<hbm>>
    tpu.wait_dma2 semaphore(%arg14 : memref<!tpu.dma_semaphore, #tpu.memory_space<semaphore_mem>>) src(%arg8 : memref<56x768xf32, #tpu.memory_space<vmem>>) dst(%dma_wait3A_270 : memref<56x768xf32, #tpu.memory_space<hbm>>)
    %dma_start3A_271 = arith.constant 56 : i32
    %dma_start3A_272 = tpu.memref_slice %arg7[%dma_start3A_271] : memref<784xi32, #tpu.memory_space<vmem>> -> memref<56xi32, #tpu.memory_space<vmem>>
    %dma_start3A_273 = arith.constant 0 : i32
    %dma_start3A_274 = arith.constant 0 : i32
    %dma_start3A_275 = tpu.memref_slice %arg3[%dma_start3A_273, %dma_start3A_274] : memref<50176x768xf32, #tpu.memory_space<hbm>> -> memref<50176x768xf32, #tpu.memory_space<hbm>>
    tpu.enqueue_indirect_dma source(%dma_start3A_275 : memref<50176x768xf32, #tpu.memory_space<hbm>>) target(%arg8 : memref<56x768xf32, #tpu.memory_space<vmem>>) offsets(%dma_start3A_272 : memref<56xi32, #tpu.memory_space<vmem>>) semaphore(%arg11 : memref<!tpu.dma_semaphore, #tpu.memory_space<semaphore_mem>>)
    %dma_wait3A_276 = arith.constant 728 : i32
    %dma_wait3A_277 = tpu.memref_slice %arg7[%dma_wait3A_276] : memref<784xi32, #tpu.memory_space<vmem>> -> memref<56xi32, #tpu.memory_space<vmem>>
    %dma_wait3A_278 = arith.constant 0 : i32
    %dma_wait3A_279 = arith.constant 0 : i32
    %dma_wait3A_280 = tpu.memref_slice %arg2[%dma_wait3A_278, %dma_wait3A_279] : memref<50176x768xf32, #tpu.memory_space<hbm>> -> memref<50176x768xf32, #tpu.memory_space<hbm>>
    tpu.wait_indirect_dma semaphore(%arg12 : memref<!tpu.dma_semaphore, #tpu.memory_space<semaphore_mem>>) src(%dma_wait3A_280 : memref<50176x768xf32, #tpu.memory_space<hbm>>) dst(%arg9 : memref<56x768xf32, #tpu.memory_space<vmem>>)
    %add3A_281 = arith.constant 728 : i32
    %add3A_282 = arith.addi %mul3A_2, %add3A_281 : i32
    %dma_start3A_283 = arith.constant 0 : i32
    %dma_start3A_284 = tpu.memref_slice %arg5[%add3A_282, %dma_start3A_283] : memref<25088x768xf32, #tpu.memory_space<hbm>> -> memref<56x768xf32, #tpu.memory_space<hbm>>
    %dma_start3A_285 = arith.constant 0 : i32
    %dma_start3A_286 = tpu.memref_slice %arg5[%add3A_282, %dma_start3A_285] : memref<25088x768xf32, #tpu.memory_space<hbm>> -> memref<56x768xf32, #tpu.memory_space<hbm>>
    tpu.enqueue_dma source(%arg9 : memref<56x768xf32, #tpu.memory_space<vmem>>) target(%dma_start3A_286 : memref<56x768xf32, #tpu.memory_space<hbm>>) target_semaphore(%arg15 : memref<!tpu.dma_semaphore, #tpu.memory_space<semaphore_mem>>)
    %dma_wait3A_287 = arith.constant 0 : i32
    %dma_wait3A_288 = tpu.memref_slice %arg5[%add3A_282, %dma_wait3A_287] : memref<25088x768xf32, #tpu.memory_space<hbm>> -> memref<56x768xf32, #tpu.memory_space<hbm>>
    %dma_wait3A_289 = arith.constant 0 : i32
    %dma_wait3A_290 = tpu.memref_slice %arg5[%add3A_282, %dma_wait3A_289] : memref<25088x768xf32, #tpu.memory_space<hbm>> -> memref<56x768xf32, #tpu.memory_space<hbm>>
    tpu.wait_dma2 semaphore(%arg15 : memref<!tpu.dma_semaphore, #tpu.memory_space<semaphore_mem>>) src(%arg9 : memref<56x768xf32, #tpu.memory_space<vmem>>) dst(%dma_wait3A_290 : memref<56x768xf32, #tpu.memory_space<hbm>>)
    %dma_start3A_291 = arith.constant 112 : i32
    %dma_start3A_292 = tpu.memref_slice %arg7[%dma_start3A_291] : memref<784xi32, #tpu.memory_space<vmem>> -> memref<56xi32, #tpu.memory_space<vmem>>
    %dma_start3A_293 = arith.constant 0 : i32
    %dma_start3A_294 = arith.constant 0 : i32
    %dma_start3A_295 = tpu.memref_slice %arg3[%dma_start3A_293, %dma_start3A_294] : memref<50176x768xf32, #tpu.memory_space<hbm>> -> memref<50176x768xf32, #tpu.memory_space<hbm>>
    tpu.enqueue_indirect_dma source(%dma_start3A_295 : memref<50176x768xf32, #tpu.memory_space<hbm>>) target(%arg9 : memref<56x768xf32, #tpu.memory_space<vmem>>) offsets(%dma_start3A_292 : memref<56xi32, #tpu.memory_space<vmem>>) semaphore(%arg12 : memref<!tpu.dma_semaphore, #tpu.memory_space<semaphore_mem>>)
    %dma_wait3A_296 = arith.constant 0 : i32
    %dma_wait3A_297 = tpu.memref_slice %arg7[%dma_wait3A_296] : memref<784xi32, #tpu.memory_space<vmem>> -> memref<56xi32, #tpu.memory_space<vmem>>
    %dma_wait3A_298 = arith.constant 0 : i32
    %dma_wait3A_299 = arith.constant 0 : i32
    %dma_wait3A_300 = tpu.memref_slice %arg3[%dma_wait3A_298, %dma_wait3A_299] : memref<50176x768xf32, #tpu.memory_space<hbm>> -> memref<50176x768xf32, #tpu.memory_space<hbm>>
    tpu.wait_indirect_dma semaphore(%arg13 : memref<!tpu.dma_semaphore, #tpu.memory_space<semaphore_mem>>) src(%dma_wait3A_300 : memref<50176x768xf32, #tpu.memory_space<hbm>>) dst(%arg10 : memref<56x768xf32, #tpu.memory_space<vmem>>)
    %add3A_301 = arith.constant 0 : i32
    %add3A_302 = arith.addi %mul3A_2, %add3A_301 : i32
    %dma_start3A_303 = arith.constant 0 : i32
    %dma_start3A_304 = tpu.memref_slice %arg6[%add3A_302, %dma_start3A_303] : memref<25088x768xf32, #tpu.memory_space<hbm>> -> memref<56x768xf32, #tpu.memory_space<hbm>>
    %dma_start3A_305 = arith.constant 0 : i32
    %dma_start3A_306 = tpu.memref_slice %arg6[%add3A_302, %dma_start3A_305] : memref<25088x768xf32, #tpu.memory_space<hbm>> -> memref<56x768xf32, #tpu.memory_space<hbm>>
    tpu.enqueue_dma source(%arg10 : memref<56x768xf32, #tpu.memory_space<vmem>>) target(%dma_start3A_306 : memref<56x768xf32, #tpu.memory_space<hbm>>) target_semaphore(%arg16 : memref<!tpu.dma_semaphore, #tpu.memory_space<semaphore_mem>>)
    %dma_wait3A_307 = arith.constant 0 : i32
    %dma_wait3A_308 = tpu.memref_slice %arg6[%add3A_302, %dma_wait3A_307] : memref<25088x768xf32, #tpu.memory_space<hbm>> -> memref<56x768xf32, #tpu.memory_space<hbm>>
    %dma_wait3A_309 = arith.constant 0 : i32
    %dma_wait3A_310 = tpu.memref_slice %arg6[%add3A_302, %dma_wait3A_309] : memref<25088x768xf32, #tpu.memory_space<hbm>> -> memref<56x768xf32, #tpu.memory_space<hbm>>
    tpu.wait_dma2 semaphore(%arg16 : memref<!tpu.dma_semaphore, #tpu.memory_space<semaphore_mem>>) src(%arg10 : memref<56x768xf32, #tpu.memory_space<vmem>>) dst(%dma_wait3A_310 : memref<56x768xf32, #tpu.memory_space<hbm>>)
    %dma_start3A_311 = arith.constant 168 : i32
    %dma_start3A_312 = tpu.memref_slice %arg7[%dma_start3A_311] : memref<784xi32, #tpu.memory_space<vmem>> -> memref<56xi32, #tpu.memory_space<vmem>>
    %dma_start3A_313 = arith.constant 0 : i32
    %dma_start3A_314 = arith.constant 0 : i32
    %dma_start3A_315 = tpu.memref_slice %arg3[%dma_start3A_313, %dma_start3A_314] : memref<50176x768xf32, #tpu.memory_space<hbm>> -> memref<50176x768xf32, #tpu.memory_space<hbm>>
    tpu.enqueue_indirect_dma source(%dma_start3A_315 : memref<50176x768xf32, #tpu.memory_space<hbm>>) target(%arg10 : memref<56x768xf32, #tpu.memory_space<vmem>>) offsets(%dma_start3A_312 : memref<56xi32, #tpu.memory_space<vmem>>) semaphore(%arg13 : memref<!tpu.dma_semaphore, #tpu.memory_space<semaphore_mem>>)
    %dma_wait3A_316 = arith.constant 56 : i32
    %dma_wait3A_317 = tpu.memref_slice %arg7[%dma_wait3A_316] : memref<784xi32, #tpu.memory_space<vmem>> -> memref<56xi32, #tpu.memory_space<vmem>>
    %dma_wait3A_318 = arith.constant 0 : i32
    %dma_wait3A_319 = arith.constant 0 : i32
    %dma_wait3A_320 = tpu.memref_slice %arg3[%dma_wait3A_318, %dma_wait3A_319] : memref<50176x768xf32, #tpu.memory_space<hbm>> -> memref<50176x768xf32, #tpu.memory_space<hbm>>
    tpu.wait_indirect_dma semaphore(%arg11 : memref<!tpu.dma_semaphore, #tpu.memory_space<semaphore_mem>>) src(%dma_wait3A_320 : memref<50176x768xf32, #tpu.memory_space<hbm>>) dst(%arg8 : memref<56x768xf32, #tpu.memory_space<vmem>>)
    %add3A_321 = arith.constant 56 : i32
    %add3A_322 = arith.addi %mul3A_2, %add3A_321 : i32
    %dma_start3A_323 = arith.constant 0 : i32
    %dma_start3A_324 = tpu.memref_slice %arg6[%add3A_322, %dma_start3A_323] : memref<25088x768xf32, #tpu.memory_space<hbm>> -> memref<56x768xf32, #tpu.memory_space<hbm>>
    %dma_start3A_325 = arith.constant 0 : i32
    %dma_start3A_326 = tpu.memref_slice %arg6[%add3A_322, %dma_start3A_325] : memref<25088x768xf32, #tpu.memory_space<hbm>> -> memref<56x768xf32, #tpu.memory_space<hbm>>
    tpu.enqueue_dma source(%arg8 : memref<56x768xf32, #tpu.memory_space<vmem>>) target(%dma_start3A_326 : memref<56x768xf32, #tpu.memory_space<hbm>>) target_semaphore(%arg14 : memref<!tpu.dma_semaphore, #tpu.memory_space<semaphore_mem>>)
    %dma_wait3A_327 = arith.constant 0 : i32
    %dma_wait3A_328 = tpu.memref_slice %arg6[%add3A_322, %dma_wait3A_327] : memref<25088x768xf32, #tpu.memory_space<hbm>> -> memref<56x768xf32, #tpu.memory_space<hbm>>
    %dma_wait3A_329 = arith.constant 0 : i32
    %dma_wait3A_330 = tpu.memref_slice %arg6[%add3A_322, %dma_wait3A_329] : memref<25088x768xf32, #tpu.memory_space<hbm>> -> memref<56x768xf32, #tpu.memory_space<hbm>>
    tpu.wait_dma2 semaphore(%arg14 : memref<!tpu.dma_semaphore, #tpu.memory_space<semaphore_mem>>) src(%arg8 : memref<56x768xf32, #tpu.memory_space<vmem>>) dst(%dma_wait3A_330 : memref<56x768xf32, #tpu.memory_space<hbm>>)
    %dma_start3A_331 = arith.constant 224 : i32
    %dma_start3A_332 = tpu.memref_slice %arg7[%dma_start3A_331] : memref<784xi32, #tpu.memory_space<vmem>> -> memref<56xi32, #tpu.memory_space<vmem>>
    %dma_start3A_333 = arith.constant 0 : i32
    %dma_start3A_334 = arith.constant 0 : i32
    %dma_start3A_335 = tpu.memref_slice %arg3[%dma_start3A_333, %dma_start3A_334] : memref<50176x768xf32, #tpu.memory_space<hbm>> -> memref<50176x768xf32, #tpu.memory_space<hbm>>
    tpu.enqueue_indirect_dma source(%dma_start3A_335 : memref<50176x768xf32, #tpu.memory_space<hbm>>) target(%arg8 : memref<56x768xf32, #tpu.memory_space<vmem>>) offsets(%dma_start3A_332 : memref<56xi32, #tpu.memory_space<vmem>>) semaphore(%arg11 : memref<!tpu.dma_semaphore, #tpu.memory_space<semaphore_mem>>)
    %dma_wait3A_336 = arith.constant 112 : i32
    %dma_wait3A_337 = tpu.memref_slice %arg7[%dma_wait3A_336] : memref<784xi32, #tpu.memory_space<vmem>> -> memref<56xi32, #tpu.memory_space<vmem>>
    %dma_wait3A_338 = arith.constant 0 : i32
    %dma_wait3A_339 = arith.constant 0 : i32
    %dma_wait3A_340 = tpu.memref_slice %arg3[%dma_wait3A_338, %dma_wait3A_339] : memref<50176x768xf32, #tpu.memory_space<hbm>> -> memref<50176x768xf32, #tpu.memory_space<hbm>>
    tpu.wait_indirect_dma semaphore(%arg12 : memref<!tpu.dma_semaphore, #tpu.memory_space<semaphore_mem>>) src(%dma_wait3A_340 : memref<50176x768xf32, #tpu.memory_space<hbm>>) dst(%arg9 : memref<56x768xf32, #tpu.memory_space<vmem>>)
    %add3A_341 = arith.constant 112 : i32
    %add3A_342 = arith.addi %mul3A_2, %add3A_341 : i32
    %dma_start3A_343 = arith.constant 0 : i32
    %dma_start3A_344 = tpu.memref_slice %arg6[%add3A_342, %dma_start3A_343] : memref<25088x768xf32, #tpu.memory_space<hbm>> -> memref<56x768xf32, #tpu.memory_space<hbm>>
    %dma_start3A_345 = arith.constant 0 : i32
    %dma_start3A_346 = tpu.memref_slice %arg6[%add3A_342, %dma_start3A_345] : memref<25088x768xf32, #tpu.memory_space<hbm>> -> memref<56x768xf32, #tpu.memory_space<hbm>>
    tpu.enqueue_dma source(%arg9 : memref<56x768xf32, #tpu.memory_space<vmem>>) target(%dma_start3A_346 : memref<56x768xf32, #tpu.memory_space<hbm>>) target_semaphore(%arg15 : memref<!tpu.dma_semaphore, #tpu.memory_space<semaphore_mem>>)
    %dma_wait3A_347 = arith.constant 0 : i32
    %dma_wait3A_348 = tpu.memref_slice %arg6[%add3A_342, %dma_wait3A_347] : memref<25088x768xf32, #tpu.memory_space<hbm>> -> memref<56x768xf32, #tpu.memory_space<hbm>>
    %dma_wait3A_349 = arith.constant 0 : i32
    %dma_wait3A_350 = tpu.memref_slice %arg6[%add3A_342, %dma_wait3A_349] : memref<25088x768xf32, #tpu.memory_space<hbm>> -> memref<56x768xf32, #tpu.memory_space<hbm>>
    tpu.wait_dma2 semaphore(%arg15 : memref<!tpu.dma_semaphore, #tpu.memory_space<semaphore_mem>>) src(%arg9 : memref<56x768xf32, #tpu.memory_space<vmem>>) dst(%dma_wait3A_350 : memref<56x768xf32, #tpu.memory_space<hbm>>)
    %dma_start3A_351 = arith.constant 280 : i32
    %dma_start3A_352 = tpu.memref_slice %arg7[%dma_start3A_351] : memref<784xi32, #tpu.memory_space<vmem>> -> memref<56xi32, #tpu.memory_space<vmem>>
    %dma_start3A_353 = arith.constant 0 : i32
    %dma_start3A_354 = arith.constant 0 : i32
    %dma_start3A_355 = tpu.memref_slice %arg3[%dma_start3A_353, %dma_start3A_354] : memref<50176x768xf32, #tpu.memory_space<hbm>> -> memref<50176x768xf32, #tpu.memory_space<hbm>>
    tpu.enqueue_indirect_dma source(%dma_start3A_355 : memref<50176x768xf32, #tpu.memory_space<hbm>>) target(%arg9 : memref<56x768xf32, #tpu.memory_space<vmem>>) offsets(%dma_start3A_352 : memref<56xi32, #tpu.memory_space<vmem>>) semaphore(%arg12 : memref<!tpu.dma_semaphore, #tpu.memory_space<semaphore_mem>>)
    %dma_wait3A_356 = arith.constant 168 : i32
    %dma_wait3A_357 = tpu.memref_slice %arg7[%dma_wait3A_356] : memref<784xi32, #tpu.memory_space<vmem>> -> memref<56xi32, #tpu.memory_space<vmem>>
    %dma_wait3A_358 = arith.constant 0 : i32
    %dma_wait3A_359 = arith.constant 0 : i32
    %dma_wait3A_360 = tpu.memref_slice %arg3[%dma_wait3A_358, %dma_wait3A_359] : memref<50176x768xf32, #tpu.memory_space<hbm>> -> memref<50176x768xf32, #tpu.memory_space<hbm>>
    tpu.wait_indirect_dma semaphore(%arg13 : memref<!tpu.dma_semaphore, #tpu.memory_space<semaphore_mem>>) src(%dma_wait3A_360 : memref<50176x768xf32, #tpu.memory_space<hbm>>) dst(%arg10 : memref<56x768xf32, #tpu.memory_space<vmem>>)
    %add3A_361 = arith.constant 168 : i32
    %add3A_362 = arith.addi %mul3A_2, %add3A_361 : i32
    %dma_start3A_363 = arith.constant 0 : i32
    %dma_start3A_364 = tpu.memref_slice %arg6[%add3A_362, %dma_start3A_363] : memref<25088x768xf32, #tpu.memory_space<hbm>> -> memref<56x768xf32, #tpu.memory_space<hbm>>
    %dma_start3A_365 = arith.constant 0 : i32
    %dma_start3A_366 = tpu.memref_slice %arg6[%add3A_362, %dma_start3A_365] : memref<25088x768xf32, #tpu.memory_space<hbm>> -> memref<56x768xf32, #tpu.memory_space<hbm>>
    tpu.enqueue_dma source(%arg10 : memref<56x768xf32, #tpu.memory_space<vmem>>) target(%dma_start3A_366 : memref<56x768xf32, #tpu.memory_space<hbm>>) target_semaphore(%arg16 : memref<!tpu.dma_semaphore, #tpu.memory_space<semaphore_mem>>)
    %dma_wait3A_367 = arith.constant 0 : i32
    %dma_wait3A_368 = tpu.memref_slice %arg6[%add3A_362, %dma_wait3A_367] : memref<25088x768xf32, #tpu.memory_space<hbm>> -> memref<56x768xf32, #tpu.memory_space<hbm>>
    %dma_wait3A_369 = arith.constant 0 : i32
    %dma_wait3A_370 = tpu.memref_slice %arg6[%add3A_362, %dma_wait3A_369] : memref<25088x768xf32, #tpu.memory_space<hbm>> -> memref<56x768xf32, #tpu.memory_space<hbm>>
    tpu.wait_dma2 semaphore(%arg16 : memref<!tpu.dma_semaphore, #tpu.memory_space<semaphore_mem>>) src(%arg10 : memref<56x768xf32, #tpu.memory_space<vmem>>) dst(%dma_wait3A_370 : memref<56x768xf32, #tpu.memory_space<hbm>>)
    %dma_start3A_371 = arith.constant 336 : i32
    %dma_start3A_372 = tpu.memref_slice %arg7[%dma_start3A_371] : memref<784xi32, #tpu.memory_space<vmem>> -> memref<56xi32, #tpu.memory_space<vmem>>
    %dma_start3A_373 = arith.constant 0 : i32
    %dma_start3A_374 = arith.constant 0 : i32
    %dma_start3A_375 = tpu.memref_slice %arg3[%dma_start3A_373, %dma_start3A_374] : memref<50176x768xf32, #tpu.memory_space<hbm>> -> memref<50176x768xf32, #tpu.memory_space<hbm>>
    tpu.enqueue_indirect_dma source(%dma_start3A_375 : memref<50176x768xf32, #tpu.memory_space<hbm>>) target(%arg10 : memref<56x768xf32, #tpu.memory_space<vmem>>) offsets(%dma_start3A_372 : memref<56xi32, #tpu.memory_space<vmem>>) semaphore(%arg13 : memref<!tpu.dma_semaphore, #tpu.memory_space<semaphore_mem>>)
    %dma_wait3A_376 = arith.constant 224 : i32
    %dma_wait3A_377 = tpu.memref_slice %arg7[%dma_wait3A_376] : memref<784xi32, #tpu.memory_space<vmem>> -> memref<56xi32, #tpu.memory_space<vmem>>
    %dma_wait3A_378 = arith.constant 0 : i32
    %dma_wait3A_379 = arith.constant 0 : i32
    %dma_wait3A_380 = tpu.memref_slice %arg3[%dma_wait3A_378, %dma_wait3A_379] : memref<50176x768xf32, #tpu.memory_space<hbm>> -> memref<50176x768xf32, #tpu.memory_space<hbm>>
    tpu.wait_indirect_dma semaphore(%arg11 : memref<!tpu.dma_semaphore, #tpu.memory_space<semaphore_mem>>) src(%dma_wait3A_380 : memref<50176x768xf32, #tpu.memory_space<hbm>>) dst(%arg8 : memref<56x768xf32, #tpu.memory_space<vmem>>)
    %add3A_381 = arith.constant 224 : i32
    %add3A_382 = arith.addi %mul3A_2, %add3A_381 : i32
    %dma_start3A_383 = arith.constant 0 : i32
    %dma_start3A_384 = tpu.memref_slice %arg6[%add3A_382, %dma_start3A_383] : memref<25088x768xf32, #tpu.memory_space<hbm>> -> memref<56x768xf32, #tpu.memory_space<hbm>>
    %dma_start3A_385 = arith.constant 0 : i32
    %dma_start3A_386 = tpu.memref_slice %arg6[%add3A_382, %dma_start3A_385] : memref<25088x768xf32, #tpu.memory_space<hbm>> -> memref<56x768xf32, #tpu.memory_space<hbm>>
    tpu.enqueue_dma source(%arg8 : memref<56x768xf32, #tpu.memory_space<vmem>>) target(%dma_start3A_386 : memref<56x768xf32, #tpu.memory_space<hbm>>) target_semaphore(%arg14 : memref<!tpu.dma_semaphore, #tpu.memory_space<semaphore_mem>>)
    %dma_wait3A_387 = arith.constant 0 : i32
    %dma_wait3A_388 = tpu.memref_slice %arg6[%add3A_382, %dma_wait3A_387] : memref<25088x768xf32, #tpu.memory_space<hbm>> -> memref<56x768xf32, #tpu.memory_space<hbm>>
    %dma_wait3A_389 = arith.constant 0 : i32
    %dma_wait3A_390 = tpu.memref_slice %arg6[%add3A_382, %dma_wait3A_389] : memref<25088x768xf32, #tpu.memory_space<hbm>> -> memref<56x768xf32, #tpu.memory_space<hbm>>
    tpu.wait_dma2 semaphore(%arg14 : memref<!tpu.dma_semaphore, #tpu.memory_space<semaphore_mem>>) src(%arg8 : memref<56x768xf32, #tpu.memory_space<vmem>>) dst(%dma_wait3A_390 : memref<56x768xf32, #tpu.memory_space<hbm>>)
    %dma_start3A_391 = arith.constant 392 : i32
    %dma_start3A_392 = tpu.memref_slice %arg7[%dma_start3A_391] : memref<784xi32, #tpu.memory_space<vmem>> -> memref<56xi32, #tpu.memory_space<vmem>>
    %dma_start3A_393 = arith.constant 0 : i32
    %dma_start3A_394 = arith.constant 0 : i32
    %dma_start3A_395 = tpu.memref_slice %arg3[%dma_start3A_393, %dma_start3A_394] : memref<50176x768xf32, #tpu.memory_space<hbm>> -> memref<50176x768xf32, #tpu.memory_space<hbm>>
    tpu.enqueue_indirect_dma source(%dma_start3A_395 : memref<50176x768xf32, #tpu.memory_space<hbm>>) target(%arg8 : memref<56x768xf32, #tpu.memory_space<vmem>>) offsets(%dma_start3A_392 : memref<56xi32, #tpu.memory_space<vmem>>) semaphore(%arg11 : memref<!tpu.dma_semaphore, #tpu.memory_space<semaphore_mem>>)
    %dma_wait3A_396 = arith.constant 280 : i32
    %dma_wait3A_397 = tpu.memref_slice %arg7[%dma_wait3A_396] : memref<784xi32, #tpu.memory_space<vmem>> -> memref<56xi32, #tpu.memory_space<vmem>>
    %dma_wait3A_398 = arith.constant 0 : i32
    %dma_wait3A_399 = arith.constant 0 : i32
    %dma_wait3A_400 = tpu.memref_slice %arg3[%dma_wait3A_398, %dma_wait3A_399] : memref<50176x768xf32, #tpu.memory_space<hbm>> -> memref<50176x768xf32, #tpu.memory_space<hbm>>
    tpu.wait_indirect_dma semaphore(%arg12 : memref<!tpu.dma_semaphore, #tpu.memory_space<semaphore_mem>>) src(%dma_wait3A_400 : memref<50176x768xf32, #tpu.memory_space<hbm>>) dst(%arg9 : memref<56x768xf32, #tpu.memory_space<vmem>>)
    %add3A_401 = arith.constant 280 : i32
    %add3A_402 = arith.addi %mul3A_2, %add3A_401 : i32
    %dma_start3A_403 = arith.constant 0 : i32
    %dma_start3A_404 = tpu.memref_slice %arg6[%add3A_402, %dma_start3A_403] : memref<25088x768xf32, #tpu.memory_space<hbm>> -> memref<56x768xf32, #tpu.memory_space<hbm>>
    %dma_start3A_405 = arith.constant 0 : i32
    %dma_start3A_406 = tpu.memref_slice %arg6[%add3A_402, %dma_start3A_405] : memref<25088x768xf32, #tpu.memory_space<hbm>> -> memref<56x768xf32, #tpu.memory_space<hbm>>
    tpu.enqueue_dma source(%arg9 : memref<56x768xf32, #tpu.memory_space<vmem>>) target(%dma_start3A_406 : memref<56x768xf32, #tpu.memory_space<hbm>>) target_semaphore(%arg15 : memref<!tpu.dma_semaphore, #tpu.memory_space<semaphore_mem>>)
    %dma_wait3A_407 = arith.constant 0 : i32
    %dma_wait3A_408 = tpu.memref_slice %arg6[%add3A_402, %dma_wait3A_407] : memref<25088x768xf32, #tpu.memory_space<hbm>> -> memref<56x768xf32, #tpu.memory_space<hbm>>
    %dma_wait3A_409 = arith.constant 0 : i32
    %dma_wait3A_410 = tpu.memref_slice %arg6[%add3A_402, %dma_wait3A_409] : memref<25088x768xf32, #tpu.memory_space<hbm>> -> memref<56x768xf32, #tpu.memory_space<hbm>>
    tpu.wait_dma2 semaphore(%arg15 : memref<!tpu.dma_semaphore, #tpu.memory_space<semaphore_mem>>) src(%arg9 : memref<56x768xf32, #tpu.memory_space<vmem>>) dst(%dma_wait3A_410 : memref<56x768xf32, #tpu.memory_space<hbm>>)
    %dma_start3A_411 = arith.constant 448 : i32
    %dma_start3A_412 = tpu.memref_slice %arg7[%dma_start3A_411] : memref<784xi32, #tpu.memory_space<vmem>> -> memref<56xi32, #tpu.memory_space<vmem>>
    %dma_start3A_413 = arith.constant 0 : i32
    %dma_start3A_414 = arith.constant 0 : i32
    %dma_start3A_415 = tpu.memref_slice %arg3[%dma_start3A_413, %dma_start3A_414] : memref<50176x768xf32, #tpu.memory_space<hbm>> -> memref<50176x768xf32, #tpu.memory_space<hbm>>
    tpu.enqueue_indirect_dma source(%dma_start3A_415 : memref<50176x768xf32, #tpu.memory_space<hbm>>) target(%arg9 : memref<56x768xf32, #tpu.memory_space<vmem>>) offsets(%dma_start3A_412 : memref<56xi32, #tpu.memory_space<vmem>>) semaphore(%arg12 : memref<!tpu.dma_semaphore, #tpu.memory_space<semaphore_mem>>)
    %dma_wait3A_416 = arith.constant 336 : i32
    %dma_wait3A_417 = tpu.memref_slice %arg7[%dma_wait3A_416] : memref<784xi32, #tpu.memory_space<vmem>> -> memref<56xi32, #tpu.memory_space<vmem>>
    %dma_wait3A_418 = arith.constant 0 : i32
    %dma_wait3A_419 = arith.constant 0 : i32
    %dma_wait3A_420 = tpu.memref_slice %arg3[%dma_wait3A_418, %dma_wait3A_419] : memref<50176x768xf32, #tpu.memory_space<hbm>> -> memref<50176x768xf32, #tpu.memory_space<hbm>>
    tpu.wait_indirect_dma semaphore(%arg13 : memref<!tpu.dma_semaphore, #tpu.memory_space<semaphore_mem>>) src(%dma_wait3A_420 : memref<50176x768xf32, #tpu.memory_space<hbm>>) dst(%arg10 : memref<56x768xf32, #tpu.memory_space<vmem>>)
    %add3A_421 = arith.constant 336 : i32
    %add3A_422 = arith.addi %mul3A_2, %add3A_421 : i32
    %dma_start3A_423 = arith.constant 0 : i32
    %dma_start3A_424 = tpu.memref_slice %arg6[%add3A_422, %dma_start3A_423] : memref<25088x768xf32, #tpu.memory_space<hbm>> -> memref<56x768xf32, #tpu.memory_space<hbm>>
    %dma_start3A_425 = arith.constant 0 : i32
    %dma_start3A_426 = tpu.memref_slice %arg6[%add3A_422, %dma_start3A_425] : memref<25088x768xf32, #tpu.memory_space<hbm>> -> memref<56x768xf32, #tpu.memory_space<hbm>>
    tpu.enqueue_dma source(%arg10 : memref<56x768xf32, #tpu.memory_space<vmem>>) target(%dma_start3A_426 : memref<56x768xf32, #tpu.memory_space<hbm>>) target_semaphore(%arg16 : memref<!tpu.dma_semaphore, #tpu.memory_space<semaphore_mem>>)
    %dma_wait3A_427 = arith.constant 0 : i32
    %dma_wait3A_428 = tpu.memref_slice %arg6[%add3A_422, %dma_wait3A_427] : memref<25088x768xf32, #tpu.memory_space<hbm>> -> memref<56x768xf32, #tpu.memory_space<hbm>>
    %dma_wait3A_429 = arith.constant 0 : i32
    %dma_wait3A_430 = tpu.memref_slice %arg6[%add3A_422, %dma_wait3A_429] : memref<25088x768xf32, #tpu.memory_space<hbm>> -> memref<56x768xf32, #tpu.memory_space<hbm>>
    tpu.wait_dma2 semaphore(%arg16 : memref<!tpu.dma_semaphore, #tpu.memory_space<semaphore_mem>>) src(%arg10 : memref<56x768xf32, #tpu.memory_space<vmem>>) dst(%dma_wait3A_430 : memref<56x768xf32, #tpu.memory_space<hbm>>)
    %dma_start3A_431 = arith.constant 504 : i32
    %dma_start3A_432 = tpu.memref_slice %arg7[%dma_start3A_431] : memref<784xi32, #tpu.memory_space<vmem>> -> memref<56xi32, #tpu.memory_space<vmem>>
    %dma_start3A_433 = arith.constant 0 : i32
    %dma_start3A_434 = arith.constant 0 : i32
    %dma_start3A_435 = tpu.memref_slice %arg3[%dma_start3A_433, %dma_start3A_434] : memref<50176x768xf32, #tpu.memory_space<hbm>> -> memref<50176x768xf32, #tpu.memory_space<hbm>>
    tpu.enqueue_indirect_dma source(%dma_start3A_435 : memref<50176x768xf32, #tpu.memory_space<hbm>>) target(%arg10 : memref<56x768xf32, #tpu.memory_space<vmem>>) offsets(%dma_start3A_432 : memref<56xi32, #tpu.memory_space<vmem>>) semaphore(%arg13 : memref<!tpu.dma_semaphore, #tpu.memory_space<semaphore_mem>>)
    %dma_wait3A_436 = arith.constant 392 : i32
    %dma_wait3A_437 = tpu.memref_slice %arg7[%dma_wait3A_436] : memref<784xi32, #tpu.memory_space<vmem>> -> memref<56xi32, #tpu.memory_space<vmem>>
    %dma_wait3A_438 = arith.constant 0 : i32
    %dma_wait3A_439 = arith.constant 0 : i32
    %dma_wait3A_440 = tpu.memref_slice %arg3[%dma_wait3A_438, %dma_wait3A_439] : memref<50176x768xf32, #tpu.memory_space<hbm>> -> memref<50176x768xf32, #tpu.memory_space<hbm>>
    tpu.wait_indirect_dma semaphore(%arg11 : memref<!tpu.dma_semaphore, #tpu.memory_space<semaphore_mem>>) src(%dma_wait3A_440 : memref<50176x768xf32, #tpu.memory_space<hbm>>) dst(%arg8 : memref<56x768xf32, #tpu.memory_space<vmem>>)
    %add3A_441 = arith.constant 392 : i32
    %add3A_442 = arith.addi %mul3A_2, %add3A_441 : i32
    %dma_start3A_443 = arith.constant 0 : i32
    %dma_start3A_444 = tpu.memref_slice %arg6[%add3A_442, %dma_start3A_443] : memref<25088x768xf32, #tpu.memory_space<hbm>> -> memref<56x768xf32, #tpu.memory_space<hbm>>
    %dma_start3A_445 = arith.constant 0 : i32
    %dma_start3A_446 = tpu.memref_slice %arg6[%add3A_442, %dma_start3A_445] : memref<25088x768xf32, #tpu.memory_space<hbm>> -> memref<56x768xf32, #tpu.memory_space<hbm>>
    tpu.enqueue_dma source(%arg8 : memref<56x768xf32, #tpu.memory_space<vmem>>) target(%dma_start3A_446 : memref<56x768xf32, #tpu.memory_space<hbm>>) target_semaphore(%arg14 : memref<!tpu.dma_semaphore, #tpu.memory_space<semaphore_mem>>)
    %dma_wait3A_447 = arith.constant 0 : i32
    %dma_wait3A_448 = tpu.memref_slice %arg6[%add3A_442, %dma_wait3A_447] : memref<25088x768xf32, #tpu.memory_space<hbm>> -> memref<56x768xf32, #tpu.memory_space<hbm>>
    %dma_wait3A_449 = arith.constant 0 : i32
    %dma_wait3A_450 = tpu.memref_slice %arg6[%add3A_442, %dma_wait3A_449] : memref<25088x768xf32, #tpu.memory_space<hbm>> -> memref<56x768xf32, #tpu.memory_space<hbm>>
    tpu.wait_dma2 semaphore(%arg14 : memref<!tpu.dma_semaphore, #tpu.memory_space<semaphore_mem>>) src(%arg8 : memref<56x768xf32, #tpu.memory_space<vmem>>) dst(%dma_wait3A_450 : memref<56x768xf32, #tpu.memory_space<hbm>>)
    %dma_start3A_451 = arith.constant 560 : i32
    %dma_start3A_452 = tpu.memref_slice %arg7[%dma_start3A_451] : memref<784xi32, #tpu.memory_space<vmem>> -> memref<56xi32, #tpu.memory_space<vmem>>
    %dma_start3A_453 = arith.constant 0 : i32
    %dma_start3A_454 = arith.constant 0 : i32
    %dma_start3A_455 = tpu.memref_slice %arg3[%dma_start3A_453, %dma_start3A_454] : memref<50176x768xf32, #tpu.memory_space<hbm>> -> memref<50176x768xf32, #tpu.memory_space<hbm>>
    tpu.enqueue_indirect_dma source(%dma_start3A_455 : memref<50176x768xf32, #tpu.memory_space<hbm>>) target(%arg8 : memref<56x768xf32, #tpu.memory_space<vmem>>) offsets(%dma_start3A_452 : memref<56xi32, #tpu.memory_space<vmem>>) semaphore(%arg11 : memref<!tpu.dma_semaphore, #tpu.memory_space<semaphore_mem>>)
    %dma_wait3A_456 = arith.constant 448 : i32
    %dma_wait3A_457 = tpu.memref_slice %arg7[%dma_wait3A_456] : memref<784xi32, #tpu.memory_space<vmem>> -> memref<56xi32, #tpu.memory_space<vmem>>
    %dma_wait3A_458 = arith.constant 0 : i32
    %dma_wait3A_459 = arith.constant 0 : i32
    %dma_wait3A_460 = tpu.memref_slice %arg3[%dma_wait3A_458, %dma_wait3A_459] : memref<50176x768xf32, #tpu.memory_space<hbm>> -> memref<50176x768xf32, #tpu.memory_space<hbm>>
    tpu.wait_indirect_dma semaphore(%arg12 : memref<!tpu.dma_semaphore, #tpu.memory_space<semaphore_mem>>) src(%dma_wait3A_460 : memref<50176x768xf32, #tpu.memory_space<hbm>>) dst(%arg9 : memref<56x768xf32, #tpu.memory_space<vmem>>)
    %add3A_461 = arith.constant 448 : i32
    %add3A_462 = arith.addi %mul3A_2, %add3A_461 : i32
    %dma_start3A_463 = arith.constant 0 : i32
    %dma_start3A_464 = tpu.memref_slice %arg6[%add3A_462, %dma_start3A_463] : memref<25088x768xf32, #tpu.memory_space<hbm>> -> memref<56x768xf32, #tpu.memory_space<hbm>>
    %dma_start3A_465 = arith.constant 0 : i32
    %dma_start3A_466 = tpu.memref_slice %arg6[%add3A_462, %dma_start3A_465] : memref<25088x768xf32, #tpu.memory_space<hbm>> -> memref<56x768xf32, #tpu.memory_space<hbm>>
    tpu.enqueue_dma source(%arg9 : memref<56x768xf32, #tpu.memory_space<vmem>>) target(%dma_start3A_466 : memref<56x768xf32, #tpu.memory_space<hbm>>) target_semaphore(%arg15 : memref<!tpu.dma_semaphore, #tpu.memory_space<semaphore_mem>>)
    %dma_wait3A_467 = arith.constant 0 : i32
    %dma_wait3A_468 = tpu.memref_slice %arg6[%add3A_462, %dma_wait3A_467] : memref<25088x768xf32, #tpu.memory_space<hbm>> -> memref<56x768xf32, #tpu.memory_space<hbm>>
    %dma_wait3A_469 = arith.constant 0 : i32
    %dma_wait3A_470 = tpu.memref_slice %arg6[%add3A_462, %dma_wait3A_469] : memref<25088x768xf32, #tpu.memory_space<hbm>> -> memref<56x768xf32, #tpu.memory_space<hbm>>
    tpu.wait_dma2 semaphore(%arg15 : memref<!tpu.dma_semaphore, #tpu.memory_space<semaphore_mem>>) src(%arg9 : memref<56x768xf32, #tpu.memory_space<vmem>>) dst(%dma_wait3A_470 : memref<56x768xf32, #tpu.memory_space<hbm>>)
    %dma_start3A_471 = arith.constant 616 : i32
    %dma_start3A_472 = tpu.memref_slice %arg7[%dma_start3A_471] : memref<784xi32, #tpu.memory_space<vmem>> -> memref<56xi32, #tpu.memory_space<vmem>>
    %dma_start3A_473 = arith.constant 0 : i32
    %dma_start3A_474 = arith.constant 0 : i32
    %dma_start3A_475 = tpu.memref_slice %arg3[%dma_start3A_473, %dma_start3A_474] : memref<50176x768xf32, #tpu.memory_space<hbm>> -> memref<50176x768xf32, #tpu.memory_space<hbm>>
    tpu.enqueue_indirect_dma source(%dma_start3A_475 : memref<50176x768xf32, #tpu.memory_space<hbm>>) target(%arg9 : memref<56x768xf32, #tpu.memory_space<vmem>>) offsets(%dma_start3A_472 : memref<56xi32, #tpu.memory_space<vmem>>) semaphore(%arg12 : memref<!tpu.dma_semaphore, #tpu.memory_space<semaphore_mem>>)
    %dma_wait3A_476 = arith.constant 504 : i32
    %dma_wait3A_477 = tpu.memref_slice %arg7[%dma_wait3A_476] : memref<784xi32, #tpu.memory_space<vmem>> -> memref<56xi32, #tpu.memory_space<vmem>>
    %dma_wait3A_478 = arith.constant 0 : i32
    %dma_wait3A_479 = arith.constant 0 : i32
    %dma_wait3A_480 = tpu.memref_slice %arg3[%dma_wait3A_478, %dma_wait3A_479] : memref<50176x768xf32, #tpu.memory_space<hbm>> -> memref<50176x768xf32, #tpu.memory_space<hbm>>
    tpu.wait_indirect_dma semaphore(%arg13 : memref<!tpu.dma_semaphore, #tpu.memory_space<semaphore_mem>>) src(%dma_wait3A_480 : memref<50176x768xf32, #tpu.memory_space<hbm>>) dst(%arg10 : memref<56x768xf32, #tpu.memory_space<vmem>>)
    %add3A_481 = arith.constant 504 : i32
    %add3A_482 = arith.addi %mul3A_2, %add3A_481 : i32
    %dma_start3A_483 = arith.constant 0 : i32
    %dma_start3A_484 = tpu.memref_slice %arg6[%add3A_482, %dma_start3A_483] : memref<25088x768xf32, #tpu.memory_space<hbm>> -> memref<56x768xf32, #tpu.memory_space<hbm>>
    %dma_start3A_485 = arith.constant 0 : i32
    %dma_start3A_486 = tpu.memref_slice %arg6[%add3A_482, %dma_start3A_485] : memref<25088x768xf32, #tpu.memory_space<hbm>> -> memref<56x768xf32, #tpu.memory_space<hbm>>
    tpu.enqueue_dma source(%arg10 : memref<56x768xf32, #tpu.memory_space<vmem>>) target(%dma_start3A_486 : memref<56x768xf32, #tpu.memory_space<hbm>>) target_semaphore(%arg16 : memref<!tpu.dma_semaphore, #tpu.memory_space<semaphore_mem>>)
    %dma_wait3A_487 = arith.constant 0 : i32
    %dma_wait3A_488 = tpu.memref_slice %arg6[%add3A_482, %dma_wait3A_487] : memref<25088x768xf32, #tpu.memory_space<hbm>> -> memref<56x768xf32, #tpu.memory_space<hbm>>
    %dma_wait3A_489 = arith.constant 0 : i32
    %dma_wait3A_490 = tpu.memref_slice %arg6[%add3A_482, %dma_wait3A_489] : memref<25088x768xf32, #tpu.memory_space<hbm>> -> memref<56x768xf32, #tpu.memory_space<hbm>>
    tpu.wait_dma2 semaphore(%arg16 : memref<!tpu.dma_semaphore, #tpu.memory_space<semaphore_mem>>) src(%arg10 : memref<56x768xf32, #tpu.memory_space<vmem>>) dst(%dma_wait3A_490 : memref<56x768xf32, #tpu.memory_space<hbm>>)
    %dma_start3A_491 = arith.constant 672 : i32
    %dma_start3A_492 = tpu.memref_slice %arg7[%dma_start3A_491] : memref<784xi32, #tpu.memory_space<vmem>> -> memref<56xi32, #tpu.memory_space<vmem>>
    %dma_start3A_493 = arith.constant 0 : i32
    %dma_start3A_494 = arith.constant 0 : i32
    %dma_start3A_495 = tpu.memref_slice %arg3[%dma_start3A_493, %dma_start3A_494] : memref<50176x768xf32, #tpu.memory_space<hbm>> -> memref<50176x768xf32, #tpu.memory_space<hbm>>
    tpu.enqueue_indirect_dma source(%dma_start3A_495 : memref<50176x768xf32, #tpu.memory_space<hbm>>) target(%arg10 : memref<56x768xf32, #tpu.memory_space<vmem>>) offsets(%dma_start3A_492 : memref<56xi32, #tpu.memory_space<vmem>>) semaphore(%arg13 : memref<!tpu.dma_semaphore, #tpu.memory_space<semaphore_mem>>)
    %dma_wait3A_496 = arith.constant 560 : i32
    %dma_wait3A_497 = tpu.memref_slice %arg7[%dma_wait3A_496] : memref<784xi32, #tpu.memory_space<vmem>> -> memref<56xi32, #tpu.memory_space<vmem>>
    %dma_wait3A_498 = arith.constant 0 : i32
    %dma_wait3A_499 = arith.constant 0 : i32
    %dma_wait3A_500 = tpu.memref_slice %arg3[%dma_wait3A_498, %dma_wait3A_499] : memref<50176x768xf32, #tpu.memory_space<hbm>> -> memref<50176x768xf32, #tpu.memory_space<hbm>>
    tpu.wait_indirect_dma semaphore(%arg11 : memref<!tpu.dma_semaphore, #tpu.memory_space<semaphore_mem>>) src(%dma_wait3A_500 : memref<50176x768xf32, #tpu.memory_space<hbm>>) dst(%arg8 : memref<56x768xf32, #tpu.memory_space<vmem>>)
    %add3A_501 = arith.constant 560 : i32
    %add3A_502 = arith.addi %mul3A_2, %add3A_501 : i32
    %dma_start3A_503 = arith.constant 0 : i32
    %dma_start3A_504 = tpu.memref_slice %arg6[%add3A_502, %dma_start3A_503] : memref<25088x768xf32, #tpu.memory_space<hbm>> -> memref<56x768xf32, #tpu.memory_space<hbm>>
    %dma_start3A_505 = arith.constant 0 : i32
    %dma_start3A_506 = tpu.memref_slice %arg6[%add3A_502, %dma_start3A_505] : memref<25088x768xf32, #tpu.memory_space<hbm>> -> memref<56x768xf32, #tpu.memory_space<hbm>>
    tpu.enqueue_dma source(%arg8 : memref<56x768xf32, #tpu.memory_space<vmem>>) target(%dma_start3A_506 : memref<56x768xf32, #tpu.memory_space<hbm>>) target_semaphore(%arg14 : memref<!tpu.dma_semaphore, #tpu.memory_space<semaphore_mem>>)
    %dma_wait3A_507 = arith.constant 0 : i32
    %dma_wait3A_508 = tpu.memref_slice %arg6[%add3A_502, %dma_wait3A_507] : memref<25088x768xf32, #tpu.memory_space<hbm>> -> memref<56x768xf32, #tpu.memory_space<hbm>>
    %dma_wait3A_509 = arith.constant 0 : i32
    %dma_wait3A_510 = tpu.memref_slice %arg6[%add3A_502, %dma_wait3A_509] : memref<25088x768xf32, #tpu.memory_space<hbm>> -> memref<56x768xf32, #tpu.memory_space<hbm>>
    tpu.wait_dma2 semaphore(%arg14 : memref<!tpu.dma_semaphore, #tpu.memory_space<semaphore_mem>>) src(%arg8 : memref<56x768xf32, #tpu.memory_space<vmem>>) dst(%dma_wait3A_510 : memref<56x768xf32, #tpu.memory_space<hbm>>)
    %dma_start3A_511 = arith.constant 728 : i32
    %dma_start3A_512 = tpu.memref_slice %arg7[%dma_start3A_511] : memref<784xi32, #tpu.memory_space<vmem>> -> memref<56xi32, #tpu.memory_space<vmem>>
    %dma_start3A_513 = arith.constant 0 : i32
    %dma_start3A_514 = arith.constant 0 : i32
    %dma_start3A_515 = tpu.memref_slice %arg3[%dma_start3A_513, %dma_start3A_514] : memref<50176x768xf32, #tpu.memory_space<hbm>> -> memref<50176x768xf32, #tpu.memory_space<hbm>>
    tpu.enqueue_indirect_dma source(%dma_start3A_515 : memref<50176x768xf32, #tpu.memory_space<hbm>>) target(%arg8 : memref<56x768xf32, #tpu.memory_space<vmem>>) offsets(%dma_start3A_512 : memref<56xi32, #tpu.memory_space<vmem>>) semaphore(%arg11 : memref<!tpu.dma_semaphore, #tpu.memory_space<semaphore_mem>>)
    %dma_wait3A_516 = arith.constant 616 : i32
    %dma_wait3A_517 = tpu.memref_slice %arg7[%dma_wait3A_516] : memref<784xi32, #tpu.memory_space<vmem>> -> memref<56xi32, #tpu.memory_space<vmem>>
    %dma_wait3A_518 = arith.constant 0 : i32
    %dma_wait3A_519 = arith.constant 0 : i32
    %dma_wait3A_520 = tpu.memref_slice %arg3[%dma_wait3A_518, %dma_wait3A_519] : memref<50176x768xf32, #tpu.memory_space<hbm>> -> memref<50176x768xf32, #tpu.memory_space<hbm>>
    tpu.wait_indirect_dma semaphore(%arg12 : memref<!tpu.dma_semaphore, #tpu.memory_space<semaphore_mem>>) src(%dma_wait3A_520 : memref<50176x768xf32, #tpu.memory_space<hbm>>) dst(%arg9 : memref<56x768xf32, #tpu.memory_space<vmem>>)
    %add3A_521 = arith.constant 616 : i32
    %add3A_522 = arith.addi %mul3A_2, %add3A_521 : i32
    %dma_start3A_523 = arith.constant 0 : i32
    %dma_start3A_524 = tpu.memref_slice %arg6[%add3A_522, %dma_start3A_523] : memref<25088x768xf32, #tpu.memory_space<hbm>> -> memref<56x768xf32, #tpu.memory_space<hbm>>
    %dma_start3A_525 = arith.constant 0 : i32
    %dma_start3A_526 = tpu.memref_slice %arg6[%add3A_522, %dma_start3A_525] : memref<25088x768xf32, #tpu.memory_space<hbm>> -> memref<56x768xf32, #tpu.memory_space<hbm>>
    tpu.enqueue_dma source(%arg9 : memref<56x768xf32, #tpu.memory_space<vmem>>) target(%dma_start3A_526 : memref<56x768xf32, #tpu.memory_space<hbm>>) target_semaphore(%arg15 : memref<!tpu.dma_semaphore, #tpu.memory_space<semaphore_mem>>)
    %dma_wait3A_527 = arith.constant 672 : i32
    %dma_wait3A_528 = tpu.memref_slice %arg7[%dma_wait3A_527] : memref<784xi32, #tpu.memory_space<vmem>> -> memref<56xi32, #tpu.memory_space<vmem>>
    %dma_wait3A_529 = arith.constant 0 : i32
    %dma_wait3A_530 = arith.constant 0 : i32
    %dma_wait3A_531 = tpu.memref_slice %arg3[%dma_wait3A_529, %dma_wait3A_530] : memref<50176x768xf32, #tpu.memory_space<hbm>> -> memref<50176x768xf32, #tpu.memory_space<hbm>>
    tpu.wait_indirect_dma semaphore(%arg13 : memref<!tpu.dma_semaphore, #tpu.memory_space<semaphore_mem>>) src(%dma_wait3A_531 : memref<50176x768xf32, #tpu.memory_space<hbm>>) dst(%arg10 : memref<56x768xf32, #tpu.memory_space<vmem>>)
    %add3A_532 = arith.constant 672 : i32
    %add3A_533 = arith.addi %mul3A_2, %add3A_532 : i32
    %dma_start3A_534 = arith.constant 0 : i32
    %dma_start3A_535 = tpu.memref_slice %arg6[%add3A_533, %dma_start3A_534] : memref<25088x768xf32, #tpu.memory_space<hbm>> -> memref<56x768xf32, #tpu.memory_space<hbm>>
    %dma_start3A_536 = arith.constant 0 : i32
    %dma_start3A_537 = tpu.memref_slice %arg6[%add3A_533, %dma_start3A_536] : memref<25088x768xf32, #tpu.memory_space<hbm>> -> memref<56x768xf32, #tpu.memory_space<hbm>>
    tpu.enqueue_dma source(%arg10 : memref<56x768xf32, #tpu.memory_space<vmem>>) target(%dma_start3A_537 : memref<56x768xf32, #tpu.memory_space<hbm>>) target_semaphore(%arg16 : memref<!tpu.dma_semaphore, #tpu.memory_space<semaphore_mem>>)
    %dma_wait3A_538 = arith.constant 728 : i32
    %dma_wait3A_539 = tpu.memref_slice %arg7[%dma_wait3A_538] : memref<784xi32, #tpu.memory_space<vmem>> -> memref<56xi32, #tpu.memory_space<vmem>>
    %dma_wait3A_540 = arith.constant 0 : i32
    %dma_wait3A_541 = arith.constant 0 : i32
    %dma_wait3A_542 = tpu.memref_slice %arg3[%dma_wait3A_540, %dma_wait3A_541] : memref<50176x768xf32, #tpu.memory_space<hbm>> -> memref<50176x768xf32, #tpu.memory_space<hbm>>
    tpu.wait_indirect_dma semaphore(%arg11 : memref<!tpu.dma_semaphore, #tpu.memory_space<semaphore_mem>>) src(%dma_wait3A_542 : memref<50176x768xf32, #tpu.memory_space<hbm>>) dst(%arg8 : memref<56x768xf32, #tpu.memory_space<vmem>>)
    %add3A_543 = arith.constant 728 : i32
    %add3A_544 = arith.addi %mul3A_2, %add3A_543 : i32
    %dma_start3A_545 = arith.constant 0 : i32
    %dma_start3A_546 = tpu.memref_slice %arg6[%add3A_544, %dma_start3A_545] : memref<25088x768xf32, #tpu.memory_space<hbm>> -> memref<56x768xf32, #tpu.memory_space<hbm>>
    %dma_start3A_547 = arith.constant 0 : i32
    %dma_start3A_548 = tpu.memref_slice %arg6[%add3A_544, %dma_start3A_547] : memref<25088x768xf32, #tpu.memory_space<hbm>> -> memref<56x768xf32, #tpu.memory_space<hbm>>
    tpu.enqueue_dma source(%arg8 : memref<56x768xf32, #tpu.memory_space<vmem>>) target(%dma_start3A_548 : memref<56x768xf32, #tpu.memory_space<hbm>>) target_semaphore(%arg14 : memref<!tpu.dma_semaphore, #tpu.memory_space<semaphore_mem>>)
    %dma_wait3A_549 = arith.constant 0 : i32
    %dma_wait3A_550 = tpu.memref_slice %arg6[%add3A_533, %dma_wait3A_549] : memref<25088x768xf32, #tpu.memory_space<hbm>> -> memref<56x768xf32, #tpu.memory_space<hbm>>
    %dma_wait3A_551 = arith.constant 0 : i32
    %dma_wait3A_552 = tpu.memref_slice %arg6[%add3A_533, %dma_wait3A_551] : memref<25088x768xf32, #tpu.memory_space<hbm>> -> memref<56x768xf32, #tpu.memory_space<hbm>>
    tpu.wait_dma2 semaphore(%arg16 : memref<!tpu.dma_semaphore, #tpu.memory_space<semaphore_mem>>) src(%arg10 : memref<56x768xf32, #tpu.memory_space<vmem>>) dst(%dma_wait3A_552 : memref<56x768xf32, #tpu.memory_space<hbm>>)
    %dma_wait3A_553 = arith.constant 0 : i32
    %dma_wait3A_554 = tpu.memref_slice %arg6[%add3A_544, %dma_wait3A_553] : memref<25088x768xf32, #tpu.memory_space<hbm>> -> memref<56x768xf32, #tpu.memory_space<hbm>>
    %dma_wait3A_555 = arith.constant 0 : i32
    %dma_wait3A_556 = tpu.memref_slice %arg6[%add3A_544, %dma_wait3A_555] : memref<25088x768xf32, #tpu.memory_space<hbm>> -> memref<56x768xf32, #tpu.memory_space<hbm>>
    tpu.wait_dma2 semaphore(%arg14 : memref<!tpu.dma_semaphore, #tpu.memory_space<semaphore_mem>>) src(%arg8 : memref<56x768xf32, #tpu.memory_space<vmem>>) dst(%dma_wait3A_556 : memref<56x768xf32, #tpu.memory_space<hbm>>)
    return
  }
}

module attributes {stable_mosaic.version = 14 : i64} {
  func.func @_saliency_rank_body(%arg0: memref<16x32x25x3xf32, #tpu.memory_space<vmem>>, %arg1: memref<16x1568xi32, #tpu.memory_space<vmem>>, %arg2: memref<16x1568xi32, #tpu.memory_space<vmem>>) attributes {dimension_semantics = [], scalar_prefetch = 0 : i64, scratch_operands = 0 : i64, tpu.core_type = #tpu.core_type<tc>} {
    %get3A = arith.constant 0 : index
    %get3A_0 = arith.constant 0 : index
    %get3A_1 = arith.constant 0 : index
    %get3A_2 = arith.constant 0 : index
    %get3A_3 = vector.load %arg0[%get3A, %get3A_0, %get3A_1, %get3A_2] : memref<16x32x25x3xf32, #tpu.memory_space<vmem>>, vector<16x32x25x3xf32>
    %slice3A = vector.extract_strided_slice %get3A_3 {offsets = [0, 1, 0, 0], sizes = [16, 31, 25, 3], strides = [1, 1, 1, 1]} : vector<16x32x25x3xf32> to vector<16x31x25x3xf32>
    %slice3A_4 = vector.extract_strided_slice %get3A_3 {offsets = [0, 0, 0, 0], sizes = [16, 31, 25, 3], strides = [1, 1, 1, 1]} : vector<16x32x25x3xf32> to vector<16x31x25x3xf32>
    %sub3A = arith.subf %slice3A, %slice3A_4 : vector<16x31x25x3xf32>
    %mul3A = arith.mulf %sub3A, %sub3A : vector<16x31x25x3xf32>
    %reduce_sum3A = arith.constant dense<0.000000e+00> : vector<16x31x25xf32>
    %reduce_sum3A_5 = vector.multi_reduction <add>, %mul3A, %reduce_sum3A [3] : vector<16x31x25x3xf32> to vector<16x31x25xf32>
    %sqrt3A = math.sqrt %reduce_sum3A_5 : vector<16x31x25xf32>
    %reduce_sum3A_6 = arith.constant dense<0.000000e+00> : vector<16x31xf32>
    %reduce_sum3A_7 = vector.multi_reduction <add>, %sqrt3A, %reduce_sum3A_6 [2] : vector<16x31x25xf32> to vector<16x31xf32>
    %div3A = arith.constant 2.500000e+01 : f32
    %div3A_8 = vector.broadcast %div3A : f32 to vector<16x31xf32>
    %div3A_9 = arith.divf %reduce_sum3A_7, %div3A_8 : vector<16x31xf32>
    %slice3A_10 = vector.extract_strided_slice %div3A_9 {offsets = [0, 0], sizes = [16, 1], strides = [1, 1]} : vector<16x31xf32> to vector<16x1xf32>
    %concatenate3A = tpu.concatenate %slice3A_10, %div3A_9 in 1 : vector<16x1xf32>, vector<16x31xf32> -> vector<16x32xf32>
    %reduce_max3A = arith.constant dense<0xFF800000> : vector<16xf32>
    %reduce_max3A_11 = vector.multi_reduction <maximumf>, %concatenate3A, %reduce_max3A [1] : vector<16x32xf32> to vector<16xf32>
    %broadcast_in_dim3A = vector.shape_cast %reduce_max3A_11 : vector<16xf32> to vector<16x1xf32>
    %add3A = arith.constant 9.99999997E-7 : f32
    %add3A_12 = vector.broadcast %add3A : f32 to vector<16x1xf32>
    %add3A_13 = arith.addf %broadcast_in_dim3A, %add3A_12 : vector<16x1xf32>
    %div3A_14 = vector.broadcast %add3A_13 : vector<16x1xf32> to vector<16x32xf32>
    %div3A_15 = arith.divf %concatenate3A, %div3A_14 : vector<16x32xf32>
    %reshape3A = vector.shape_cast %div3A_15 : vector<16x32xf32> to vector<16x16x2xf32>
    %reduce_sum3A_16 = arith.constant dense<0.000000e+00> : vector<16x16xf32>
    %reduce_sum3A_17 = vector.multi_reduction <add>, %reshape3A, %reduce_sum3A_16 [2] : vector<16x16x2xf32> to vector<16x16xf32>
    %div3A_18 = arith.constant 2.000000e+00 : f32
    %div3A_19 = vector.broadcast %div3A_18 : f32 to vector<16x16xf32>
    %div3A_20 = arith.divf %reduce_sum3A_17, %div3A_19 : vector<16x16xf32>
    %broadcast_in_dim3A_21 = vector.shape_cast %div3A_20 : vector<16x16xf32> to vector<16x1x16xf32>
    %broadcast_in_dim3A_22 = vector.shape_cast %div3A_20 : vector<16x16xf32> to vector<16x16x1xf32>
    %iota3A = tpu.iota {dimensions = array<i32: 2>} : vector<16x16x16xi32>
    %iota3A_23 = tpu.iota {dimensions = array<i32: 1>} : vector<16x16x16xi32>
    %gt3A = vector.broadcast %broadcast_in_dim3A_21 : vector<16x1x16xf32> to vector<16x16x16xf32>
    %gt3A_24 = vector.broadcast %broadcast_in_dim3A_22 : vector<16x16x1xf32> to vector<16x16x16xf32>
    %gt3A_25 = arith.cmpf ogt, %gt3A, %gt3A_24 : vector<16x16x16xf32>
    %eq3A = vector.broadcast %broadcast_in_dim3A_21 : vector<16x1x16xf32> to vector<16x16x16xf32>
    %eq3A_26 = vector.broadcast %broadcast_in_dim3A_22 : vector<16x16x1xf32> to vector<16x16x16xf32>
    %eq3A_27 = arith.cmpf oeq, %eq3A, %eq3A_26 : vector<16x16x16xf32>
    %lt3A = arith.cmpi slt, %iota3A, %iota3A_23 : vector<16x16x16xi32>
    %and3A = arith.andi %eq3A_27, %lt3A : vector<16x16x16xi1>
    %or3A = arith.ori %gt3A_25, %and3A : vector<16x16x16xi1>
    %convert_element_type3A = arith.extui %or3A : vector<16x16x16xi1> to vector<16x16x16xi32>
    %reduce_sum3A_28 = arith.constant dense<0> : vector<16x16xi32>
    %reduce_sum3A_29 = vector.multi_reduction <add>, %convert_element_type3A, %reduce_sum3A_28 [2] : vector<16x16x16xi32> to vector<16x16xi32>
    %iota3A_30 = tpu.iota {dimensions = array<i32: 2>} : vector<16x16x8xi32>
    %iota3A_31 = tpu.iota {dimensions = array<i32: 1>} : vector<16x16x8xi32>
    %broadcast_in_dim3A_32 = vector.shape_cast %reduce_sum3A_29 : vector<16x16xi32> to vector<16x16x1xi32>
    %eq3A_33 = vector.broadcast %broadcast_in_dim3A_32 : vector<16x16x1xi32> to vector<16x16x8xi32>
    %eq3A_34 = arith.cmpi eq, %eq3A_33, %iota3A_30 : vector<16x16x8xi32>
    %jit3A = arith.constant 0 : i32
    %broadcast_in_dim3A_35 = vector.broadcast %jit3A : i32 to vector<16x16x8xi32>
    %select_n3A = arith.select %eq3A_34, %iota3A_31, %broadcast_in_dim3A_35 : vector<16x16x8xi1>, vector<16x16x8xi32>
    %reduce_sum3A_36 = arith.constant dense<0> : vector<16x8xi32>
    %reduce_sum3A_37 = vector.multi_reduction <add>, %select_n3A, %reduce_sum3A_36 [1] : vector<16x16x8xi32> to vector<16x8xi32>
    %iota3A_38 = tpu.iota {dimensions = array<i32: 2>} : vector<16x8x196xi32>
    %broadcast_in_dim3A_39 = vector.shape_cast %reduce_sum3A_37 : vector<16x8xi32> to vector<16x8x1xi32>
    %mul3A_40 = arith.constant 196 : i32
    %mul3A_41 = vector.broadcast %mul3A_40 : i32 to vector<16x8x1xi32>
    %mul3A_42 = arith.muli %broadcast_in_dim3A_39, %mul3A_41 : vector<16x8x1xi32>
    %add3A_43 = vector.broadcast %mul3A_42 : vector<16x8x1xi32> to vector<16x8x196xi32>
    %add3A_44 = arith.addi %add3A_43, %iota3A_38 : vector<16x8x196xi32>
    %reshape3A_45 = vector.shape_cast %add3A_44 : vector<16x8x196xi32> to vector<16x1568xi32>
    %swap3A = arith.constant 0 : index
    %swap3A_46 = arith.constant 0 : index
    %swap3A_47 = vector.load %arg1[%swap3A, %swap3A_46] : memref<16x1568xi32, #tpu.memory_space<vmem>>, vector<16x1568xi32>
    tpu.vector_store %arg1[%swap3A, %swap3A_46], %reshape3A_45 {strides = array<i32>} : memref<16x1568xi32, #tpu.memory_space<vmem>>, vector<16x1568xi32>,
    %iota3A_48 = tpu.iota {dimensions = array<i32: 0>} : vector<16x1568xi32>
    %mul3A_49 = arith.constant 3136 : i32
    %mul3A_50 = vector.broadcast %mul3A_49 : i32 to vector<16x1568xi32>
    %mul3A_51 = arith.muli %iota3A_48, %mul3A_50 : vector<16x1568xi32>
    %add3A_52 = arith.addi %reshape3A_45, %mul3A_51 : vector<16x1568xi32>
    %swap3A_53 = arith.constant 0 : index
    %swap3A_54 = arith.constant 0 : index
    %swap3A_55 = vector.load %arg2[%swap3A_53, %swap3A_54] : memref<16x1568xi32, #tpu.memory_space<vmem>>, vector<16x1568xi32>
    tpu.vector_store %arg2[%swap3A_53, %swap3A_54], %add3A_52 {strides = array<i32>} : memref<16x1568xi32, #tpu.memory_space<vmem>>, vector<16x1568xi32>,
    return
  }
}

</mosaic_0001>

<sc_bundles>
// kernel: kernel.4.cloned.1.call-start
scs
__scs_entry_jumppad:
0x0: {  	(pc) =	sbr.rel $0x88, $3  }
0x1: {  	(tag) =	ssettag $0x0;
	lr =	simm.s32 $0x1  }
0x2: {  	[smem:$0x3F9E] =	sst lr;
	_ =	strace $0xD0000000  }
0x3: {  	_ = 	snop  }
0x4: {  	_ = 	snop  }
0x5: {  	_ = 	snop  }
0x6: {  	_ = 	snop  }
0x7: {  	_ = 	snop  }
__scs_overlays_trampoline_lowered:
0x8: {  	[smem:$0x3FAD] =	sst s0  }
0x9: {  	[smem:$0x3FAE] =	sst s1  }
0xa: {  	[smem:$0x3FAF] =	sst s2  }
0xb: {  	[smem:$0x3FB0] =	sst s3  }
0xc: {  	[smem:$0x3FB1] =	sst s4  }
0xd: {  	[smem:$0x3FB2] =	sst s5  }
0xe: {  	[smem:$0x3FB3] =	sst s6  }
0xf: {  	[smem:$0x3FB4] =	sst s7  }
0x10: {  	[smem:$0x3FB5] =	sst s8  }
0x11: {  	[smem:$0x3FB6] =	sst s9;
	s0 =	simm.s32 @!p0 $0x0  }
0x12: {  	s1 =	sld [smem:$0x3F9C];
	s0 =	simm.s32 @p0 $0x1  }
0x13: {  	[smem:$0x3FB7] =	sst s0;
	s0 =	simm.s32 @!p1 $0x0  }
0x14: {  	s2 =	sld [smem:$0x3F9B];
	s0 =	simm.s32 @p1 $0x1  }
0x15: {  	[smem:$0x3FB8] =	sst s0;
	s0 =	simm.s32 @!p2 $0x0  }
0x16: {  	s3 =	sld [smem:$0x3FDB];
	s0 =	simm.s32 @p2 $0x1  }
0x17: {  	s4 =	simm.s32 $0x1BF5;
	[smem:$0x3FBA] =	sst s0  }
0x18: {  	s0 =	sld [smem:$0x3F9D];
	_ =	swait.ge [sflag:s4], $0x0  }
0x19: {  	s7 =	sld [smem:$0x3F9E]  }
0x1a: {  	s8 =	sadd.s32 $0xFFFFE003, lr  }
0x1b: {  	s9 =	sadd.s32 $0xFFFFFEF7, lr;
	s5 =	simm.s32 $0xFFFFFFFF;
	p2 =	slt.u32 s8, $0xFFFFF086  }
0x1c: {  	p1 =	slt.u32 s9, $0xF7A;
	s5 =	simm.s32 @!p2 $0x0  }
0x1d: {  	s5 =	simm.s32 @p1 $0x1;
	p0 =	seq.s32 s7, s2  }
0x1e: {  	s7 =	smul.u32 @!p0 $0xF7A, s2;
	p2 =	seq.s32 @!p0 s5, $0x0  }
0x1f: {  	s9 =	smul.u32 $0xF7A, s1;
	s8 =	simm.s32 @!p0 $0x1BF5;
	p2 =	por !p2, p0  }
0x20: {  	[sflag:s8] =	ssyncset.s32 @!p0 $0xFFFFF086;
	s6 =	sadd.s32 @!p0 s3, s7;
	s7 =	simm.s32 @!p0 $0x108  }
0x21: {  	s3 =	sadd.s32 s3, s9;
	s6 =	sadd.s32 @!p0 $0x88, s6;
	s7 =	simm.s32 @p2 $0x1082  }
0x22: {  	[simem:s7], [sflag:s8] =	dma.local @!p0 [hbm:s6], $0xF7A  }
0x23: {  	s9 =	sor.u32 $0xD0000000, s2;
	s6 =	simm.s32 $0x108;
	_ =	swait.ge @!p0 [sflag:s8], $0x0  }
0x24: {  	s3 =	sadd.s32 $0x88, s3;
	s6 =	simm.s32 @!p1 $0x1082;
	[sflag:s4] =	ssyncset.s32 $0xFFFFF086  }
0x25: {  	[simem:s6], [sflag:s4] =	dma.local [hbm:s3], $0xF7A  }
0x26: {  	[smem:$0x3F9E] =	sst s1;
	(tag) =	ssettag s2;
	_ =	strace s9  }
0x27: {  	s1 =	sld [smem:$0x3FAE]  }
0x28: {  	s2 =	sld [smem:$0x3FAF]  }
0x29: {  	s4 =	sld [smem:$0x3FB1]  }
0x2a: {  	p0 =	seq.s32 s5, $0x0;
	s5 =	sld [smem:$0x3FB2]  }
0x2b: {  	s6 =	sld [smem:$0x3FB3]  }
0x2c: {  	s7 =	sld [smem:$0x3FB4]  }
0x2d: {  	s3 =	simm.s32 $0x108;
	s8 =	sld [smem:$0x3FB5]  }
0x2e: {  	s3 =	simm.s32 @!p0 $0x1082;
	s9 =	sld [smem:$0x3FB6]  }
0x2f: {  	lr =	sadd.s32 s0, s3;
	s0 =	sld [smem:$0x3FAD]  }
0x30: {  	s3 =	sld [smem:$0x3FB0]  }
0x31: {  	[smem:$0x3FB9] =	sst s10  }
0x32: {  	s10 =	sld [smem:$0x3FB7];
	_ =	sdelay $0x3  }
0x33: {  	p0 =	seq.s32 s10, $0x1;
	s10 =	sld [smem:$0x3FB9];
	_ =	sdelay $0x3  }
0x34: {  	[smem:$0x3FB9] =	sst s10  }
0x35: {  	s10 =	sld [smem:$0x3FB8];
	_ =	sdelay $0x3  }
0x36: {  	p1 =	seq.s32 s10, $0x1;
	s10 =	sld [smem:$0x3FB9];
	_ =	sdelay $0x3  }
0x37: {  	[smem:$0x3FB9] =	sst s10  }
0x38: {  	s10 =	sld [smem:$0x3FBA]  }
0x39: {  	_ = 	snop;
	(pc) =	sbr.ind lr, $3  }
0x3a: {  	_ = 	snop  }
0x3b: {  	_ = 	snop  }
0x3c: {  	p2 =	seq.s32 s10, $0x1;
	s10 =	sld [smem:$0x3FB9]  }
0x3d: {  	_ =	shalt  }
0x3e: {  	_ =	shalt  }
0x3f: {  	_ =	shalt  }
0x40: {  	_ =	shalt  }
0x41: {  	_ =	shalt  }
0x42: {  	_ =	shalt  }
0x43: {  	_ =	shalt  }
0x44: {  	_ =	shalt  }
0x45: {  	_ =	shalt  }
0x46: {  	_ =	shalt  }
0x47: {  	_ =	shalt  }
0x48: {  	_ =	shalt  }
0x49: {  	_ =	shalt  }
0x4a: {  	_ =	shalt  }
0x4b: {  	_ =	shalt  }
0x4c: {  	_ =	shalt  }
0x4d: {  	_ =	shalt  }
0x4e: {  	_ =	shalt  }
0x4f: {  	_ =	shalt  }
0x50: {  	_ =	shalt  }
0x51: {  	_ =	shalt  }
0x52: {  	_ =	shalt  }
0x53: {  	_ =	shalt  }
0x54: {  	_ =	shalt  }
0x55: {  	_ =	shalt  }
0x56: {  	_ =	shalt  }
0x57: {  	_ =	shalt  }
0x58: {  	_ =	shalt  }
0x59: {  	_ =	shalt  }
0x5a: {  	_ =	shalt  }
0x5b: {  	_ =	shalt  }
0x5c: {  	_ =	shalt  }
0x5d: {  	_ =	shalt  }
0x5e: {  	_ =	shalt  }
0x5f: {  	_ =	shalt  }
0x60: {  	_ =	shalt  }
0x61: {  	_ =	shalt  }
0x62: {  	_ =	shalt  }
0x63: {  	_ =	shalt  }
0x64: {  	_ =	shalt  }
0x65: {  	_ =	shalt  }
0x66: {  	_ =	shalt  }
0x67: {  	_ =	shalt  }
0x68: {  	_ =	shalt  }
0x69: {  	_ =	shalt  }
0x6a: {  	_ =	shalt  }
0x6b: {  	_ =	shalt  }
0x6c: {  	_ =	shalt  }
0x6d: {  	_ =	shalt  }
0x6e: {  	_ =	shalt  }
0x6f: {  	_ =	shalt  }
0x70: {  	_ =	shalt  }
0x71: {  	_ =	shalt  }
0x72: {  	_ =	shalt  }
0x73: {  	_ =	shalt  }
0x74: {  	_ =	shalt  }
0x75: {  	_ =	shalt  }
0x76: {  	_ =	shalt  }
0x77: {  	_ =	shalt  }
0x78: {  	_ =	shalt  }
0x79: {  	_ =	shalt  }
0x7a: {  	_ =	shalt  }
0x7b: {  	_ =	shalt  }
0x7c: {  	_ =	shalt  }
0x7d: {  	_ =	shalt  }
0x7e: {  	_ =	shalt  }
0x7f: {  	_ =	shalt  }
0x80: {  	_ =	shalt  }
0x81: {  	_ =	shalt  }
0x82: {  	_ =	shalt  }
0x83: {  	_ =	shalt  }
0x84: {  	_ =	shalt  }
0x85: {  	_ =	shalt  }
0x86: {  	_ =	shalt  }
0x87: {  	_ =	shalt  }
.Lfunc_end0:
.L_simem_size_0:
called_computation_lowered:
.L_overlay_start_0:
0x88: {  	s2 =	sld [smem:$0x3FD9]  }
0x89: {  	s3 =	sld [smem:$0x3FFE];
	_ =	sdelay $0x1  }
0x8a: {  	s1 =	srdreg.scid  }
0x8b: {  	s0 =	sand.u32 $0x1, s1  }
0x8c: {  	s14 =	sshll.u32 s0, $0xA;
	s2 =	sadd.s32 s3, s2  }
0x8d: {  	s2 =	sadd.s32 s2, s14  }
0x8e: {  	[smem:$0x3FC5] =	sst s2  }
0x8f: {  	_ = 	snop  }
0x90: {  	s2 =	sld [smem:$0x3FD0];
	_ =	sdelay $0x1  }
0x91: {  	s15 =	sld [smem:$0x3FC8]  }
0x92: {  	s5 =	simm.s32 $0xA;
	s6 =	simm.s32 $0x10;
	s4 =	sld [smem:$0x3FC7]  }
0x93: {  	[smem:s6], [sflag:s5] =	dma.local [hbm:s2], $0x1  }
0x94: {  	_ =	swait.eq [sflag:s5], $0x1  }
0x95: {  	[sflag:s5] =	ssyncset.done $0x0  }
0x96: {  	s16 =	sld [smem:$0x10];
	[sflag:s5] =	ssyncadd.s32 $0xFFFFFFFF  }
0x97: {  	s17 =	sld [smem:$0x11];
	(tm) =	ssettm $0x1  }
0x98: {  	s18 =	sld [smem:$0x3FFB];
	_ =	sdelay $0x3  }
0x99: {  	_ =	strace s18  }
0x9a: {  	s6 =	sld [smem:$0x3FFC];
	_ =	sdelay $0x3  }
0x9b: {  	_ =	strace s6  }
0x9c: {  	s6 =	sld [smem:$0x3FFD];
	_ =	sdelay $0x3  }
0x9d: {  	_ =	strace s6  }
0x9e: {  	_ =	strace $0x8FFFFFFF  }
0x9f: {  	s19 =	sld [smem:$0x3FDB];
	_ =	sdelay $0x1  }
0xa0: {  	s7 =	simm.s32 $_scs_section_size  }
0xa1: {  	s8 =	simm.s32 $_size__tile_overlayer_lowered;
	s9 =	simm.s32 $_tile_overlayer_lowered  }
0xa2: {  	s22 =	simm.s32 $0x1BFF;
	s21 =	sshll.u32 s9, $0x1;
	s6 =	sadd.s32 s7, s19  }
0xa3: {  	s10 =	simm.s32 $0x0;
	s20 =	sshll.u32 s8, $0x1;
	s8 =	sadd.s32 s21, s6  }
0xa4: {  	[timem:s10], [sflag:s22] =	dma.local [hbm:s8], s20  }
0xa5: {  	_ =	swait.ge [sflag:s22], s20  }
0xa6: {  	s7 =	ssub.s32 $0x0, s20;
	[sflag:s22] =	ssyncset.done $0x0  }
0xa7: {  	[sflag:s22] =	ssyncadd.s32 s7;
	_ =	sdelay $0x1  }
0xa8: {  	s23 =	simm.s32 $0x1B8B  }
0xa9: {  	_ =	swait.ge [sflag:s23], $0x1  }
0xaa: {  	[sflag:s23] =	ssyncset.done $0x0  }
0xab: {  	s25 =	simm.s32 $0x1B8E;
	s24 =	sld [smem:$0x3FFE];
	[sflag:s23] =	ssyncadd.s32 $0xFFFFFFFF  }
0xac: {  	s26 =	simm.s32 $execute0_lowered;
	[smem:$0x3FD2] =	sst s25  }
0xad: {  	s8 =	sshll.u32 s26, $0x1;
	_ =	strace $0x80000046;
	[dreg:$0x1] =	wrdreg $0xFFFFFFFF  }
0xae: {  	s28 =	simm.s32 $_size_execute0_lowered;
	s6 =	sadd.s32 s6, s8;
	[dreg:$0x0] =	wrdreg $0x0  }
0xaf: {  	s8 =	sshll.u32 s28, $0x1;
	[dreg:$0x2] =	wrdreg s6  }
0xb0: {  	[dreg:$0x3] =	wrdreg s8  }
0xb1: {  	[dreg:$0x4] =	wrdreg $0xC0  }
0xb2: {  	_ =	task [dreg:s10], $0x5FFFF  }
0xb3: {  	[dreg:$0x1] =	wrdreg $0xFFFFFFFF  }
0xb4: {  	[dreg:$0x0] =	wrdreg $0x60  }
0xb5: {  	[dreg:$0x2] =	wrdreg s15  }
0xb6: {  	[dreg:$0x3] =	wrdreg s4  }
0xb7: {  	[dreg:$0x4] =	wrdreg s24  }
0xb8: {  	[dreg:$0x5] =	wrdreg s16  }
0xb9: {  	[dreg:$0x6] =	wrdreg s17  }
0xba: {  	[dreg:$0x7] =	wrdreg $0x9  }
0xbb: {  	_ =	task.clear_ibuf [dreg:s10], $0x8FFFF;
	_ =	strace $0x90000046  }
0xbc: {  	s29 =	simm.s32 $0x9;
	_ =	strace $0x80000048  }
0xbd: {  	_ =	swait.ge [sflag:s29], $0x1  }
0xbe: {  	[sflag:s29] =	ssyncadd.s32 $0xFFFFFFFF  }
0xbf: {  	_ =	strace $0x90000048  }
0xc0: {  	_ =	sfence  }
0xc1: {  	s30 =	sld [smem:$0x0];
	_ =	sdelay $0x2  }
0xc2: {  	s31 =	sshll.u32 s1, $0xD;
	s1 =	sshrl.u32 s1, $0x2  }
0xc3: {  	s3 =	sand.u32 $0x4000, s31;
	s1 =	sadd.s32 s1, s30  }
0xc4: {  	s0 =	sor.u32 s3, s0;
	s1 =	sshll.u32 s1, $0x11  }
0xc5: {  	s0 =	sor.u32 s1, s0  }
0xc6: {  	s0 =	sadd.s32 $0x8F2B, s0  }
0xc7: {  	[sflag:s0] =	ssyncadd.remote.s32 $0x1  }
0xc8: {  	_ =	sfence.sel $0xFFFF  }
0xc9: {  	[dreg:$0x0] =	wrdreg $0xFFFFFFFF;
	(pc) =	sbr.abs _section_cstart, $3  }
0xca: {  	[dreg:$0x1] =	wrdreg $0xFFFFFFFF  }
0xcb: {  	_ =	task.clear_ibuf [dreg:s10], $0x2FFFF;
	_ =	strace $0x9FFFFFFF  }
0xcc: {  	(tm) =	ssettm $0x7FFFFFFF  }
0xcd: {  	_ =	shalt  }
tec
execute0_lowered:
.L_overlay_start_1:
0x0: {  	(tag) =	ssettag $0x1  }
0x1: {  	s1 =	rddreg [dreg:$0x0]  }
0x2: {  	s0 =	srdreg.scid;
	s4 =	stileid.u32  }
0x3: {  	s2 =	rddreg [dreg:$0x1];
	s3 =	sand.u32 $0x1, s0;
	s16 =	sshll.u32 s4, $0x1  }
0x4: {  	s6 =	rddreg [dreg:$0x2];
	s4 =	sor.u32 s3, s16  }
0x5: {  	s5 =	rddreg [dreg:$0x3];
	s7 =	smul.u32 $0x310, s4  }
0x6: {  	s0 =	rddreg [dreg:$0x4];
	s3 =	ssub.s32 $0x2, s3;
	s4 =	simm.s32 $0x0  }
0x7: {  	[smem:$0x7FF] =	sst s4;
	s8 =	sshrl.u32 s7, $0x3;
	s9 =	sadd.s32 $0x38, s7  }
0x8: {  	_ =	strace $0x80000047;
	s10 =	sadd.s32 $0xA8, s7;
	s12 =	sadd.s32 $0x118, s7  }
0x9: {  	s14 =	sadd.s32 $0x188, s7;
	s16 =	sadd.s32 $0x1F8, s7;
	s6 =	sadd.s32 s8, s6  }
0xa: {  	s8 =	smul.u32 $0x300, s8;
	s9 =	sshrl.u32 s9, $0x3;
	s10 =	sshrl.u32 s10, $0x3  }
0xb: {  	s14 =	sshrl.u32 s14, $0x3;
	s6 =	sadd.s32 $0xA00, s6;
	s9 =	smul.u32 $0x300, s9  }
0xc: {  	s10 =	smul.u32 $0x300, s10;
	[dreg:$0x6] =	wrdreg s6;
	s17 =	sadd.s32 s5, s8  }
0xd: {  	s6 =	sadd.s32 $0x2A00, s8;
	[dreg:$0x7] =	wrdreg s17;
	s18 =	sadd.s32 s5, s9  }
0xe: {  	s14 =	smul.u32 $0x300, s14;
	s11 =	sadd.s32 s5, s6;
	[dreg:$0x8] =	wrdreg s18  }
0xf: {  	s13 =	sadd.s32 $0x5400, s8;
	s20 =	sadd.s32 s5, s10;
	[dreg:$0x9] =	wrdreg s11  }
0x10: {  	s23 =	sadd.s32 $0x7E00, s8;
	s21 =	sadd.s32 s5, s13;
	[dreg:$0xa] =	wrdreg s20  }
0x11: {  	s19 =	sshrl.u32 s12, $0x3;
	s15 =	sadd.s32 s5, s23;
	[dreg:$0xb] =	wrdreg s21  }
0x12: {  	s24 =	sshrl.u32 s16, $0x3;
	s25 =	sadd.s32 s5, s14;
	[dreg:$0xd] =	wrdreg s15  }
0x13: {  	s12 =	simm.s32 $0x1;
	s10 =	sadd.s32 s0, s10;
	[dreg:$0xe] =	wrdreg s25  }
0x14: {  	s17 =	sadd.s32 $0xA800, s8;
	s23 =	sadd.s32 s0, s23;
	[dreg:$0x18] =	wrdreg s10  }
0x15: {  	s29 =	sadd.s32 $0xD200, s8;
	s26 =	sadd.s32 s5, s17;
	[dreg:$0x1b] =	wrdreg s23  }
0x16: {  	s11 =	smul.u32 $0x300, s19;
	s19 =	sadd.s32 s5, s29;
	[dreg:$0xf] =	wrdreg s26  }
0x17: {  	s15 =	smul.u32 $0x300, s24;
	s24 =	sadd.s32 s0, s14;
	[dreg:$0x11] =	wrdreg s19  }
0x18: {  	s20 =	sadd.s32 $0xFC00, s8;
	s29 =	sadd.s32 s0, s29;
	[dreg:$0x1c] =	wrdreg s24  }
0x19: {  	s16 =	simm.s32 $0x3;
	s31 =	sadd.s32 s5, s20;
	[dreg:$0x1f] =	wrdreg s29  }
0x1a: {  	s18 =	sadd.s32 $0x268, s7;
	s19 =	sadd.s32 s0, s13;
	[dreg:$0x13] =	wrdreg s31  }
0x1b: {  	s7 =	sadd.s32 $0x2D8, s7;
	s26 =	sadd.s32 s0, s17;
	[dreg:$0x19] =	wrdreg s19  }
0x1c: {  	s25 =	sshrl.u32 s3, $0x1;
	s22 =	sadd.s32 s5, s11;
	[dreg:$0x1d] =	wrdreg s26  }
0x1d: {  	s7 =	sshrl.u32 s7, $0x3;
	s28 =	sadd.s32 s5, s15;
	[dreg:$0xc] =	wrdreg s22  }
0x1e: {  	s21 =	smul.u32 $0x300, s7;
	s7 =	sadd.s32 s0, s8;
	[dreg:$0x10] =	wrdreg s28  }
0x1f: {  	s14 =	simm.s32 $0x2;
	s8 =	sadd.s32 s0, s9;
	[dreg:$0x15] =	wrdreg s7  }
0x20: {  	s18 =	sshrl.u32 s18, $0x3;
	s9 =	sadd.s32 s0, s6;
	[dreg:$0x16] =	wrdreg s8  }
0x21: {  	s3 =	ssub.s32 s3, s25;
	s31 =	sadd.s32 s0, s20;
	[dreg:$0x17] =	wrdreg s9  }
0x22: {  	s18 =	smul.u32 $0x300, s18;
	s22 =	sadd.s32 s0, s11;
	[smem:$0x7FC] =	sst s31  }
0x23: {  	s13 =	simm.s32 $0x4;
	s28 =	sadd.s32 s0, s15;
	[dreg:$0x1a] =	wrdreg s22  }
0x24: {  	s17 =	simm.s32 $0x6;
	s30 =	sadd.s32 s5, s18;
	[dreg:$0x1e] =	wrdreg s28  }
0x25: {  	s6 =	sadd.s32 $0x200, s1;
	s5 =	sadd.s32 s5, s21;
	[dreg:$0x12] =	wrdreg s30  }
0x26: {  	v2 =	vlaneseq.u32;
	s3 =	smax.u32 s3, $0x1;
	[dreg:$0x14] =	wrdreg s5;
	s30 =	sadd.s32 s0, s18  }
0x27: {  	vm0 =	vmmov $0xffff;
	v1 =	vshrl.u32 v2, $0x3;
	s7 =	sadd.s32 $0x100, s2;
	s0 =	sadd.s32 s0, s21;
	[smem:$0x7FB] =	sst s30  }
0x28: {  	v0 =	vand.u32 $0x7, v2;
	v2 =	vor.u32 $0x8, v2;
	v1 =	vmul.u32 $0x8, v1;
	s8 =	sadd.s32 $0x200, s2;
	s5 =	sadd.s32 $0x100, s1;
	[smem:$0x7FD] =	sst s0  }
.LBB2_1:
0x29: {  	[smem:$0x7FA] =	sst s3  }
0x2a: {  	s18 =	rddreg [dreg:$0x6];
	s19 =	simm.s32 $0x7  }
0x2b: {  	[tilespmem:s4], [sflag:$0x7] =	stream.linear.gather [hbm4b:s18+s4], $0x310, $0x38;
	[tilespmem:$0x1FB80] =	vst v63  }
0x2c: {  	_ =	swait.ge [sflag:s19], $0x310  }
0x2d: {  	[sflag:s19] =	ssyncset.done $0x0  }
0x2e: {  	[sflag:s19] =	ssyncadd.s32 $0xFFFFFCF0  }
0x2f: {  	v3 =	vld [tilespmem:$0x0];
	_ =	sdelay $0x4  }
0x30: {  	v4 =	vshrl.u32 v3, $0x3  }
0x31: {  	v4 =	vmul.u32 $0x30, v4  }
0x32: {  	v3 =	vand.u32 $0x7, v3  }
0x33: {  	v3 =	vor.u32 v3, v4  }
0x34: {  	v4 =	vperm.xlane v3, v0;
	_ =	sdelay $0x1  }
0x35: {  	v4 =	vadd.s32 v1, v4;
	_ =	sdelay $0x3  }
0x36: {  	s0 =	simm.s32 $0x380;
	v3 =	vperm.xlane v3, v2  }
0x37: {  	[tilespmem:s0], [sflag:$0x1] =	stream.indirect_vreg.gather [hbm4b:s1+s4], $0x80, v4, vm0, $0xb8;
	[tilespmem:$0x1FB80] =	vst v63  }
0x38: {  	s20 =	simm.s32 $0xB80;
	v3 =	vadd.s32 v1, v3  }
0x39: {  	[tilespmem:s20], [sflag:$0x1] =	stream.indirect_vreg.gather [hbm4b:s5+s4], $0x80, v4, vm0, $0xb8;
	[tilespmem:$0x1FB80] =	vst v63  }
0x3a: {  	s21 =	simm.s32 $0x1380  }
0x3b: {  	[tilespmem:s21], [sflag:$0x1] =	stream.indirect_vreg.gather [hbm4b:s6+s4], $0x80, v4, vm0, $0xb8;
	[tilespmem:$0x1FB80] =	vst v63  }
0x3c: {  	s22 =	simm.s32 $0x1B80  }
0x3d: {  	[tilespmem:s22], [sflag:$0x1] =	stream.indirect_vreg.gather [hbm4b:s1+s4], $0x80, v3, vm0, $0xb8;
	[tilespmem:$0x1FB80] =	vst v63  }
0x3e: {  	s23 =	simm.s32 $0x2380  }
0x3f: {  	[tilespmem:s23], [sflag:$0x1] =	stream.indirect_vreg.gather [hbm4b:s5+s4], $0x80, v3, vm0, $0xb8;
	[tilespmem:$0x1FB80] =	vst v63  }
0x40: {  	s24 =	simm.s32 $0x2B80  }
0x41: {  	[tilespmem:s24], [sflag:$0x1] =	stream.indirect_vreg.gather [hbm4b:s6+s4], $0x80, v3, vm0, $0xb8;
	[tilespmem:$0x1FB80] =	vst v63  }
0x42: {  	v3 =	vld [tilespmem:$0x10];
	_ =	sdelay $0x4  }
0x43: {  	v9 =	vshrl.u32 v3, $0x3  }
0x44: {  	v4 =	vmul.u32 $0x30, v9  }
0x45: {  	v3 =	vand.u32 $0x7, v3  }
0x46: {  	v3 =	vor.u32 v3, v4  }
0x47: {  	v4 =	vperm.xlane v3, v0;
	_ =	sdelay $0x1  }
0x48: {  	v4 =	vadd.s32 v1, v4;
	_ =	sdelay $0x3  }
0x49: {  	s25 =	simm.s32 $0x3380;
	v3 =	vperm.xlane v3, v2  }
0x4a: {  	[tilespmem:s25], [sflag:$0x1] =	stream.indirect_vreg.gather [hbm4b:s1+s4], $0x80, v4, vm0, $0xb8;
	[tilespmem:$0x1FB80] =	vst v63  }
0x4b: {  	s26 =	simm.s32 $0x3B80;
	v3 =	vadd.s32 v1, v3  }
0x4c: {  	[tilespmem:s26], [sflag:$0x1] =	stream.indirect_vreg.gather [hbm4b:s5+s4], $0x80, v4, vm0, $0xb8;
	[tilespmem:$0x1FB80] =	vst v63  }
0x4d: {  	s28 =	simm.s32 $0x4380  }
0x4e: {  	[tilespmem:s28], [sflag:$0x1] =	stream.indirect_vreg.gather [hbm4b:s6+s4], $0x80, v4, vm0, $0xb8;
	[tilespmem:$0x1FB80] =	vst v63  }
0x4f: {  	s29 =	simm.s32 $0x4B80  }
0x50: {  	[tilespmem:s29], [sflag:$0x1] =	stream.indirect_vreg.gather [hbm4b:s1+s4], $0x80, v3, vm0, $0xb8;
	[tilespmem:$0x1FB80] =	vst v63  }
0x51: {  	s30 =	simm.s32 $0x5380  }
0x52: {  	[tilespmem:s30], [sflag:$0x1] =	stream.indirect_vreg.gather [hbm4b:s5+s4], $0x80, v3, vm0, $0xb8;
	[tilespmem:$0x1FB80] =	vst v63  }
0x53: {  	s31 =	simm.s32 $0x5B80  }
0x54: {  	[tilespmem:s31], [sflag:$0x1] =	stream.indirect_vreg.gather [hbm4b:s6+s4], $0x80, v3, vm0, $0xb8;
	[tilespmem:$0x1FB80] =	vst v63  }
0x55: {  	v3 =	vld [tilespmem:$0x20];
	_ =	sdelay $0x4  }
0x56: {  	v10 =	vshrl.u32 v3, $0x3  }
0x57: {  	v4 =	vmul.u32 $0x30, v10  }
0x58: {  	v3 =	vand.u32 $0x7, v3  }
0x59: {  	v3 =	vor.u32 v3, v4  }
0x5a: {  	v4 =	vperm.xlane v3, v0;
	_ =	sdelay $0x1  }
0x5b: {  	v4 =	vadd.s32 v1, v4;
	_ =	sdelay $0x3  }
0x5c: {  	s9 =	simm.s32 $0x6380;
	v3 =	vperm.xlane v3, v2  }
0x5d: {  	[tilespmem:s9], [sflag:$0x1] =	stream.indirect_vreg.gather [hbm4b:s1+s4], $0x80, v4, vm0, $0xb8;
	[tilespmem:$0x1FB80] =	vst v63  }
0x5e: {  	s10 =	simm.s32 $0x6B80;
	v3 =	vadd.s32 v1, v3  }
0x5f: {  	[tilespmem:s10], [sflag:$0x1] =	stream.indirect_vreg.gather [hbm4b:s5+s4], $0x80, v4, vm0, $0xb8;
	[tilespmem:$0x1FB80] =	vst v63  }
0x60: {  	s11 =	simm.s32 $0x7380  }
0x61: {  	[tilespmem:s11], [sflag:$0x1] =	stream.indirect_vreg.gather [hbm4b:s6+s4], $0x80, v4, vm0, $0xb8;
	[tilespmem:$0x1FB80] =	vst v63  }
0x62: {  	s15 =	simm.s32 $0x7B80  }
0x63: {  	[tilespmem:s15], [sflag:$0x1] =	stream.indirect_vreg.gather [hbm4b:s1+s4], $0x80, v3, vm0, $0xb8;
	[tilespmem:$0x1FB80] =	vst v63  }
0x64: {  	s18 =	simm.s32 $0x8380  }
0x65: {  	[tilespmem:s18], [sflag:$0x1] =	stream.indirect_vreg.gather [hbm4b:s5+s4], $0x80, v3, vm0, $0xb8;
	[tilespmem:$0x1FB80] =	vst v63  }
0x66: {  	s19 =	simm.s32 $0x8B80  }
0x67: {  	[tilespmem:s19], [sflag:$0x1] =	stream.indirect_vreg.gather [hbm4b:s6+s4], $0x80, v3, vm0, $0xb8;
	[tilespmem:$0x1FB80] =	vst v63  }
0x68: {  	v3 =	vld.msk [tilespmem:$0x30], $0xff;
	_ =	sdelay $0x4  }
0x69: {  	v11 =	vshrl.u32 v3, $0x3  }
0x6a: {  	v4 =	vmul.u32 $0x30, v11  }
0x6b: {  	v3 =	vand.u32 $0x7, v3  }
0x6c: {  	v3 =	vor.u32 v3, v4  }
0x6d: {  	v3 =	vperm.xlane v3, v0;
	_ =	sdelay $0x1  }
0x6e: {  	v3 =	vadd.s32 v1, v3;
	_ =	sdelay $0x3  }
0x6f: {  	s20 =	simm.s32 $0x9380  }
0x70: {  	[tilespmem:s20], [sflag:$0x1] =	stream.indirect_vreg.gather [hbm4b:s1+s4], $0x80, v3, vm0, $0xb8;
	[tilespmem:$0x1FB80] =	vst v63  }
0x71: {  	s21 =	simm.s32 $0x9B80  }
0x72: {  	[tilespmem:s21], [sflag:$0x1] =	stream.indirect_vreg.gather [hbm4b:s5+s4], $0x80, v3, vm0, $0xb8;
	[tilespmem:$0x1FB80] =	vst v63  }
0x73: {  	s23 =	simm.s32 $0xA380  }
0x74: {  	[tilespmem:s23], [sflag:$0x1] =	stream.indirect_vreg.gather [hbm4b:s6+s4], $0x80, v3, vm0, $0xb8;
	[tilespmem:$0x1FB80] =	vst v63  }
0x75: {  	v3 =	vld [tilespmem:$0x38];
	_ =	sdelay $0x4  }
0x76: {  	v12 =	vshrl.u32 v3, $0x3  }
0x77: {  	v4 =	vmul.u32 $0x30, v12  }
0x78: {  	v3 =	vand.u32 $0x7, v3  }
0x79: {  	v3 =	vor.u32 v3, v4  }
0x7a: {  	v4 =	vperm.xlane v3, v0;
	_ =	sdelay $0x1  }
0x7b: {  	v4 =	vadd.s32 v1, v4;
	_ =	sdelay $0x3  }
0x7c: {  	s9 =	simm.s32 $0xAB80;
	v3 =	vperm.xlane v3, v2  }
0x7d: {  	[tilespmem:s9], [sflag:$0x2] =	stream.indirect_vreg.gather [hbm4b:s1+s4], $0x80, v4, vm0, $0xb8;
	[tilespmem:$0x1FB80] =	vst v63  }
0x7e: {  	s24 =	simm.s32 $0xB380;
	v3 =	vadd.s32 v1, v3  }
0x7f: {  	[tilespmem:s24], [sflag:$0x2] =	stream.indirect_vreg.gather [hbm4b:s5+s4], $0x80, v4, vm0, $0xb8;
	[tilespmem:$0x1FB80] =	vst v63  }
0x80: {  	s25 =	simm.s32 $0xBB80  }
0x81: {  	[tilespmem:s25], [sflag:$0x2] =	stream.indirect_vreg.gather [hbm4b:s6+s4], $0x80, v4, vm0, $0xb8;
	[tilespmem:$0x1FB80] =	vst v63  }
0x82: {  	s29 =	simm.s32 $0xC380  }
0x83: {  	[tilespmem:s29], [sflag:$0x2] =	stream.indirect_vreg.gather [hbm4b:s1+s4], $0x80, v3, vm0, $0xb8;
	[tilespmem:$0x1FB80] =	vst v63  }
0x84: {  	s30 =	simm.s32 $0xCB80  }
0x85: {  	[tilespmem:s30], [sflag:$0x2] =	stream.indirect_vreg.gather [hbm4b:s5+s4], $0x80, v3, vm0, $0xb8;
	[tilespmem:$0x1FB80] =	vst v63  }
0x86: {  	s9 =	simm.s32 $0xD380  }
0x87: {  	[tilespmem:s9], [sflag:$0x2] =	stream.indirect_vreg.gather [hbm4b:s6+s4], $0x80, v3, vm0, $0xb8;
	[tilespmem:$0x1FB80] =	vst v63  }
0x88: {  	v3 =	vld [tilespmem:$0x48];
	_ =	sdelay $0x4  }
0x89: {  	v13 =	vshrl.u32 v3, $0x3  }
0x8a: {  	v4 =	vmul.u32 $0x30, v13  }
0x8b: {  	v3 =	vand.u32 $0x7, v3  }
0x8c: {  	v3 =	vor.u32 v3, v4  }
0x8d: {  	v4 =	vperm.xlane v3, v0;
	_ =	sdelay $0x1  }
0x8e: {  	v4 =	vadd.s32 v1, v4;
	_ =	sdelay $0x3  }
0x8f: {  	s18 =	simm.s32 $0xDB80;
	v3 =	vperm.xlane v3, v2  }
0x90: {  	[tilespmem:s18], [sflag:$0x2] =	stream.indirect_vreg.gather [hbm4b:s1+s4], $0x80, v4, vm0, $0xb8;
	[tilespmem:$0x1FB80] =	vst v63  }
0x91: {  	s19 =	simm.s32 $0xE380;
	v3 =	vadd.s32 v1, v3  }
0x92: {  	[tilespmem:s19], [sflag:$0x2] =	stream.indirect_vreg.gather [hbm4b:s5+s4], $0x80, v4, vm0, $0xb8;
	[tilespmem:$0x1FB80] =	vst v63  }
0x93: {  	s20 =	simm.s32 $0xEB80  }
0x94: {  	[tilespmem:s20], [sflag:$0x2] =	stream.indirect_vreg.gather [hbm4b:s6+s4], $0x80, v4, vm0, $0xb8;
	[tilespmem:$0x1FB80] =	vst v63  }
0x95: {  	s21 =	simm.s32 $0xF380  }
0x96: {  	[tilespmem:s21], [sflag:$0x2] =	stream.indirect_vreg.gather [hbm4b:s1+s4], $0x80, v3, vm0, $0xb8;
	[tilespmem:$0x1FB80] =	vst v63  }
0x97: {  	s23 =	simm.s32 $0xFB80  }
0x98: {  	[tilespmem:s23], [sflag:$0x2] =	stream.indirect_vreg.gather [hbm4b:s5+s4], $0x80, v3, vm0, $0xb8;
	[tilespmem:$0x1FB80] =	vst v63  }
0x99: {  	s24 =	simm.s32 $0x10380  }
0x9a: {  	[tilespmem:s24], [sflag:$0x2] =	stream.indirect_vreg.gather [hbm4b:s6+s4], $0x80, v3, vm0, $0xb8;
	[tilespmem:$0x1FB80] =	vst v63  }
0x9b: {  	v3 =	vld [tilespmem:$0x58];
	_ =	sdelay $0x4  }
0x9c: {  	v14 =	vshrl.u32 v3, $0x3  }
0x9d: {  	v4 =	vmul.u32 $0x30, v14  }
0x9e: {  	v3 =	vand.u32 $0x7, v3  }
0x9f: {  	v3 =	vor.u32 v3, v4  }
0xa0: {  	v4 =	vperm.xlane v3, v0;
	_ =	sdelay $0x1  }
0xa1: {  	v4 =	vadd.s32 v1, v4;
	_ =	sdelay $0x3  }
0xa2: {  	s25 =	simm.s32 $0x10B80;
	v3 =	vperm.xlane v3, v2  }
0xa3: {  	[tilespmem:s25], [sflag:$0x2] =	stream.indirect_vreg.gather [hbm4b:s1+s4], $0x80, v4, vm0, $0xb8;
	[tilespmem:$0x1FB80] =	vst v63  }
0xa4: {  	s29 =	simm.s32 $0x11380;
	v3 =	vadd.s32 v1, v3  }
0xa5: {  	[tilespmem:s29], [sflag:$0x2] =	stream.indirect_vreg.gather [hbm4b:s5+s4], $0x80, v4, vm0, $0xb8;
	[tilespmem:$0x1FB80] =	vst v63  }
0xa6: {  	s30 =	simm.s32 $0x11B80  }
0xa7: {  	[tilespmem:s30], [sflag:$0x2] =	stream.indirect_vreg.gather [hbm4b:s6+s4], $0x80, v4, vm0, $0xb8;
	[tilespmem:$0x1FB80] =	vst v63  }
0xa8: {  	s9 =	simm.s32 $0x12380  }
0xa9: {  	[tilespmem:s9], [sflag:$0x2] =	stream.indirect_vreg.gather [hbm4b:s1+s4], $0x80, v3, vm0, $0xb8;
	[tilespmem:$0x1FB80] =	vst v63  }
0xaa: {  	s18 =	simm.s32 $0x12B80  }
0xab: {  	[tilespmem:s18], [sflag:$0x2] =	stream.indirect_vreg.gather [hbm4b:s5+s4], $0x80, v3, vm0, $0xb8;
	[tilespmem:$0x1FB80] =	vst v63  }
0xac: {  	s19 =	simm.s32 $0x13380  }
0xad: {  	[tilespmem:s19], [sflag:$0x2] =	stream.indirect_vreg.gather [hbm4b:s6+s4], $0x80, v3, vm0, $0xb8;
	[tilespmem:$0x1FB80] =	vst v63  }
0xae: {  	v3 =	vld.msk [tilespmem:$0x68], $0xff;
	_ =	sdelay $0x4  }
0xaf: {  	v15 =	vshrl.u32 v3, $0x3  }
0xb0: {  	v4 =	vmul.u32 $0x30, v15  }
0xb1: {  	v3 =	vand.u32 $0x7, v3  }
0xb2: {  	v3 =	vor.u32 v3, v4  }
0xb3: {  	v3 =	vperm.xlane v3, v0;
	_ =	sdelay $0x1  }
0xb4: {  	v3 =	vadd.s32 v1, v3;
	_ =	sdelay $0x3  }
0xb5: {  	s20 =	simm.s32 $0x13B80  }
0xb6: {  	[tilespmem:s20], [sflag:$0x2] =	stream.indirect_vreg.gather [hbm4b:s1+s4], $0x80, v3, vm0, $0xb8;
	[tilespmem:$0x1FB80] =	vst v63  }
0xb7: {  	s21 =	simm.s32 $0x14380  }
0xb8: {  	[tilespmem:s21], [sflag:$0x2] =	stream.indirect_vreg.gather [hbm4b:s5+s4], $0x80, v3, vm0, $0xb8;
	[tilespmem:$0x1FB80] =	vst v63  }
0xb9: {  	s23 =	simm.s32 $0x14B80  }
0xba: {  	[tilespmem:s23], [sflag:$0x2] =	stream.indirect_vreg.gather [hbm4b:s6+s4], $0x80, v3, vm0, $0xb8;
	[tilespmem:$0x1FB80] =	vst v63  }
0xbb: {  	v3 =	vld [tilespmem:$0x70];
	_ =	sdelay $0x4  }
0xbc: {  	v16 =	vshrl.u32 v3, $0x3  }
0xbd: {  	v4 =	vmul.u32 $0x30, v16  }
0xbe: {  	v3 =	vand.u32 $0x7, v3  }
0xbf: {  	v3 =	vor.u32 v3, v4  }
0xc0: {  	v4 =	vperm.xlane v3, v0;
	_ =	sdelay $0x1  }
0xc1: {  	v4 =	vadd.s32 v1, v4;
	_ =	sdelay $0x3  }
0xc2: {  	s24 =	simm.s32 $0x15380;
	v3 =	vperm.xlane v3, v2  }
0xc3: {  	[tilespmem:s24], [sflag:$0x3] =	stream.indirect_vreg.gather [hbm4b:s1+s4], $0x80, v4, vm0, $0xb8;
	[tilespmem:$0x1FB80] =	vst v63  }
0xc4: {  	s25 =	simm.s32 $0x15B80;
	v3 =	vadd.s32 v1, v3  }
0xc5: {  	[tilespmem:s25], [sflag:$0x3] =	stream.indirect_vreg.gather [hbm4b:s5+s4], $0x80, v4, vm0, $0xb8;
	[tilespmem:$0x1FB80] =	vst v63  }
0xc6: {  	s29 =	simm.s32 $0x16380  }
0xc7: {  	[tilespmem:s29], [sflag:$0x3] =	stream.indirect_vreg.gather [hbm4b:s6+s4], $0x80, v4, vm0, $0xb8;
	[tilespmem:$0x1FB80] =	vst v63  }
0xc8: {  	s30 =	simm.s32 $0x16B80  }
0xc9: {  	[tilespmem:s30], [sflag:$0x3] =	stream.indirect_vreg.gather [hbm4b:s1+s4], $0x80, v3, vm0, $0xb8;
	[tilespmem:$0x1FB80] =	vst v63  }
0xca: {  	s3 =	simm.s32 $0x17380  }
0xcb: {  	[tilespmem:s3], [sflag:$0x3] =	stream.indirect_vreg.gather [hbm4b:s5+s4], $0x80, v3, vm0, $0xb8;
	[tilespmem:$0x1FB80] =	vst v63  }
0xcc: {  	s18 =	simm.s32 $0x17B80  }
0xcd: {  	[tilespmem:s18], [sflag:$0x3] =	stream.indirect_vreg.gather [hbm4b:s6+s4], $0x80, v3, vm0, $0xb8;
	[tilespmem:$0x1FB80] =	vst v63  }
0xce: {  	v3 =	vld [tilespmem:$0x80];
	_ =	sdelay $0x4  }
0xcf: {  	v17 =	vshrl.u32 v3, $0x3  }
0xd0: {  	v4 =	vmul.u32 $0x30, v17  }
0xd1: {  	v3 =	vand.u32 $0x7, v3  }
0xd2: {  	v3 =	vor.u32 v3, v4  }
0xd3: {  	v4 =	vperm.xlane v3, v0;
	_ =	sdelay $0x1  }
0xd4: {  	v4 =	vadd.s32 v1, v4;
	_ =	sdelay $0x3  }
0xd5: {  	s19 =	simm.s32 $0x18380;
	v3 =	vperm.xlane v3, v2  }
0xd6: {  	[tilespmem:s19], [sflag:$0x3] =	stream.indirect_vreg.gather [hbm4b:s1+s4], $0x80, v4, vm0, $0xb8;
	[tilespmem:$0x1FB80] =	vst v63  }
0xd7: {  	s20 =	simm.s32 $0x18B80;
	v3 =	vadd.s32 v1, v3  }
0xd8: {  	[tilespmem:s20], [sflag:$0x3] =	stream.indirect_vreg.gather [hbm4b:s5+s4], $0x80, v4, vm0, $0xb8;
	[tilespmem:$0x1FB80] =	vst v63  }
0xd9: {  	s21 =	simm.s32 $0x19380  }
0xda: {  	[tilespmem:s21], [sflag:$0x3] =	stream.indirect_vreg.gather [hbm4b:s6+s4], $0x80, v4, vm0, $0xb8;
	[tilespmem:$0x1FB80] =	vst v63  }
0xdb: {  	s23 =	simm.s32 $0x19B80  }
0xdc: {  	[tilespmem:s23], [sflag:$0x3] =	stream.indirect_vreg.gather [hbm4b:s1+s4], $0x80, v3, vm0, $0xb8;
	[tilespmem:$0x1FB80] =	vst v63  }
0xdd: {  	s24 =	simm.s32 $0x1A380  }
0xde: {  	[tilespmem:s24], [sflag:$0x3] =	stream.indirect_vreg.gather [hbm4b:s5+s4], $0x80, v3, vm0, $0xb8;
	[tilespmem:$0x1FB80] =	vst v63  }
0xdf: {  	s25 =	simm.s32 $0x1AB80  }
0xe0: {  	[tilespmem:s25], [sflag:$0x3] =	stream.indirect_vreg.gather [hbm4b:s6+s4], $0x80, v3, vm0, $0xb8;
	[tilespmem:$0x1FB80] =	vst v63  }
0xe1: {  	v3 =	vld [tilespmem:$0x90];
	_ =	sdelay $0x4  }
0xe2: {  	v18 =	vshrl.u32 v3, $0x3  }
0xe3: {  	v4 =	vmul.u32 $0x30, v18  }
0xe4: {  	v3 =	vand.u32 $0x7, v3  }
0xe5: {  	v3 =	vor.u32 v3, v4  }
0xe6: {  	v4 =	vperm.xlane v3, v0;
	_ =	sdelay $0x1  }
0xe7: {  	v4 =	vadd.s32 v1, v4;
	_ =	sdelay $0x3  }
0xe8: {  	s29 =	simm.s32 $0x1B380;
	v3 =	vperm.xlane v3, v2  }
0xe9: {  	[tilespmem:s29], [sflag:$0x3] =	stream.indirect_vreg.gather [hbm4b:s1+s4], $0x80, v4, vm0, $0xb8;
	[tilespmem:$0x1FB80] =	vst v63  }
0xea: {  	s30 =	simm.s32 $0x1BB80;
	v3 =	vadd.s32 v1, v3  }
0xeb: {  	[tilespmem:s30], [sflag:$0x3] =	stream.indirect_vreg.gather [hbm4b:s5+s4], $0x80, v4, vm0, $0xb8;
	[tilespmem:$0x1FB80] =	vst v63  }
0xec: {  	s3 =	simm.s32 $0x1C380  }
0xed: {  	[tilespmem:s3], [sflag:$0x3] =	stream.indirect_vreg.gather [hbm4b:s6+s4], $0x80, v4, vm0, $0xb8;
	[tilespmem:$0x1FB80] =	vst v63  }
0xee: {  	s18 =	simm.s32 $0x1CB80  }
0xef: {  	[tilespmem:s18], [sflag:$0x3] =	stream.indirect_vreg.gather [hbm4b:s1+s4], $0x80, v3, vm0, $0xb8;
	[tilespmem:$0x1FB80] =	vst v63  }
0xf0: {  	s19 =	simm.s32 $0x1D380  }
0xf1: {  	[tilespmem:s19], [sflag:$0x3] =	stream.indirect_vreg.gather [hbm4b:s5+s4], $0x80, v3, vm0, $0xb8;
	[tilespmem:$0x1FB80] =	vst v63  }
0xf2: {  	s20 =	simm.s32 $0x1DB80  }
0xf3: {  	[tilespmem:s20], [sflag:$0x3] =	stream.indirect_vreg.gather [hbm4b:s6+s4], $0x80, v3, vm0, $0xb8;
	[tilespmem:$0x1FB80] =	vst v63  }
0xf4: {  	v3 =	vld.msk [tilespmem:$0xA0], $0xff;
	_ =	sdelay $0x4  }
0xf5: {  	v19 =	vshrl.u32 v3, $0x3  }
0xf6: {  	v4 =	vmul.u32 $0x30, v19  }
0xf7: {  	v3 =	vand.u32 $0x7, v3  }
0xf8: {  	v3 =	vor.u32 v3, v4  }
0xf9: {  	v3 =	vperm.xlane v3, v0;
	_ =	sdelay $0x1  }
0xfa: {  	v3 =	vadd.s32 v1, v3;
	_ =	sdelay $0x3  }
0xfb: {  	s21 =	simm.s32 $0x1E380  }
0xfc: {  	[tilespmem:s21], [sflag:$0x3] =	stream.indirect_vreg.gather [hbm4b:s1+s4], $0x80, v3, vm0, $0xb8;
	[tilespmem:$0x1FB80] =	vst v63  }
0xfd: {  	s23 =	simm.s32 $0x1EB80  }
0xfe: {  	[tilespmem:s23], [sflag:$0x3] =	stream.indirect_vreg.gather [hbm4b:s5+s4], $0x80, v3, vm0, $0xb8;
	[tilespmem:$0x1FB80] =	vst v63  }
0xff: {  	s24 =	simm.s32 $0x1F380  }
0x100: {  	[tilespmem:s24], [sflag:$0x3] =	stream.indirect_vreg.gather [hbm4b:s6+s4], $0x80, v3, vm0, $0xb8;
	[tilespmem:$0x1FB80] =	vst v63  }
0x101: {  	_ =	swait.ge [sflag:s12], $0xA800  }
0x102: {  	[sflag:s12] =	ssyncset.done $0x0  }
0x103: {  	s29 =	simm.s32 $0x380;
	s25 =	rddreg [dreg:$0x7];
	[sflag:s12] =	ssyncadd.s32 $0xFFFF5800  }
0x104: {  	[hbm4b:s25+s4] =	stream.linear.scatter [tilespmem:s29], [sflag:$0x4], $0xA800, $0x38;
	[tilespmem:$0x1FB80] =	vst v63  }
0x105: {  	_ =	swait.ge [sflag:s13], $0xA800  }
0x106: {  	[sflag:s13] =	ssyncset.done $0x0  }
0x107: {  	[sflag:s13] =	ssyncadd.s32 $0xFFFF5800  }
0x108: {  	v3 =	vld [tilespmem:$0xA8];
	_ =	sdelay $0x4  }
0x109: {  	v20 =	vshrl.u32 v3, $0x3  }
0x10a: {  	v4 =	vmul.u32 $0x30, v20  }
0x10b: {  	v3 =	vand.u32 $0x7, v3  }
0x10c: {  	v3 =	vor.u32 v3, v4  }
0x10d: {  	v4 =	vperm.xlane v3, v0;
	_ =	sdelay $0x1  }
0x10e: {  	v4 =	vadd.s32 v1, v4;
	_ =	sdelay $0x3  }
0x10f: {  	v3 =	vperm.xlane v3, v2  }
0x110: {  	[tilespmem:s29], [sflag:$0x1] =	stream.indirect_vreg.gather [hbm4b:s1+s4], $0x80, v4, vm0, $0xb8;
	[tilespmem:$0x1FB80] =	vst v63  }
0x111: {  	s30 =	simm.s32 $0xB80;
	v3 =	vadd.s32 v1, v3  }
0x112: {  	[tilespmem:s30], [sflag:$0x1] =	stream.indirect_vreg.gather [hbm4b:s5+s4], $0x80, v4, vm0, $0xb8;
	[tilespmem:$0x1FB80] =	vst v63  }
0x113: {  	s19 =	simm.s32 $0x1380  }
0x114: {  	[tilespmem:s19], [sflag:$0x1] =	stream.indirect_vreg.gather [hbm4b:s6+s4], $0x80, v4, vm0, $0xb8;
	[tilespmem:$0x1FB80] =	vst v63  }
0x115: {  	s20 =	simm.s32 $0x1B80  }
0x116: {  	[tilespmem:s20], [sflag:$0x1] =	stream.indirect_vreg.gather [hbm4b:s1+s4], $0x80, v3, vm0, $0xb8;
	[tilespmem:$0x1FB80] =	vst v63  }
0x117: {  	s21 =	simm.s32 $0x2380  }
0x118: {  	[tilespmem:s21], [sflag:$0x1] =	stream.indirect_vreg.gather [hbm4b:s5+s4], $0x80, v3, vm0, $0xb8;
	[tilespmem:$0x1FB80] =	vst v63  }
0x119: {  	s0 =	simm.s32 $0x2B80  }
0x11a: {  	[tilespmem:s0], [sflag:$0x1] =	stream.indirect_vreg.gather [hbm4b:s6+s4], $0x80, v3, vm0, $0xb8;
	[tilespmem:$0x1FB80] =	vst v63  }
0x11b: {  	v3 =	vld [tilespmem:$0xB8];
	_ =	sdelay $0x4  }
0x11c: {  	v21 =	vshrl.u32 v3, $0x3  }
0x11d: {  	v4 =	vmul.u32 $0x30, v21  }
0x11e: {  	v3 =	vand.u32 $0x7, v3  }
0x11f: {  	v3 =	vor.u32 v3, v4  }
0x120: {  	v4 =	vperm.xlane v3, v0;
	_ =	sdelay $0x1  }
0x121: {  	v4 =	vadd.s32 v1, v4;
	_ =	sdelay $0x3  }
0x122: {  	s22 =	simm.s32 $0x3380;
	v3 =	vperm.xlane v3, v2  }
0x123: {  	[tilespmem:s22], [sflag:$0x1] =	stream.indirect_vreg.gather [hbm4b:s1+s4], $0x80, v4, vm0, $0xb8;
	[tilespmem:$0x1FB80] =	vst v63  }
0x124: {  	v3 =	vadd.s32 v1, v3;
	s22 =	simm.s32 $0x3B80  }
0x125: {  	[tilespmem:s22], [sflag:$0x1] =	stream.indirect_vreg.gather [hbm4b:s5+s4], $0x80, v4, vm0, $0xb8;
	[tilespmem:$0x1FB80] =	vst v63  }
0x126: {  	s23 =	simm.s32 $0x4380  }
0x127: {  	[tilespmem:s23], [sflag:$0x1] =	stream.indirect_vreg.gather [hbm4b:s6+s4], $0x80, v4, vm0, $0xb8;
	[tilespmem:$0x1FB80] =	vst v63  }
0x128: {  	s24 =	simm.s32 $0x4B80  }
0x129: {  	[tilespmem:s24], [sflag:$0x1] =	stream.indirect_vreg.gather [hbm4b:s1+s4], $0x80, v3, vm0, $0xb8;
	[tilespmem:$0x1FB80] =	vst v63  }
0x12a: {  	s25 =	simm.s32 $0x5380  }
0x12b: {  	[tilespmem:s25], [sflag:$0x1] =	stream.indirect_vreg.gather [hbm4b:s5+s4], $0x80, v3, vm0, $0xb8;
	[tilespmem:$0x1FB80] =	vst v63  }
0x12c: {  	s26 =	simm.s32 $0x5B80  }
0x12d: {  	[tilespmem:s26], [sflag:$0x1] =	stream.indirect_vreg.gather [hbm4b:s6+s4], $0x80, v3, vm0, $0xb8;
	[tilespmem:$0x1FB80] =	vst v63  }
0x12e: {  	v3 =	vld [tilespmem:$0xC8];
	_ =	sdelay $0x4  }
0x12f: {  	v22 =	vshrl.u32 v3, $0x3  }
0x130: {  	v4 =	vmul.u32 $0x30, v22  }
0x131: {  	v3 =	vand.u32 $0x7, v3  }
0x132: {  	v3 =	vor.u32 v3, v4  }
0x133: {  	v4 =	vperm.xlane v3, v0;
	_ =	sdelay $0x1  }
0x134: {  	v4 =	vadd.s32 v1, v4;
	_ =	sdelay $0x3  }
0x135: {  	s28 =	simm.s32 $0x6380;
	v3 =	vperm.xlane v3, v2  }
0x136: {  	[tilespmem:s28], [sflag:$0x1] =	stream.indirect_vreg.gather [hbm4b:s1+s4], $0x80, v4, vm0, $0xb8;
	[tilespmem:$0x1FB80] =	vst v63  }
0x137: {  	s26 =	simm.s32 $0x6B80;
	v3 =	vadd.s32 v1, v3  }
0x138: {  	[tilespmem:s26], [sflag:$0x1] =	stream.indirect_vreg.gather [hbm4b:s5+s4], $0x80, v4, vm0, $0xb8;
	[tilespmem:$0x1FB80] =	vst v63  }
0x139: {  	s28 =	simm.s32 $0x7380  }
0x13a: {  	[tilespmem:s28], [sflag:$0x1] =	stream.indirect_vreg.gather [hbm4b:s6+s4], $0x80, v4, vm0, $0xb8;
	[tilespmem:$0x1FB80] =	vst v63  }
0x13b: {  	s29 =	simm.s32 $0x7B80  }
0x13c: {  	[tilespmem:s29], [sflag:$0x1] =	stream.indirect_vreg.gather [hbm4b:s1+s4], $0x80, v3, vm0, $0xb8;
	[tilespmem:$0x1FB80] =	vst v63  }
0x13d: {  	s30 =	simm.s32 $0x8380  }
0x13e: {  	[tilespmem:s30], [sflag:$0x1] =	stream.indirect_vreg.gather [hbm4b:s5+s4], $0x80, v3, vm0, $0xb8;
	[tilespmem:$0x1FB80] =	vst v63  }
0x13f: {  	s31 =	simm.s32 $0x8B80  }
0x140: {  	[tilespmem:s31], [sflag:$0x1] =	stream.indirect_vreg.gather [hbm4b:s6+s4], $0x80, v3, vm0, $0xb8;
	[tilespmem:$0x1FB80] =	vst v63  }
0x141: {  	v3 =	vld.msk [tilespmem:$0xD8], $0xff;
	_ =	sdelay $0x4  }
0x142: {  	v23 =	vshrl.u32 v3, $0x3  }
0x143: {  	v4 =	vmul.u32 $0x30, v23  }
0x144: {  	v3 =	vand.u32 $0x7, v3  }
0x145: {  	v3 =	vor.u32 v3, v4  }
0x146: {  	v3 =	vperm.xlane v3, v0;
	_ =	sdelay $0x1  }
0x147: {  	v3 =	vadd.s32 v1, v3;
	_ =	sdelay $0x3  }
0x148: {  	s31 =	simm.s32 $0x9380  }
0x149: {  	[tilespmem:s31], [sflag:$0x1] =	stream.indirect_vreg.gather [hbm4b:s1+s4], $0x80, v3, vm0, $0xb8;
	[tilespmem:$0x1FB80] =	vst v63  }
0x14a: {  	s9 =	simm.s32 $0x9B80  }
0x14b: {  	[tilespmem:s9], [sflag:$0x1] =	stream.indirect_vreg.gather [hbm4b:s5+s4], $0x80, v3, vm0, $0xb8;
	[tilespmem:$0x1FB80] =	vst v63  }
0x14c: {  	s18 =	simm.s32 $0xA380  }
0x14d: {  	[tilespmem:s18], [sflag:$0x1] =	stream.indirect_vreg.gather [hbm4b:s6+s4], $0x80, v3, vm0, $0xb8;
	[tilespmem:$0x1FB80] =	vst v63  }
0x14e: {  	_ =	swait.ge [sflag:s14], $0xA800  }
0x14f: {  	[sflag:s14] =	ssyncset.done $0x0  }
0x150: {  	s9 =	simm.s32 $0xAB80;
	s3 =	rddreg [dreg:$0x8];
	[sflag:s14] =	ssyncadd.s32 $0xFFFF5800  }
0x151: {  	[hbm4b:s3+s4] =	stream.linear.scatter [tilespmem:s9], [sflag:$0x5], $0xA800, $0x38;
	[tilespmem:$0x1FB80] =	vst v63  }
0x152: {  	s3 =	simm.s32 $0x5  }
0x153: {  	_ =	swait.ge [sflag:s3], $0xA800  }
0x154: {  	[sflag:s3] =	ssyncset.done $0x0  }
0x155: {  	[sflag:s3] =	ssyncadd.s32 $0xFFFF5800  }
0x156: {  	v3 =	vld [tilespmem:$0xE0];
	_ =	sdelay $0x4  }
0x157: {  	v24 =	vshrl.u32 v3, $0x3  }
0x158: {  	v4 =	vmul.u32 $0x30, v24  }
0x159: {  	v3 =	vand.u32 $0x7, v3  }
0x15a: {  	v3 =	vor.u32 v3, v4  }
0x15b: {  	v4 =	vperm.xlane v3, v0;
	_ =	sdelay $0x1  }
0x15c: {  	v4 =	vadd.s32 v1, v4;
	_ =	sdelay $0x3  }
0x15d: {  	v3 =	vperm.xlane v3, v2  }
0x15e: {  	[tilespmem:s9], [sflag:$0x2] =	stream.indirect_vreg.gather [hbm4b:s1+s4], $0x80, v4, vm0, $0xb8;
	[tilespmem:$0x1FB80] =	vst v63  }
0x15f: {  	s10 =	simm.s32 $0xB380;
	v3 =	vadd.s32 v1, v3  }
0x160: {  	[tilespmem:s10], [sflag:$0x2] =	stream.indirect_vreg.gather [hbm4b:s5+s4], $0x80, v4, vm0, $0xb8;
	[tilespmem:$0x1FB80] =	vst v63  }
0x161: {  	s11 =	simm.s32 $0xBB80  }
0x162: {  	[tilespmem:s11], [sflag:$0x2] =	stream.indirect_vreg.gather [hbm4b:s6+s4], $0x80, v4, vm0, $0xb8;
	[tilespmem:$0x1FB80] =	vst v63  }
0x163: {  	s15 =	simm.s32 $0xC380  }
0x164: {  	[tilespmem:s15], [sflag:$0x2] =	stream.indirect_vreg.gather [hbm4b:s1+s4], $0x80, v3, vm0, $0xb8;
	[tilespmem:$0x1FB80] =	vst v63  }
0x165: {  	s9 =	simm.s32 $0xCB80  }
0x166: {  	[tilespmem:s9], [sflag:$0x2] =	stream.indirect_vreg.gather [hbm4b:s5+s4], $0x80, v3, vm0, $0xb8;
	[tilespmem:$0x1FB80] =	vst v63  }
0x167: {  	s10 =	simm.s32 $0xD380  }
0x168: {  	[tilespmem:s10], [sflag:$0x2] =	stream.indirect_vreg.gather [hbm4b:s6+s4], $0x80, v3, vm0, $0xb8;
	[tilespmem:$0x1FB80] =	vst v63  }
0x169: {  	v3 =	vld [tilespmem:$0xF0];
	_ =	sdelay $0x4  }
0x16a: {  	v25 =	vshrl.u32 v3, $0x3  }
0x16b: {  	v4 =	vmul.u32 $0x30, v25  }
0x16c: {  	v3 =	vand.u32 $0x7, v3  }
0x16d: {  	v3 =	vor.u32 v3, v4  }
0x16e: {  	v4 =	vperm.xlane v3, v0;
	_ =	sdelay $0x1  }
0x16f: {  	v4 =	vadd.s32 v1, v4;
	_ =	sdelay $0x3  }
0x170: {  	s11 =	simm.s32 $0xDB80;
	v3 =	vperm.xlane v3, v2  }
0x171: {  	[tilespmem:s11], [sflag:$0x2] =	stream.indirect_vreg.gather [hbm4b:s1+s4], $0x80, v4, vm0, $0xb8;
	[tilespmem:$0x1FB80] =	vst v63  }
0x172: {  	s15 =	simm.s32 $0xE380;
	v3 =	vadd.s32 v1, v3  }
0x173: {  	[tilespmem:s15], [sflag:$0x2] =	stream.indirect_vreg.gather [hbm4b:s5+s4], $0x80, v4, vm0, $0xb8;
	[tilespmem:$0x1FB80] =	vst v63  }
0x174: {  	s18 =	simm.s32 $0xEB80  }
0x175: {  	[tilespmem:s18], [sflag:$0x2] =	stream.indirect_vreg.gather [hbm4b:s6+s4], $0x80, v4, vm0, $0xb8;
	[tilespmem:$0x1FB80] =	vst v63  }
0x176: {  	s10 =	simm.s32 $0xF380  }
0x177: {  	[tilespmem:s10], [sflag:$0x2] =	stream.indirect_vreg.gather [hbm4b:s1+s4], $0x80, v3, vm0, $0xb8;
	[tilespmem:$0x1FB80] =	vst v63  }
0x178: {  	s11 =	simm.s32 $0xFB80  }
0x179: {  	[tilespmem:s11], [sflag:$0x2] =	stream.indirect_vreg.gather [hbm4b:s5+s4], $0x80, v3, vm0, $0xb8;
	[tilespmem:$0x1FB80] =	vst v63  }
0x17a: {  	s15 =	simm.s32 $0x10380  }
0x17b: {  	[tilespmem:s15], [sflag:$0x2] =	stream.indirect_vreg.gather [hbm4b:s6+s4], $0x80, v3, vm0, $0xb8;
	[tilespmem:$0x1FB80] =	vst v63  }
0x17c: {  	v3 =	vld [tilespmem:$0x100];
	_ =	sdelay $0x4  }
0x17d: {  	v26 =	vshrl.u32 v3, $0x3  }
0x17e: {  	v4 =	vmul.u32 $0x30, v26  }
0x17f: {  	v3 =	vand.u32 $0x7, v3  }
0x180: {  	v3 =	vor.u32 v3, v4  }
0x181: {  	v4 =	vperm.xlane v3, v0;
	_ =	sdelay $0x1  }
0x182: {  	v4 =	vadd.s32 v1, v4;
	_ =	sdelay $0x3  }
0x183: {  	s18 =	simm.s32 $0x10B80;
	v3 =	vperm.xlane v3, v2  }
0x184: {  	[tilespmem:s18], [sflag:$0x2] =	stream.indirect_vreg.gather [hbm4b:s1+s4], $0x80, v4, vm0, $0xb8;
	[tilespmem:$0x1FB80] =	vst v63  }
0x185: {  	s10 =	simm.s32 $0x11380;
	v3 =	vadd.s32 v1, v3  }
0x186: {  	[tilespmem:s10], [sflag:$0x2] =	stream.indirect_vreg.gather [hbm4b:s5+s4], $0x80, v4, vm0, $0xb8;
	[tilespmem:$0x1FB80] =	vst v63  }
0x187: {  	s11 =	simm.s32 $0x11B80  }
0x188: {  	[tilespmem:s11], [sflag:$0x2] =	stream.indirect_vreg.gather [hbm4b:s6+s4], $0x80, v4, vm0, $0xb8;
	[tilespmem:$0x1FB80] =	vst v63  }
0x189: {  	s15 =	simm.s32 $0x12380  }
0x18a: {  	[tilespmem:s15], [sflag:$0x2] =	stream.indirect_vreg.gather [hbm4b:s1+s4], $0x80, v3, vm0, $0xb8;
	[tilespmem:$0x1FB80] =	vst v63  }
0x18b: {  	s18 =	simm.s32 $0x12B80  }
0x18c: {  	[tilespmem:s18], [sflag:$0x2] =	stream.indirect_vreg.gather [hbm4b:s5+s4], $0x80, v3, vm0, $0xb8;
	[tilespmem:$0x1FB80] =	vst v63  }
0x18d: {  	s10 =	simm.s32 $0x13380  }
0x18e: {  	[tilespmem:s10], [sflag:$0x2] =	stream.indirect_vreg.gather [hbm4b:s6+s4], $0x80, v3, vm0, $0xb8;
	[tilespmem:$0x1FB80] =	vst v63  }
0x18f: {  	v3 =	vld.msk [tilespmem:$0x110], $0xff;
	_ =	sdelay $0x4  }
0x190: {  	v27 =	vshrl.u32 v3, $0x3  }
0x191: {  	v4 =	vmul.u32 $0x30, v27  }
0x192: {  	v3 =	vand.u32 $0x7, v3  }
0x193: {  	v3 =	vor.u32 v3, v4  }
0x194: {  	v3 =	vperm.xlane v3, v0;
	_ =	sdelay $0x1  }
0x195: {  	v3 =	vadd.s32 v1, v3;
	_ =	sdelay $0x3  }
0x196: {  	s11 =	simm.s32 $0x13B80  }
0x197: {  	[tilespmem:s11], [sflag:$0x2] =	stream.indirect_vreg.gather [hbm4b:s1+s4], $0x80, v3, vm0, $0xb8;
	[tilespmem:$0x1FB80] =	vst v63  }
0x198: {  	s15 =	simm.s32 $0x14380  }
0x199: {  	[tilespmem:s15], [sflag:$0x2] =	stream.indirect_vreg.gather [hbm4b:s5+s4], $0x80, v3, vm0, $0xb8;
	[tilespmem:$0x1FB80] =	vst v63  }
0x19a: {  	s18 =	simm.s32 $0x14B80  }
0x19b: {  	[tilespmem:s18], [sflag:$0x2] =	stream.indirect_vreg.gather [hbm4b:s6+s4], $0x80, v3, vm0, $0xb8;
	[tilespmem:$0x1FB80] =	vst v63  }
0x19c: {  	_ =	swait.ge [sflag:s16], $0xA800  }
0x19d: {  	[sflag:s16] =	ssyncset.done $0x0  }
0x19e: {  	s11 =	simm.s32 $0x15380;
	s10 =	rddreg [dreg:$0x9];
	[sflag:s16] =	ssyncadd.s32 $0xFFFF5800  }
0x19f: {  	[hbm4b:s10+s4] =	stream.linear.scatter [tilespmem:s11], [sflag:$0x6], $0xA800, $0x38;
	[tilespmem:$0x1FB80] =	vst v63  }
0x1a0: {  	_ =	swait.ge [sflag:s17], $0xA800  }
0x1a1: {  	[sflag:s17] =	ssyncset.done $0x0  }
0x1a2: {  	[sflag:s17] =	ssyncadd.s32 $0xFFFF5800  }
0x1a3: {  	v3 =	vld [tilespmem:$0x118];
	_ =	sdelay $0x4  }
0x1a4: {  	v28 =	vshrl.u32 v3, $0x3  }
0x1a5: {  	v4 =	vmul.u32 $0x30, v28  }
0x1a6: {  	v3 =	vand.u32 $0x7, v3  }
0x1a7: {  	v3 =	vor.u32 v3, v4  }
0x1a8: {  	v4 =	vperm.xlane v3, v0;
	_ =	sdelay $0x1  }
0x1a9: {  	v4 =	vadd.s32 v1, v4;
	_ =	sdelay $0x3  }
0x1aa: {  	v3 =	vperm.xlane v3, v2  }
0x1ab: {  	[tilespmem:s11], [sflag:$0x3] =	stream.indirect_vreg.gather [hbm4b:s1+s4], $0x80, v4, vm0, $0xb8;
	[tilespmem:$0x1FB80] =	vst v63  }
0x1ac: {  	s15 =	simm.s32 $0x15B80;
	v3 =	vadd.s32 v1, v3  }
0x1ad: {  	[tilespmem:s15], [sflag:$0x3] =	stream.indirect_vreg.gather [hbm4b:s5+s4], $0x80, v4, vm0, $0xb8;
	[tilespmem:$0x1FB80] =	vst v63  }
0x1ae: {  	s10 =	simm.s32 $0x16380  }
0x1af: {  	[tilespmem:s10], [sflag:$0x3] =	stream.indirect_vreg.gather [hbm4b:s6+s4], $0x80, v4, vm0, $0xb8;
	[tilespmem:$0x1FB80] =	vst v63  }
0x1b0: {  	s11 =	simm.s32 $0x16B80  }
0x1b1: {  	[tilespmem:s11], [sflag:$0x3] =	stream.indirect_vreg.gather [hbm4b:s1+s4], $0x80, v3, vm0, $0xb8;
	[tilespmem:$0x1FB80] =	vst v63  }
0x1b2: {  	s15 =	simm.s32 $0x17380  }
0x1b3: {  	[tilespmem:s15], [sflag:$0x3] =	stream.indirect_vreg.gather [hbm4b:s5+s4], $0x80, v3, vm0, $0xb8;
	[tilespmem:$0x1FB80] =	vst v63  }
0x1b4: {  	s18 =	simm.s32 $0x17B80  }
0x1b5: {  	[tilespmem:s18], [sflag:$0x3] =	stream.indirect_vreg.gather [hbm4b:s6+s4], $0x80, v3, vm0, $0xb8;
	[tilespmem:$0x1FB80] =	vst v63  }
0x1b6: {  	v3 =	vld [tilespmem:$0x128];
	_ =	sdelay $0x4  }
0x1b7: {  	v29 =	vshrl.u32 v3, $0x3  }
0x1b8: {  	v4 =	vmul.u32 $0x30, v29  }
0x1b9: {  	v3 =	vand.u32 $0x7, v3  }
0x1ba: {  	v3 =	vor.u32 v3, v4  }
0x1bb: {  	v4 =	vperm.xlane v3, v0;
	_ =	sdelay $0x1  }
0x1bc: {  	v4 =	vadd.s32 v1, v4;
	_ =	sdelay $0x3  }
0x1bd: {  	s18 =	simm.s32 $0x18380;
	v3 =	vperm.xlane v3, v2  }
0x1be: {  	[tilespmem:s18], [sflag:$0x3] =	stream.indirect_vreg.gather [hbm4b:s1+s4], $0x80, v4, vm0, $0xb8;
	[tilespmem:$0x1FB80] =	vst v63  }
0x1bf: {  	v3 =	vadd.s32 v1, v3;
	s18 =	simm.s32 $0x18B80  }
0x1c0: {  	[tilespmem:s18], [sflag:$0x3] =	stream.indirect_vreg.gather [hbm4b:s5+s4], $0x80, v4, vm0, $0xb8;
	[tilespmem:$0x1FB80] =	vst v63  }
0x1c1: {  	s18 =	simm.s32 $0x19380  }
0x1c2: {  	[tilespmem:s18], [sflag:$0x3] =	stream.indirect_vreg.gather [hbm4b:s6+s4], $0x80, v4, vm0, $0xb8;
	[tilespmem:$0x1FB80] =	vst v63  }
0x1c3: {  	s18 =	simm.s32 $0x19B80  }
0x1c4: {  	[tilespmem:s18], [sflag:$0x3] =	stream.indirect_vreg.gather [hbm4b:s1+s4], $0x80, v3, vm0, $0xb8;
	[tilespmem:$0x1FB80] =	vst v63  }
0x1c5: {  	s18 =	simm.s32 $0x1A380  }
0x1c6: {  	[tilespmem:s18], [sflag:$0x3] =	stream.indirect_vreg.gather [hbm4b:s5+s4], $0x80, v3, vm0, $0xb8;
	[tilespmem:$0x1FB80] =	vst v63  }
0x1c7: {  	s18 =	simm.s32 $0x1AB80  }
0x1c8: {  	[tilespmem:s18], [sflag:$0x3] =	stream.indirect_vreg.gather [hbm4b:s6+s4], $0x80, v3, vm0, $0xb8;
	[tilespmem:$0x1FB80] =	vst v63  }
0x1c9: {  	v3 =	vld [tilespmem:$0x138];
	_ =	sdelay $0x4  }
0x1ca: {  	v30 =	vshrl.u32 v3, $0x3  }
0x1cb: {  	v4 =	vmul.u32 $0x30, v30  }
0x1cc: {  	v3 =	vand.u32 $0x7, v3  }
0x1cd: {  	v3 =	vor.u32 v3, v4  }
0x1ce: {  	v4 =	vperm.xlane v3, v0;
	_ =	sdelay $0x1  }
0x1cf: {  	v4 =	vadd.s32 v1, v4;
	_ =	sdelay $0x3  }
0x1d0: {  	s18 =	simm.s32 $0x1B380;
	v3 =	vperm.xlane v3, v2  }
0x1d1: {  	[tilespmem:s18], [sflag:$0x3] =	stream.indirect_vreg.gather [hbm4b:s1+s4], $0x80, v4, vm0, $0xb8;
	[tilespmem:$0x1FB80] =	vst v63  }
0x1d2: {  	v3 =	vadd.s32 v1, v3;
	s18 =	simm.s32 $0x1BB80  }
0x1d3: {  	[tilespmem:s18], [sflag:$0x3] =	stream.indirect_vreg.gather [hbm4b:s5+s4], $0x80, v4, vm0, $0xb8;
	[tilespmem:$0x1FB80] =	vst v63  }
0x1d4: {  	s18 =	simm.s32 $0x1C380  }
0x1d5: {  	[tilespmem:s18], [sflag:$0x3] =	stream.indirect_vreg.gather [hbm4b:s6+s4], $0x80, v4, vm0, $0xb8;
	[tilespmem:$0x1FB80] =	vst v63  }
0x1d6: {  	s18 =	simm.s32 $0x1CB80  }
0x1d7: {  	[tilespmem:s18], [sflag:$0x3] =	stream.indirect_vreg.gather [hbm4b:s1+s4], $0x80, v3, vm0, $0xb8;
	[tilespmem:$0x1FB80] =	vst v63  }
0x1d8: {  	s18 =	simm.s32 $0x1D380  }
0x1d9: {  	[tilespmem:s18], [sflag:$0x3] =	stream.indirect_vreg.gather [hbm4b:s5+s4], $0x80, v3, vm0, $0xb8;
	[tilespmem:$0x1FB80] =	vst v63  }
0x1da: {  	s18 =	simm.s32 $0x1DB80  }
0x1db: {  	[tilespmem:s18], [sflag:$0x3] =	stream.indirect_vreg.gather [hbm4b:s6+s4], $0x80, v3, vm0, $0xb8;
	[tilespmem:$0x1FB80] =	vst v63  }
0x1dc: {  	v3 =	vld.msk [tilespmem:$0x148], $0xff;
	_ =	sdelay $0x4  }
0x1dd: {  	v31 =	vshrl.u32 v3, $0x3  }
0x1de: {  	v4 =	vmul.u32 $0x30, v31  }
0x1df: {  	v3 =	vand.u32 $0x7, v3  }
0x1e0: {  	v3 =	vor.u32 v3, v4  }
0x1e1: {  	v3 =	vperm.xlane v3, v0;
	_ =	sdelay $0x1  }
0x1e2: {  	v3 =	vadd.s32 v1, v3;
	_ =	sdelay $0x3  }
0x1e3: {  	s18 =	simm.s32 $0x1E380  }
0x1e4: {  	[tilespmem:s18], [sflag:$0x3] =	stream.indirect_vreg.gather [hbm4b:s1+s4], $0x80, v3, vm0, $0xb8;
	[tilespmem:$0x1FB80] =	vst v63  }
0x1e5: {  	s18 =	simm.s32 $0x1EB80  }
0x1e6: {  	[tilespmem:s18], [sflag:$0x3] =	stream.indirect_vreg.gather [hbm4b:s5+s4], $0x80, v3, vm0, $0xb8;
	[tilespmem:$0x1FB80] =	vst v63  }
0x1e7: {  	s18 =	simm.s32 $0x1F380  }
0x1e8: {  	[tilespmem:s18], [sflag:$0x3] =	stream.indirect_vreg.gather [hbm4b:s6+s4], $0x80, v3, vm0, $0xb8;
	[tilespmem:$0x1FB80] =	vst v63  }
0x1e9: {  	_ =	swait.ge [sflag:s12], $0xA800  }
0x1ea: {  	[sflag:s12] =	ssyncset.done $0x0  }
0x1eb: {  	s0 =	simm.s32 $0x380;
	s18 =	rddreg [dreg:$0xa];
	[sflag:s12] =	ssyncadd.s32 $0xFFFF5800  }
0x1ec: {  	[hbm4b:s18+s4] =	stream.linear.scatter [tilespmem:s0], [sflag:$0x4], $0xA800, $0x38;
	[tilespmem:$0x1FB80] =	vst v63  }
0x1ed: {  	_ =	swait.ge [sflag:s13], $0xA800  }
0x1ee: {  	[sflag:s13] =	ssyncset.done $0x0  }
0x1ef: {  	[sflag:s13] =	ssyncadd.s32 $0xFFFF5800  }
0x1f0: {  	v3 =	vld [tilespmem:$0x150];
	_ =	sdelay $0x4  }
0x1f1: {  	v32 =	vshrl.u32 v3, $0x3  }
0x1f2: {  	v4 =	vmul.u32 $0x30, v32  }
0x1f3: {  	v3 =	vand.u32 $0x7, v3  }
0x1f4: {  	v3 =	vor.u32 v3, v4  }
0x1f5: {  	v4 =	vperm.xlane v3, v0;
	_ =	sdelay $0x1  }
0x1f6: {  	v4 =	vadd.s32 v1, v4;
	_ =	sdelay $0x3  }
0x1f7: {  	v3 =	vperm.xlane v3, v2  }
0x1f8: {  	[tilespmem:s0], [sflag:$0x1] =	stream.indirect_vreg.gather [hbm4b:s1+s4], $0x80, v4, vm0, $0xb8;
	[tilespmem:$0x1FB80] =	vst v63  }
0x1f9: {  	s18 =	simm.s32 $0xB80;
	v3 =	vadd.s32 v1, v3  }
0x1fa: {  	[tilespmem:s18], [sflag:$0x1] =	stream.indirect_vreg.gather [hbm4b:s5+s4], $0x80, v4, vm0, $0xb8;
	[tilespmem:$0x1FB80] =	vst v63  }
0x1fb: {  	_ = 	snop  }
0x1fc: {  	[tilespmem:s19], [sflag:$0x1] =	stream.indirect_vreg.gather [hbm4b:s6+s4], $0x80, v4, vm0, $0xb8;
	[tilespmem:$0x1FB80] =	vst v63  }
0x1fd: {  	_ = 	snop  }
0x1fe: {  	[tilespmem:s20], [sflag:$0x1] =	stream.indirect_vreg.gather [hbm4b:s1+s4], $0x80, v3, vm0, $0xb8;
	[tilespmem:$0x1FB80] =	vst v63  }
0x1ff: {  	_ = 	snop  }
0x200: {  	[tilespmem:s21], [sflag:$0x1] =	stream.indirect_vreg.gather [hbm4b:s5+s4], $0x80, v3, vm0, $0xb8;
	[tilespmem:$0x1FB80] =	vst v63  }
0x201: {  	s19 =	simm.s32 $0x2B80  }
0x202: {  	[tilespmem:s19], [sflag:$0x1] =	stream.indirect_vreg.gather [hbm4b:s6+s4], $0x80, v3, vm0, $0xb8;
	[tilespmem:$0x1FB80] =	vst v63  }
0x203: {  	v3 =	vld [tilespmem:$0x160];
	_ =	sdelay $0x4  }
0x204: {  	v33 =	vshrl.u32 v3, $0x3  }
0x205: {  	v4 =	vmul.u32 $0x30, v33  }
0x206: {  	v3 =	vand.u32 $0x7, v3  }
0x207: {  	v3 =	vor.u32 v3, v4  }
0x208: {  	v4 =	vperm.xlane v3, v0;
	_ =	sdelay $0x1  }
0x209: {  	v4 =	vadd.s32 v1, v4;
	_ =	sdelay $0x3  }
0x20a: {  	s20 =	simm.s32 $0x3380;
	v3 =	vperm.xlane v3, v2  }
0x20b: {  	[tilespmem:s20], [sflag:$0x1] =	stream.indirect_vreg.gather [hbm4b:s1+s4], $0x80, v4, vm0, $0xb8;
	[tilespmem:$0x1FB80] =	vst v63  }
0x20c: {  	v3 =	vadd.s32 v1, v3  }
0x20d: {  	[tilespmem:s22], [sflag:$0x1] =	stream.indirect_vreg.gather [hbm4b:s5+s4], $0x80, v4, vm0, $0xb8;
	[tilespmem:$0x1FB80] =	vst v63  }
0x20e: {  	_ = 	snop  }
0x20f: {  	[tilespmem:s23], [sflag:$0x1] =	stream.indirect_vreg.gather [hbm4b:s6+s4], $0x80, v4, vm0, $0xb8;
	[tilespmem:$0x1FB80] =	vst v63  }
0x210: {  	_ = 	snop  }
0x211: {  	[tilespmem:s24], [sflag:$0x1] =	stream.indirect_vreg.gather [hbm4b:s1+s4], $0x80, v3, vm0, $0xb8;
	[tilespmem:$0x1FB80] =	vst v63  }
0x212: {  	_ = 	snop  }
0x213: {  	[tilespmem:s25], [sflag:$0x1] =	stream.indirect_vreg.gather [hbm4b:s5+s4], $0x80, v3, vm0, $0xb8;
	[tilespmem:$0x1FB80] =	vst v63  }
0x214: {  	s21 =	simm.s32 $0x5B80  }
0x215: {  	[tilespmem:s21], [sflag:$0x1] =	stream.indirect_vreg.gather [hbm4b:s6+s4], $0x80, v3, vm0, $0xb8;
	[tilespmem:$0x1FB80] =	vst v63  }
0x216: {  	v3 =	vld [tilespmem:$0x170];
	_ =	sdelay $0x4  }
0x217: {  	v34 =	vshrl.u32 v3, $0x3  }
0x218: {  	v4 =	vmul.u32 $0x30, v34  }
0x219: {  	v3 =	vand.u32 $0x7, v3  }
0x21a: {  	v3 =	vor.u32 v3, v4  }
0x21b: {  	v4 =	vperm.xlane v3, v0;
	_ =	sdelay $0x1  }
0x21c: {  	v4 =	vadd.s32 v1, v4;
	_ =	sdelay $0x3  }
0x21d: {  	s22 =	simm.s32 $0x6380;
	v3 =	vperm.xlane v3, v2  }
0x21e: {  	[tilespmem:s22], [sflag:$0x1] =	stream.indirect_vreg.gather [hbm4b:s1+s4], $0x80, v4, vm0, $0xb8;
	[tilespmem:$0x1FB80] =	vst v63  }
0x21f: {  	v3 =	vadd.s32 v1, v3  }
0x220: {  	[tilespmem:s26], [sflag:$0x1] =	stream.indirect_vreg.gather [hbm4b:s5+s4], $0x80, v4, vm0, $0xb8;
	[tilespmem:$0x1FB80] =	vst v63  }
0x221: {  	_ = 	snop  }
0x222: {  	[tilespmem:s28], [sflag:$0x1] =	stream.indirect_vreg.gather [hbm4b:s6+s4], $0x80, v4, vm0, $0xb8;
	[tilespmem:$0x1FB80] =	vst v63  }
0x223: {  	_ = 	snop  }
0x224: {  	[tilespmem:s29], [sflag:$0x1] =	stream.indirect_vreg.gather [hbm4b:s1+s4], $0x80, v3, vm0, $0xb8;
	[tilespmem:$0x1FB80] =	vst v63  }
0x225: {  	_ = 	snop  }
0x226: {  	[tilespmem:s30], [sflag:$0x1] =	stream.indirect_vreg.gather [hbm4b:s5+s4], $0x80, v3, vm0, $0xb8;
	[tilespmem:$0x1FB80] =	vst v63  }
0x227: {  	s18 =	simm.s32 $0x8B80  }
0x228: {  	[tilespmem:s18], [sflag:$0x1] =	stream.indirect_vreg.gather [hbm4b:s6+s4], $0x80, v3, vm0, $0xb8;
	[tilespmem:$0x1FB80] =	vst v63  }
0x229: {  	v3 =	vld.msk [tilespmem:$0x180], $0xff;
	_ =	sdelay $0x4  }
0x22a: {  	v35 =	vshrl.u32 v3, $0x3  }
0x22b: {  	v4 =	vmul.u32 $0x30, v35  }
0x22c: {  	v3 =	vand.u32 $0x7, v3  }
0x22d: {  	v3 =	vor.u32 v3, v4  }
0x22e: {  	v3 =	vperm.xlane v3, v0;
	_ =	sdelay $0x1  }
0x22f: {  	v3 =	vadd.s32 v1, v3;
	_ =	sdelay $0x4  }
0x230: {  	[tilespmem:s31], [sflag:$0x1] =	stream.indirect_vreg.gather [hbm4b:s1+s4], $0x80, v3, vm0, $0xb8;
	[tilespmem:$0x1FB80] =	vst v63  }
0x231: {  	s19 =	simm.s32 $0x9B80  }
0x232: {  	[tilespmem:s19], [sflag:$0x1] =	stream.indirect_vreg.gather [hbm4b:s5+s4], $0x80, v3, vm0, $0xb8;
	[tilespmem:$0x1FB80] =	vst v63  }
0x233: {  	s20 =	simm.s32 $0xA380  }
0x234: {  	[tilespmem:s20], [sflag:$0x1] =	stream.indirect_vreg.gather [hbm4b:s6+s4], $0x80, v3, vm0, $0xb8;
	[tilespmem:$0x1FB80] =	vst v63  }
0x235: {  	_ =	swait.ge [sflag:s14], $0xA800  }
0x236: {  	[sflag:s14] =	ssyncset.done $0x0  }
0x237: {  	s22 =	simm.s32 $0xAB80;
	s21 =	rddreg [dreg:$0xb];
	[sflag:s14] =	ssyncadd.s32 $0xFFFF5800  }
0x238: {  	[hbm4b:s21+s4] =	stream.linear.scatter [tilespmem:s22], [sflag:$0x5], $0xA800, $0x38;
	[tilespmem:$0x1FB80] =	vst v63  }
0x239: {  	_ =	swait.ge [sflag:s3], $0xA800  }
0x23a: {  	[sflag:s3] =	ssyncset.done $0x0  }
0x23b: {  	[sflag:s3] =	ssyncadd.s32 $0xFFFF5800  }
0x23c: {  	v3 =	vld [tilespmem:$0x188];
	_ =	sdelay $0x4  }
0x23d: {  	v36 =	vshrl.u32 v3, $0x3  }
0x23e: {  	v4 =	vmul.u32 $0x30, v36  }
0x23f: {  	v3 =	vand.u32 $0x7, v3  }
0x240: {  	v3 =	vor.u32 v3, v4  }
0x241: {  	v4 =	vperm.xlane v3, v0;
	_ =	sdelay $0x1  }
0x242: {  	v4 =	vadd.s32 v1, v4;
	_ =	sdelay $0x3  }
0x243: {  	v3 =	vperm.xlane v3, v2  }
0x244: {  	[tilespmem:s22], [sflag:$0x2] =	stream.indirect_vreg.gather [hbm4b:s1+s4], $0x80, v4, vm0, $0xb8;
	[tilespmem:$0x1FB80] =	vst v63  }
0x245: {  	s21 =	simm.s32 $0xB380;
	v3 =	vadd.s32 v1, v3  }
0x246: {  	[tilespmem:s21], [sflag:$0x2] =	stream.indirect_vreg.gather [hbm4b:s5+s4], $0x80, v4, vm0, $0xb8;
	[tilespmem:$0x1FB80] =	vst v63  }
0x247: {  	s19 =	simm.s32 $0xBB80  }
0x248: {  	[tilespmem:s19], [sflag:$0x2] =	stream.indirect_vreg.gather [hbm4b:s6+s4], $0x80, v4, vm0, $0xb8;
	[tilespmem:$0x1FB80] =	vst v63  }
0x249: {  	s20 =	simm.s32 $0xC380  }
0x24a: {  	[tilespmem:s20], [sflag:$0x2] =	stream.indirect_vreg.gather [hbm4b:s1+s4], $0x80, v3, vm0, $0xb8;
	[tilespmem:$0x1FB80] =	vst v63  }
0x24b: {  	_ = 	snop  }
0x24c: {  	[tilespmem:s9], [sflag:$0x2] =	stream.indirect_vreg.gather [hbm4b:s5+s4], $0x80, v3, vm0, $0xb8;
	[tilespmem:$0x1FB80] =	vst v63  }
0x24d: {  	s9 =	simm.s32 $0xD380  }
0x24e: {  	[tilespmem:s9], [sflag:$0x2] =	stream.indirect_vreg.gather [hbm4b:s6+s4], $0x80, v3, vm0, $0xb8;
	[tilespmem:$0x1FB80] =	vst v63  }
0x24f: {  	v3 =	vld [tilespmem:$0x198];
	_ =	sdelay $0x4  }
0x250: {  	v37 =	vshrl.u32 v3, $0x3  }
0x251: {  	v4 =	vmul.u32 $0x30, v37  }
0x252: {  	v3 =	vand.u32 $0x7, v3  }
0x253: {  	v3 =	vor.u32 v3, v4  }
0x254: {  	v4 =	vperm.xlane v3, v0;
	_ =	sdelay $0x1  }
0x255: {  	v4 =	vadd.s32 v1, v4;
	_ =	sdelay $0x3  }
0x256: {  	s18 =	simm.s32 $0xDB80;
	v3 =	vperm.xlane v3, v2  }
0x257: {  	[tilespmem:s18], [sflag:$0x2] =	stream.indirect_vreg.gather [hbm4b:s1+s4], $0x80, v4, vm0, $0xb8;
	[tilespmem:$0x1FB80] =	vst v63  }
0x258: {  	s9 =	simm.s32 $0xE380;
	v3 =	vadd.s32 v1, v3  }
0x259: {  	[tilespmem:s9], [sflag:$0x2] =	stream.indirect_vreg.gather [hbm4b:s5+s4], $0x80, v4, vm0, $0xb8;
	[tilespmem:$0x1FB80] =	vst v63  }
0x25a: {  	s18 =	simm.s32 $0xEB80  }
0x25b: {  	[tilespmem:s18], [sflag:$0x2] =	stream.indirect_vreg.gather [hbm4b:s6+s4], $0x80, v4, vm0, $0xb8;
	[tilespmem:$0x1FB80] =	vst v63  }
0x25c: {  	s9 =	simm.s32 $0xF380  }
0x25d: {  	[tilespmem:s9], [sflag:$0x2] =	stream.indirect_vreg.gather [hbm4b:s1+s4], $0x80, v3, vm0, $0xb8;
	[tilespmem:$0x1FB80] =	vst v63  }
0x25e: {  	s18 =	simm.s32 $0xFB80  }
0x25f: {  	[tilespmem:s18], [sflag:$0x2] =	stream.indirect_vreg.gather [hbm4b:s5+s4], $0x80, v3, vm0, $0xb8;
	[tilespmem:$0x1FB80] =	vst v63  }
0x260: {  	s9 =	simm.s32 $0x10380  }
0x261: {  	[tilespmem:s9], [sflag:$0x2] =	stream.indirect_vreg.gather [hbm4b:s6+s4], $0x80, v3, vm0, $0xb8;
	[tilespmem:$0x1FB80] =	vst v63  }
0x262: {  	v3 =	vld [tilespmem:$0x1A8];
	_ =	sdelay $0x4  }
0x263: {  	v38 =	vshrl.u32 v3, $0x3  }
0x264: {  	v4 =	vmul.u32 $0x30, v38  }
0x265: {  	v3 =	vand.u32 $0x7, v3  }
0x266: {  	v3 =	vor.u32 v3, v4  }
0x267: {  	v4 =	vperm.xlane v3, v0;
	_ =	sdelay $0x1  }
0x268: {  	v4 =	vadd.s32 v1, v4;
	_ =	sdelay $0x3  }
0x269: {  	s18 =	simm.s32 $0x10B80;
	v3 =	vperm.xlane v3, v2  }
0x26a: {  	[tilespmem:s18], [sflag:$0x2] =	stream.indirect_vreg.gather [hbm4b:s1+s4], $0x80, v4, vm0, $0xb8;
	[tilespmem:$0x1FB80] =	vst v63  }
0x26b: {  	s9 =	simm.s32 $0x11380;
	v3 =	vadd.s32 v1, v3  }
0x26c: {  	[tilespmem:s9], [sflag:$0x2] =	stream.indirect_vreg.gather [hbm4b:s5+s4], $0x80, v4, vm0, $0xb8;
	[tilespmem:$0x1FB80] =	vst v63  }
0x26d: {  	s18 =	simm.s32 $0x11B80  }
0x26e: {  	[tilespmem:s18], [sflag:$0x2] =	stream.indirect_vreg.gather [hbm4b:s6+s4], $0x80, v4, vm0, $0xb8;
	[tilespmem:$0x1FB80] =	vst v63  }
0x26f: {  	s9 =	simm.s32 $0x12380  }
0x270: {  	[tilespmem:s9], [sflag:$0x2] =	stream.indirect_vreg.gather [hbm4b:s1+s4], $0x80, v3, vm0, $0xb8;
	[tilespmem:$0x1FB80] =	vst v63  }
0x271: {  	s18 =	simm.s32 $0x12B80  }
0x272: {  	[tilespmem:s18], [sflag:$0x2] =	stream.indirect_vreg.gather [hbm4b:s5+s4], $0x80, v3, vm0, $0xb8;
	[tilespmem:$0x1FB80] =	vst v63  }
0x273: {  	s9 =	simm.s32 $0x13380  }
0x274: {  	[tilespmem:s9], [sflag:$0x2] =	stream.indirect_vreg.gather [hbm4b:s6+s4], $0x80, v3, vm0, $0xb8;
	[tilespmem:$0x1FB80] =	vst v63  }
0x275: {  	v3 =	vld.msk [tilespmem:$0x1B8], $0xff;
	_ =	sdelay $0x4  }
0x276: {  	v39 =	vshrl.u32 v3, $0x3  }
0x277: {  	v4 =	vmul.u32 $0x30, v39  }
0x278: {  	v3 =	vand.u32 $0x7, v3  }
0x279: {  	v3 =	vor.u32 v3, v4  }
0x27a: {  	v3 =	vperm.xlane v3, v0;
	_ =	sdelay $0x1  }
0x27b: {  	v3 =	vadd.s32 v1, v3;
	_ =	sdelay $0x3  }
0x27c: {  	s18 =	simm.s32 $0x13B80  }
0x27d: {  	[tilespmem:s18], [sflag:$0x2] =	stream.indirect_vreg.gather [hbm4b:s1+s4], $0x80, v3, vm0, $0xb8;
	[tilespmem:$0x1FB80] =	vst v63  }
0x27e: {  	s9 =	simm.s32 $0x14380  }
0x27f: {  	[tilespmem:s9], [sflag:$0x2] =	stream.indirect_vreg.gather [hbm4b:s5+s4], $0x80, v3, vm0, $0xb8;
	[tilespmem:$0x1FB80] =	vst v63  }
0x280: {  	s18 =	simm.s32 $0x14B80  }
0x281: {  	[tilespmem:s18], [sflag:$0x2] =	stream.indirect_vreg.gather [hbm4b:s6+s4], $0x80, v3, vm0, $0xb8;
	[tilespmem:$0x1FB80] =	vst v63  }
0x282: {  	_ =	swait.ge [sflag:s16], $0xA800  }
0x283: {  	[sflag:s16] =	ssyncset.done $0x0  }
0x284: {  	s0 =	simm.s32 $0x15380;
	s9 =	rddreg [dreg:$0xc];
	[sflag:s16] =	ssyncadd.s32 $0xFFFF5800  }
0x285: {  	[hbm4b:s9+s4] =	stream.linear.scatter [tilespmem:s0], [sflag:$0x6], $0xA800, $0x38;
	[tilespmem:$0x1FB80] =	vst v63  }
0x286: {  	_ =	swait.ge [sflag:s17], $0xA800  }
0x287: {  	[sflag:s17] =	ssyncset.done $0x0  }
0x288: {  	[sflag:s17] =	ssyncadd.s32 $0xFFFF5800  }
0x289: {  	v3 =	vld [tilespmem:$0x1C0];
	_ =	sdelay $0x4  }
0x28a: {  	v40 =	vshrl.u32 v3, $0x3  }
0x28b: {  	v4 =	vmul.u32 $0x30, v40  }
0x28c: {  	v3 =	vand.u32 $0x7, v3  }
0x28d: {  	v3 =	vor.u32 v3, v4  }
0x28e: {  	v4 =	vperm.xlane v3, v0;
	_ =	sdelay $0x1  }
0x28f: {  	v4 =	vadd.s32 v1, v4;
	_ =	sdelay $0x3  }
0x290: {  	v3 =	vperm.xlane v3, v2  }
0x291: {  	[tilespmem:s0], [sflag:$0x3] =	stream.indirect_vreg.gather [hbm4b:s1+s4], $0x80, v4, vm0, $0xb8;
	[tilespmem:$0x1FB80] =	vst v63  }
0x292: {  	s18 =	simm.s32 $0x15B80;
	v3 =	vadd.s32 v1, v3  }
0x293: {  	[tilespmem:s18], [sflag:$0x3] =	stream.indirect_vreg.gather [hbm4b:s5+s4], $0x80, v4, vm0, $0xb8;
	[tilespmem:$0x1FB80] =	vst v63  }
0x294: {  	_ = 	snop  }
0x295: {  	[tilespmem:s10], [sflag:$0x3] =	stream.indirect_vreg.gather [hbm4b:s6+s4], $0x80, v4, vm0, $0xb8;
	[tilespmem:$0x1FB80] =	vst v63  }
0x296: {  	_ = 	snop  }
0x297: {  	[tilespmem:s11], [sflag:$0x3] =	stream.indirect_vreg.gather [hbm4b:s1+s4], $0x80, v3, vm0, $0xb8;
	[tilespmem:$0x1FB80] =	vst v63  }
0x298: {  	_ = 	snop  }
0x299: {  	[tilespmem:s15], [sflag:$0x3] =	stream.indirect_vreg.gather [hbm4b:s5+s4], $0x80, v3, vm0, $0xb8;
	[tilespmem:$0x1FB80] =	vst v63  }
0x29a: {  	s10 =	simm.s32 $0x17B80  }
0x29b: {  	[tilespmem:s10], [sflag:$0x3] =	stream.indirect_vreg.gather [hbm4b:s6+s4], $0x80, v3, vm0, $0xb8;
	[tilespmem:$0x1FB80] =	vst v63  }
0x29c: {  	v3 =	vld [tilespmem:$0x1D0];
	_ =	sdelay $0x4  }
0x29d: {  	v41 =	vshrl.u32 v3, $0x3  }
0x29e: {  	v4 =	vmul.u32 $0x30, v41  }
0x29f: {  	v3 =	vand.u32 $0x7, v3  }
0x2a0: {  	v3 =	vor.u32 v3, v4  }
0x2a1: {  	v4 =	vperm.xlane v3, v0;
	_ =	sdelay $0x1  }
0x2a2: {  	v4 =	vadd.s32 v1, v4;
	_ =	sdelay $0x3  }
0x2a3: {  	s18 =	simm.s32 $0x18380;
	v3 =	vperm.xlane v3, v2  }
0x2a4: {  	[tilespmem:s18], [sflag:$0x3] =	stream.indirect_vreg.gather [hbm4b:s1+s4], $0x80, v4, vm0, $0xb8;
	[tilespmem:$0x1FB80] =	vst v63  }
0x2a5: {  	s10 =	simm.s32 $0x18B80;
	v3 =	vadd.s32 v1, v3  }
0x2a6: {  	[tilespmem:s10], [sflag:$0x3] =	stream.indirect_vreg.gather [hbm4b:s5+s4], $0x80, v4, vm0, $0xb8;
	[tilespmem:$0x1FB80] =	vst v63  }
0x2a7: {  	s18 =	simm.s32 $0x19380  }
0x2a8: {  	[tilespmem:s18], [sflag:$0x3] =	stream.indirect_vreg.gather [hbm4b:s6+s4], $0x80, v4, vm0, $0xb8;
	[tilespmem:$0x1FB80] =	vst v63  }
0x2a9: {  	s10 =	simm.s32 $0x19B80  }
0x2aa: {  	[tilespmem:s10], [sflag:$0x3] =	stream.indirect_vreg.gather [hbm4b:s1+s4], $0x80, v3, vm0, $0xb8;
	[tilespmem:$0x1FB80] =	vst v63  }
0x2ab: {  	s18 =	simm.s32 $0x1A380  }
0x2ac: {  	[tilespmem:s18], [sflag:$0x3] =	stream.indirect_vreg.gather [hbm4b:s5+s4], $0x80, v3, vm0, $0xb8;
	[tilespmem:$0x1FB80] =	vst v63  }
0x2ad: {  	s10 =	simm.s32 $0x1AB80  }
0x2ae: {  	[tilespmem:s10], [sflag:$0x3] =	stream.indirect_vreg.gather [hbm4b:s6+s4], $0x80, v3, vm0, $0xb8;
	[tilespmem:$0x1FB80] =	vst v63  }
0x2af: {  	v3 =	vld [tilespmem:$0x1E0];
	_ =	sdelay $0x4  }
0x2b0: {  	v42 =	vshrl.u32 v3, $0x3  }
0x2b1: {  	v4 =	vmul.u32 $0x30, v42  }
0x2b2: {  	v3 =	vand.u32 $0x7, v3  }
0x2b3: {  	v3 =	vor.u32 v3, v4  }
0x2b4: {  	v4 =	vperm.xlane v3, v0;
	_ =	sdelay $0x1  }
0x2b5: {  	v4 =	vadd.s32 v1, v4;
	_ =	sdelay $0x3  }
0x2b6: {  	s18 =	simm.s32 $0x1B380;
	v3 =	vperm.xlane v3, v2  }
0x2b7: {  	[tilespmem:s18], [sflag:$0x3] =	stream.indirect_vreg.gather [hbm4b:s1+s4], $0x80, v4, vm0, $0xb8;
	[tilespmem:$0x1FB80] =	vst v63  }
0x2b8: {  	s10 =	simm.s32 $0x1BB80;
	v3 =	vadd.s32 v1, v3  }
0x2b9: {  	[tilespmem:s10], [sflag:$0x3] =	stream.indirect_vreg.gather [hbm4b:s5+s4], $0x80, v4, vm0, $0xb8;
	[tilespmem:$0x1FB80] =	vst v63  }
0x2ba: {  	s18 =	simm.s32 $0x1C380  }
0x2bb: {  	[tilespmem:s18], [sflag:$0x3] =	stream.indirect_vreg.gather [hbm4b:s6+s4], $0x80, v4, vm0, $0xb8;
	[tilespmem:$0x1FB80] =	vst v63  }
0x2bc: {  	s10 =	simm.s32 $0x1CB80  }
0x2bd: {  	[tilespmem:s10], [sflag:$0x3] =	stream.indirect_vreg.gather [hbm4b:s1+s4], $0x80, v3, vm0, $0xb8;
	[tilespmem:$0x1FB80] =	vst v63  }
0x2be: {  	s18 =	simm.s32 $0x1D380  }
0x2bf: {  	[tilespmem:s18], [sflag:$0x3] =	stream.indirect_vreg.gather [hbm4b:s5+s4], $0x80, v3, vm0, $0xb8;
	[tilespmem:$0x1FB80] =	vst v63  }
0x2c0: {  	s10 =	simm.s32 $0x1DB80  }
0x2c1: {  	[tilespmem:s10], [sflag:$0x3] =	stream.indirect_vreg.gather [hbm4b:s6+s4], $0x80, v3, vm0, $0xb8;
	[tilespmem:$0x1FB80] =	vst v63  }
0x2c2: {  	v3 =	vld.msk [tilespmem:$0x1F0], $0xff;
	_ =	sdelay $0x4  }
0x2c3: {  	v43 =	vshrl.u32 v3, $0x3  }
0x2c4: {  	v4 =	vmul.u32 $0x30, v43  }
0x2c5: {  	v3 =	vand.u32 $0x7, v3  }
0x2c6: {  	v3 =	vor.u32 v3, v4  }
0x2c7: {  	v3 =	vperm.xlane v3, v0;
	_ =	sdelay $0x1  }
0x2c8: {  	v3 =	vadd.s32 v1, v3;
	_ =	sdelay $0x3  }
0x2c9: {  	s18 =	simm.s32 $0x1E380  }
0x2ca: {  	[tilespmem:s18], [sflag:$0x3] =	stream.indirect_vreg.gather [hbm4b:s1+s4], $0x80, v3, vm0, $0xb8;
	[tilespmem:$0x1FB80] =	vst v63  }
0x2cb: {  	s10 =	simm.s32 $0x1EB80  }
0x2cc: {  	[tilespmem:s10], [sflag:$0x3] =	stream.indirect_vreg.gather [hbm4b:s5+s4], $0x80, v3, vm0, $0xb8;
	[tilespmem:$0x1FB80] =	vst v63  }
0x2cd: {  	s18 =	simm.s32 $0x1F380  }
0x2ce: {  	[tilespmem:s18], [sflag:$0x3] =	stream.indirect_vreg.gather [hbm4b:s6+s4], $0x80, v3, vm0, $0xb8;
	[tilespmem:$0x1FB80] =	vst v63  }
0x2cf: {  	_ =	swait.ge [sflag:s12], $0xA800  }
0x2d0: {  	[sflag:s12] =	ssyncset.done $0x0  }
0x2d1: {  	s0 =	simm.s32 $0x380;
	s10 =	rddreg [dreg:$0xd];
	[sflag:s12] =	ssyncadd.s32 $0xFFFF5800  }
0x2d2: {  	[hbm4b:s10+s4] =	stream.linear.scatter [tilespmem:s0], [sflag:$0x4], $0xA800, $0x38;
	[tilespmem:$0x1FB80] =	vst v63  }
0x2d3: {  	_ =	swait.ge [sflag:s13], $0xA800  }
0x2d4: {  	[sflag:s13] =	ssyncset.done $0x0  }
0x2d5: {  	[sflag:s13] =	ssyncadd.s32 $0xFFFF5800  }
0x2d6: {  	v3 =	vld [tilespmem:$0x1F8];
	_ =	sdelay $0x4  }
0x2d7: {  	v44 =	vshrl.u32 v3, $0x3  }
0x2d8: {  	v4 =	vmul.u32 $0x30, v44  }
0x2d9: {  	v3 =	vand.u32 $0x7, v3  }
0x2da: {  	v3 =	vor.u32 v3, v4  }
0x2db: {  	v4 =	vperm.xlane v3, v0;
	_ =	sdelay $0x1  }
0x2dc: {  	v4 =	vadd.s32 v1, v4;
	_ =	sdelay $0x3  }
0x2dd: {  	v3 =	vperm.xlane v3, v2  }
0x2de: {  	[tilespmem:s0], [sflag:$0x1] =	stream.indirect_vreg.gather [hbm4b:s1+s4], $0x80, v4, vm0, $0xb8;
	[tilespmem:$0x1FB80] =	vst v63  }
0x2df: {  	s18 =	simm.s32 $0xB80;
	v3 =	vadd.s32 v1, v3  }
0x2e0: {  	[tilespmem:s18], [sflag:$0x1] =	stream.indirect_vreg.gather [hbm4b:s5+s4], $0x80, v4, vm0, $0xb8;
	[tilespmem:$0x1FB80] =	vst v63  }
0x2e1: {  	s18 =	simm.s32 $0x1380  }
0x2e2: {  	[tilespmem:s18], [sflag:$0x1] =	stream.indirect_vreg.gather [hbm4b:s6+s4], $0x80, v4, vm0, $0xb8;
	[tilespmem:$0x1FB80] =	vst v63  }
0x2e3: {  	s18 =	simm.s32 $0x1B80  }
0x2e4: {  	[tilespmem:s18], [sflag:$0x1] =	stream.indirect_vreg.gather [hbm4b:s1+s4], $0x80, v3, vm0, $0xb8;
	[tilespmem:$0x1FB80] =	vst v63  }
0x2e5: {  	s18 =	simm.s32 $0x2380  }
0x2e6: {  	[tilespmem:s18], [sflag:$0x1] =	stream.indirect_vreg.gather [hbm4b:s5+s4], $0x80, v3, vm0, $0xb8;
	[tilespmem:$0x1FB80] =	vst v63  }
0x2e7: {  	s18 =	simm.s32 $0x2B80  }
0x2e8: {  	[tilespmem:s18], [sflag:$0x1] =	stream.indirect_vreg.gather [hbm4b:s6+s4], $0x80, v3, vm0, $0xb8;
	[tilespmem:$0x1FB80] =	vst v63  }
0x2e9: {  	v3 =	vld [tilespmem:$0x208];
	_ =	sdelay $0x4  }
0x2ea: {  	v45 =	vshrl.u32 v3, $0x3  }
0x2eb: {  	v4 =	vmul.u32 $0x30, v45  }
0x2ec: {  	v3 =	vand.u32 $0x7, v3  }
0x2ed: {  	v3 =	vor.u32 v3, v4  }
0x2ee: {  	v4 =	vperm.xlane v3, v0;
	_ =	sdelay $0x1  }
0x2ef: {  	v4 =	vadd.s32 v1, v4;
	_ =	sdelay $0x3  }
0x2f0: {  	s18 =	simm.s32 $0x3380;
	v3 =	vperm.xlane v3, v2  }
0x2f1: {  	[tilespmem:s18], [sflag:$0x1] =	stream.indirect_vreg.gather [hbm4b:s1+s4], $0x80, v4, vm0, $0xb8;
	[tilespmem:$0x1FB80] =	vst v63  }
0x2f2: {  	v3 =	vadd.s32 v1, v3;
	s18 =	simm.s32 $0x3B80  }
0x2f3: {  	[tilespmem:s18], [sflag:$0x1] =	stream.indirect_vreg.gather [hbm4b:s5+s4], $0x80, v4, vm0, $0xb8;
	[tilespmem:$0x1FB80] =	vst v63  }
0x2f4: {  	s23 =	simm.s32 $0x4380  }
0x2f5: {  	[tilespmem:s23], [sflag:$0x1] =	stream.indirect_vreg.gather [hbm4b:s6+s4], $0x80, v4, vm0, $0xb8;
	[tilespmem:$0x1FB80] =	vst v63  }
0x2f6: {  	s24 =	simm.s32 $0x4B80  }
0x2f7: {  	[tilespmem:s24], [sflag:$0x1] =	stream.indirect_vreg.gather [hbm4b:s1+s4], $0x80, v3, vm0, $0xb8;
	[tilespmem:$0x1FB80] =	vst v63  }
0x2f8: {  	s25 =	simm.s32 $0x5380  }
0x2f9: {  	[tilespmem:s25], [sflag:$0x1] =	stream.indirect_vreg.gather [hbm4b:s5+s4], $0x80, v3, vm0, $0xb8;
	[tilespmem:$0x1FB80] =	vst v63  }
0x2fa: {  	s18 =	simm.s32 $0x5B80  }
0x2fb: {  	[tilespmem:s18], [sflag:$0x1] =	stream.indirect_vreg.gather [hbm4b:s6+s4], $0x80, v3, vm0, $0xb8;
	[tilespmem:$0x1FB80] =	vst v63  }
0x2fc: {  	v3 =	vld [tilespmem:$0x218];
	_ =	sdelay $0x4  }
0x2fd: {  	v46 =	vshrl.u32 v3, $0x3  }
0x2fe: {  	v4 =	vmul.u32 $0x30, v46  }
0x2ff: {  	v3 =	vand.u32 $0x7, v3  }
0x300: {  	v3 =	vor.u32 v3, v4  }
0x301: {  	v4 =	vperm.xlane v3, v0;
	_ =	sdelay $0x1  }
0x302: {  	v4 =	vadd.s32 v1, v4;
	_ =	sdelay $0x3  }
0x303: {  	s18 =	simm.s32 $0x6380;
	v3 =	vperm.xlane v3, v2  }
0x304: {  	[tilespmem:s18], [sflag:$0x1] =	stream.indirect_vreg.gather [hbm4b:s1+s4], $0x80, v4, vm0, $0xb8;
	[tilespmem:$0x1FB80] =	vst v63  }
0x305: {  	s26 =	simm.s32 $0x6B80;
	v3 =	vadd.s32 v1, v3  }
0x306: {  	[tilespmem:s26], [sflag:$0x1] =	stream.indirect_vreg.gather [hbm4b:s5+s4], $0x80, v4, vm0, $0xb8;
	[tilespmem:$0x1FB80] =	vst v63  }
0x307: {  	s28 =	simm.s32 $0x7380  }
0x308: {  	[tilespmem:s28], [sflag:$0x1] =	stream.indirect_vreg.gather [hbm4b:s6+s4], $0x80, v4, vm0, $0xb8;
	[tilespmem:$0x1FB80] =	vst v63  }
0x309: {  	s29 =	simm.s32 $0x7B80  }
0x30a: {  	[tilespmem:s29], [sflag:$0x1] =	stream.indirect_vreg.gather [hbm4b:s1+s4], $0x80, v3, vm0, $0xb8;
	[tilespmem:$0x1FB80] =	vst v63  }
0x30b: {  	s30 =	simm.s32 $0x8380  }
0x30c: {  	[tilespmem:s30], [sflag:$0x1] =	stream.indirect_vreg.gather [hbm4b:s5+s4], $0x80, v3, vm0, $0xb8;
	[tilespmem:$0x1FB80] =	vst v63  }
0x30d: {  	s18 =	simm.s32 $0x8B80  }
0x30e: {  	[tilespmem:s18], [sflag:$0x1] =	stream.indirect_vreg.gather [hbm4b:s6+s4], $0x80, v3, vm0, $0xb8;
	[tilespmem:$0x1FB80] =	vst v63  }
0x30f: {  	v3 =	vld.msk [tilespmem:$0x228], $0xff;
	_ =	sdelay $0x4  }
0x310: {  	v47 =	vshrl.u32 v3, $0x3  }
0x311: {  	v4 =	vmul.u32 $0x30, v47  }
0x312: {  	v3 =	vand.u32 $0x7, v3  }
0x313: {  	v3 =	vor.u32 v3, v4  }
0x314: {  	v3 =	vperm.xlane v3, v0;
	_ =	sdelay $0x1  }
0x315: {  	v3 =	vadd.s32 v1, v3;
	_ =	sdelay $0x3  }
0x316: {  	s31 =	simm.s32 $0x9380  }
0x317: {  	[tilespmem:s31], [sflag:$0x1] =	stream.indirect_vreg.gather [hbm4b:s1+s4], $0x80, v3, vm0, $0xb8;
	[tilespmem:$0x1FB80] =	vst v63  }
0x318: {  	s18 =	simm.s32 $0x9B80  }
0x319: {  	[tilespmem:s18], [sflag:$0x1] =	stream.indirect_vreg.gather [hbm4b:s5+s4], $0x80, v3, vm0, $0xb8;
	[tilespmem:$0x1FB80] =	vst v63  }
0x31a: {  	s0 =	simm.s32 $0xA380  }
0x31b: {  	[tilespmem:s0], [sflag:$0x1] =	stream.indirect_vreg.gather [hbm4b:s6+s4], $0x80, v3, vm0, $0xb8;
	[tilespmem:$0x1FB80] =	vst v63  }
0x31c: {  	_ =	swait.ge [sflag:s14], $0xA800  }
0x31d: {  	[sflag:s14] =	ssyncset.done $0x0  }
0x31e: {  	s22 =	simm.s32 $0xAB80;
	s18 =	rddreg [dreg:$0xe];
	[sflag:s14] =	ssyncadd.s32 $0xFFFF5800  }
0x31f: {  	[hbm4b:s18+s4] =	stream.linear.scatter [tilespmem:s22], [sflag:$0x5], $0xA800, $0x38;
	[tilespmem:$0x1FB80] =	vst v63  }
0x320: {  	_ =	swait.ge [sflag:s3], $0xA800  }
0x321: {  	[sflag:s3] =	ssyncset.done $0x0  }
0x322: {  	[sflag:s3] =	ssyncadd.s32 $0xFFFF5800  }
0x323: {  	v3 =	vld [tilespmem:$0x230];
	_ =	sdelay $0x4  }
0x324: {  	v48 =	vshrl.u32 v3, $0x3  }
0x325: {  	v4 =	vmul.u32 $0x30, v48  }
0x326: {  	v3 =	vand.u32 $0x7, v3  }
0x327: {  	v3 =	vor.u32 v3, v4  }
0x328: {  	v4 =	vperm.xlane v3, v0;
	_ =	sdelay $0x1  }
0x329: {  	v4 =	vadd.s32 v1, v4;
	_ =	sdelay $0x3  }
0x32a: {  	v3 =	vperm.xlane v3, v2  }
0x32b: {  	[tilespmem:s22], [sflag:$0x2] =	stream.indirect_vreg.gather [hbm4b:s1+s4], $0x80, v4, vm0, $0xb8;
	[tilespmem:$0x1FB80] =	vst v63  }
0x32c: {  	v3 =	vadd.s32 v1, v3  }
0x32d: {  	[tilespmem:s21], [sflag:$0x2] =	stream.indirect_vreg.gather [hbm4b:s5+s4], $0x80, v4, vm0, $0xb8;
	[tilespmem:$0x1FB80] =	vst v63  }
0x32e: {  	_ = 	snop  }
0x32f: {  	[tilespmem:s19], [sflag:$0x2] =	stream.indirect_vreg.gather [hbm4b:s6+s4], $0x80, v4, vm0, $0xb8;
	[tilespmem:$0x1FB80] =	vst v63  }
0x330: {  	_ = 	snop  }
0x331: {  	[tilespmem:s20], [sflag:$0x2] =	stream.indirect_vreg.gather [hbm4b:s1+s4], $0x80, v3, vm0, $0xb8;
	[tilespmem:$0x1FB80] =	vst v63  }
0x332: {  	s18 =	simm.s32 $0xCB80  }
0x333: {  	[tilespmem:s18], [sflag:$0x2] =	stream.indirect_vreg.gather [hbm4b:s5+s4], $0x80, v3, vm0, $0xb8;
	[tilespmem:$0x1FB80] =	vst v63  }
0x334: {  	s18 =	simm.s32 $0xD380  }
0x335: {  	[tilespmem:s18], [sflag:$0x2] =	stream.indirect_vreg.gather [hbm4b:s6+s4], $0x80, v3, vm0, $0xb8;
	[tilespmem:$0x1FB80] =	vst v63  }
0x336: {  	v3 =	vld [tilespmem:$0x240];
	_ =	sdelay $0x4  }
0x337: {  	v49 =	vshrl.u32 v3, $0x3  }
0x338: {  	v4 =	vmul.u32 $0x30, v49  }
0x339: {  	v3 =	vand.u32 $0x7, v3  }
0x33a: {  	v3 =	vor.u32 v3, v4  }
0x33b: {  	v4 =	vperm.xlane v3, v0;
	_ =	sdelay $0x1  }
0x33c: {  	v4 =	vadd.s32 v1, v4;
	_ =	sdelay $0x3  }
0x33d: {  	s18 =	simm.s32 $0xDB80;
	v3 =	vperm.xlane v3, v2  }
0x33e: {  	[tilespmem:s18], [sflag:$0x2] =	stream.indirect_vreg.gather [hbm4b:s1+s4], $0x80, v4, vm0, $0xb8;
	[tilespmem:$0x1FB80] =	vst v63  }
0x33f: {  	v3 =	vadd.s32 v1, v3;
	s18 =	simm.s32 $0xE380  }
0x340: {  	[tilespmem:s18], [sflag:$0x2] =	stream.indirect_vreg.gather [hbm4b:s5+s4], $0x80, v4, vm0, $0xb8;
	[tilespmem:$0x1FB80] =	vst v63  }
0x341: {  	s18 =	simm.s32 $0xEB80  }
0x342: {  	[tilespmem:s18], [sflag:$0x2] =	stream.indirect_vreg.gather [hbm4b:s6+s4], $0x80, v4, vm0, $0xb8;
	[tilespmem:$0x1FB80] =	vst v63  }
0x343: {  	s18 =	simm.s32 $0xF380  }
0x344: {  	[tilespmem:s18], [sflag:$0x2] =	stream.indirect_vreg.gather [hbm4b:s1+s4], $0x80, v3, vm0, $0xb8;
	[tilespmem:$0x1FB80] =	vst v63  }
0x345: {  	s18 =	simm.s32 $0xFB80  }
0x346: {  	[tilespmem:s18], [sflag:$0x2] =	stream.indirect_vreg.gather [hbm4b:s5+s4], $0x80, v3, vm0, $0xb8;
	[tilespmem:$0x1FB80] =	vst v63  }
0x347: {  	s18 =	simm.s32 $0x10380  }
0x348: {  	[tilespmem:s18], [sflag:$0x2] =	stream.indirect_vreg.gather [hbm4b:s6+s4], $0x80, v3, vm0, $0xb8;
	[tilespmem:$0x1FB80] =	vst v63  }
0x349: {  	v3 =	vld [tilespmem:$0x250];
	_ =	sdelay $0x4  }
0x34a: {  	v50 =	vshrl.u32 v3, $0x3  }
0x34b: {  	v4 =	vmul.u32 $0x30, v50  }
0x34c: {  	v3 =	vand.u32 $0x7, v3  }
0x34d: {  	v3 =	vor.u32 v3, v4  }
0x34e: {  	v4 =	vperm.xlane v3, v0;
	_ =	sdelay $0x1  }
0x34f: {  	v4 =	vadd.s32 v1, v4;
	_ =	sdelay $0x3  }
0x350: {  	s18 =	simm.s32 $0x10B80;
	v3 =	vperm.xlane v3, v2  }
0x351: {  	[tilespmem:s18], [sflag:$0x2] =	stream.indirect_vreg.gather [hbm4b:s1+s4], $0x80, v4, vm0, $0xb8;
	[tilespmem:$0x1FB80] =	vst v63  }
0x352: {  	v3 =	vadd.s32 v1, v3;
	s18 =	simm.s32 $0x11380  }
0x353: {  	[tilespmem:s18], [sflag:$0x2] =	stream.indirect_vreg.gather [hbm4b:s5+s4], $0x80, v4, vm0, $0xb8;
	[tilespmem:$0x1FB80] =	vst v63  }
0x354: {  	s18 =	simm.s32 $0x11B80  }
0x355: {  	[tilespmem:s18], [sflag:$0x2] =	stream.indirect_vreg.gather [hbm4b:s6+s4], $0x80, v4, vm0, $0xb8;
	[tilespmem:$0x1FB80] =	vst v63  }
0x356: {  	s18 =	simm.s32 $0x12380  }
0x357: {  	[tilespmem:s18], [sflag:$0x2] =	stream.indirect_vreg.gather [hbm4b:s1+s4], $0x80, v3, vm0, $0xb8;
	[tilespmem:$0x1FB80] =	vst v63  }
0x358: {  	s18 =	simm.s32 $0x12B80  }
0x359: {  	[tilespmem:s18], [sflag:$0x2] =	stream.indirect_vreg.gather [hbm4b:s5+s4], $0x80, v3, vm0, $0xb8;
	[tilespmem:$0x1FB80] =	vst v63  }
0x35a: {  	s18 =	simm.s32 $0x13380  }
0x35b: {  	[tilespmem:s18], [sflag:$0x2] =	stream.indirect_vreg.gather [hbm4b:s6+s4], $0x80, v3, vm0, $0xb8;
	[tilespmem:$0x1FB80] =	vst v63  }
0x35c: {  	v3 =	vld.msk [tilespmem:$0x260], $0xff;
	_ =	sdelay $0x4  }
0x35d: {  	v51 =	vshrl.u32 v3, $0x3  }
0x35e: {  	v4 =	vmul.u32 $0x30, v51  }
0x35f: {  	v3 =	vand.u32 $0x7, v3  }
0x360: {  	v3 =	vor.u32 v3, v4  }
0x361: {  	v3 =	vperm.xlane v3, v0;
	_ =	sdelay $0x1  }
0x362: {  	v3 =	vadd.s32 v1, v3;
	_ =	sdelay $0x3  }
0x363: {  	s18 =	simm.s32 $0x13B80  }
0x364: {  	[tilespmem:s18], [sflag:$0x2] =	stream.indirect_vreg.gather [hbm4b:s1+s4], $0x80, v3, vm0, $0xb8;
	[tilespmem:$0x1FB80] =	vst v63  }
0x365: {  	s18 =	simm.s32 $0x14380  }
0x366: {  	[tilespmem:s18], [sflag:$0x2] =	stream.indirect_vreg.gather [hbm4b:s5+s4], $0x80, v3, vm0, $0xb8;
	[tilespmem:$0x1FB80] =	vst v63  }
0x367: {  	s18 =	simm.s32 $0x14B80  }
0x368: {  	[tilespmem:s18], [sflag:$0x2] =	stream.indirect_vreg.gather [hbm4b:s6+s4], $0x80, v3, vm0, $0xb8;
	[tilespmem:$0x1FB80] =	vst v63  }
0x369: {  	_ =	swait.ge [sflag:s16], $0xA800  }
0x36a: {  	[sflag:s16] =	ssyncset.done $0x0  }
0x36b: {  	s9 =	simm.s32 $0x15380;
	s18 =	rddreg [dreg:$0xf];
	[sflag:s16] =	ssyncadd.s32 $0xFFFF5800  }
0x36c: {  	[hbm4b:s18+s4] =	stream.linear.scatter [tilespmem:s9], [sflag:$0x6], $0xA800, $0x38;
	[tilespmem:$0x1FB80] =	vst v63  }
0x36d: {  	_ =	swait.ge [sflag:s17], $0xA800  }
0x36e: {  	[sflag:s17] =	ssyncset.done $0x0  }
0x36f: {  	[sflag:s17] =	ssyncadd.s32 $0xFFFF5800  }
0x370: {  	v3 =	vld [tilespmem:$0x268];
	_ =	sdelay $0x4  }
0x371: {  	v52 =	vshrl.u32 v3, $0x3  }
0x372: {  	v4 =	vmul.u32 $0x30, v52  }
0x373: {  	v3 =	vand.u32 $0x7, v3  }
0x374: {  	v3 =	vor.u32 v3, v4  }
0x375: {  	v4 =	vperm.xlane v3, v0;
	_ =	sdelay $0x1  }
0x376: {  	v4 =	vadd.s32 v1, v4;
	_ =	sdelay $0x3  }
0x377: {  	v3 =	vperm.xlane v3, v2  }
0x378: {  	[tilespmem:s9], [sflag:$0x3] =	stream.indirect_vreg.gather [hbm4b:s1+s4], $0x80, v4, vm0, $0xb8;
	[tilespmem:$0x1FB80] =	vst v63  }
0x379: {  	s18 =	simm.s32 $0x15B80;
	v3 =	vadd.s32 v1, v3  }
0x37a: {  	[tilespmem:s18], [sflag:$0x3] =	stream.indirect_vreg.gather [hbm4b:s5+s4], $0x80, v4, vm0, $0xb8;
	[tilespmem:$0x1FB80] =	vst v63  }
0x37b: {  	s18 =	simm.s32 $0x16380  }
0x37c: {  	[tilespmem:s18], [sflag:$0x3] =	stream.indirect_vreg.gather [hbm4b:s6+s4], $0x80, v4, vm0, $0xb8;
	[tilespmem:$0x1FB80] =	vst v63  }
0x37d: {  	s11 =	simm.s32 $0x16B80  }
0x37e: {  	[tilespmem:s11], [sflag:$0x3] =	stream.indirect_vreg.gather [hbm4b:s1+s4], $0x80, v3, vm0, $0xb8;
	[tilespmem:$0x1FB80] =	vst v63  }
0x37f: {  	s15 =	simm.s32 $0x17380  }
0x380: {  	[tilespmem:s15], [sflag:$0x3] =	stream.indirect_vreg.gather [hbm4b:s5+s4], $0x80, v3, vm0, $0xb8;
	[tilespmem:$0x1FB80] =	vst v63  }
0x381: {  	s18 =	simm.s32 $0x17B80  }
0x382: {  	[tilespmem:s18], [sflag:$0x3] =	stream.indirect_vreg.gather [hbm4b:s6+s4], $0x80, v3, vm0, $0xb8;
	[tilespmem:$0x1FB80] =	vst v63  }
0x383: {  	v3 =	vld [tilespmem:$0x278];
	_ =	sdelay $0x4  }
0x384: {  	v53 =	vshrl.u32 v3, $0x3  }
0x385: {  	v4 =	vmul.u32 $0x30, v53  }
0x386: {  	v3 =	vand.u32 $0x7, v3  }
0x387: {  	v3 =	vor.u32 v3, v4  }
0x388: {  	v4 =	vperm.xlane v3, v0;
	_ =	sdelay $0x1  }
0x389: {  	v4 =	vadd.s32 v1, v4;
	_ =	sdelay $0x3  }
0x38a: {  	s18 =	simm.s32 $0x18380;
	v3 =	vperm.xlane v3, v2  }
0x38b: {  	[tilespmem:s18], [sflag:$0x3] =	stream.indirect_vreg.gather [hbm4b:s1+s4], $0x80, v4, vm0, $0xb8;
	[tilespmem:$0x1FB80] =	vst v63  }
0x38c: {  	v3 =	vadd.s32 v1, v3;
	s18 =	simm.s32 $0x18B80  }
0x38d: {  	[tilespmem:s18], [sflag:$0x3] =	stream.indirect_vreg.gather [hbm4b:s5+s4], $0x80, v4, vm0, $0xb8;
	[tilespmem:$0x1FB80] =	vst v63  }
0x38e: {  	s18 =	simm.s32 $0x19380  }
0x38f: {  	[tilespmem:s18], [sflag:$0x3] =	stream.indirect_vreg.gather [hbm4b:s6+s4], $0x80, v4, vm0, $0xb8;
	[tilespmem:$0x1FB80] =	vst v63  }
0x390: {  	s18 =	simm.s32 $0x19B80  }
0x391: {  	[tilespmem:s18], [sflag:$0x3] =	stream.indirect_vreg.gather [hbm4b:s1+s4], $0x80, v3, vm0, $0xb8;
	[tilespmem:$0x1FB80] =	vst v63  }
0x392: {  	s18 =	simm.s32 $0x1A380  }
0x393: {  	[tilespmem:s18], [sflag:$0x3] =	stream.indirect_vreg.gather [hbm4b:s5+s4], $0x80, v3, vm0, $0xb8;
	[tilespmem:$0x1FB80] =	vst v63  }
0x394: {  	s18 =	simm.s32 $0x1AB80  }
0x395: {  	[tilespmem:s18], [sflag:$0x3] =	stream.indirect_vreg.gather [hbm4b:s6+s4], $0x80, v3, vm0, $0xb8;
	[tilespmem:$0x1FB80] =	vst v63  }
0x396: {  	v3 =	vld [tilespmem:$0x288];
	_ =	sdelay $0x4  }
0x397: {  	v54 =	vshrl.u32 v3, $0x3  }
0x398: {  	v4 =	vmul.u32 $0x30, v54  }
0x399: {  	v3 =	vand.u32 $0x7, v3  }
0x39a: {  	v3 =	vor.u32 v3, v4  }
0x39b: {  	v4 =	vperm.xlane v3, v0;
	_ =	sdelay $0x1  }
0x39c: {  	v4 =	vadd.s32 v1, v4;
	_ =	sdelay $0x3  }
0x39d: {  	s18 =	simm.s32 $0x1B380;
	v3 =	vperm.xlane v3, v2  }
0x39e: {  	[tilespmem:s18], [sflag:$0x3] =	stream.indirect_vreg.gather [hbm4b:s1+s4], $0x80, v4, vm0, $0xb8;
	[tilespmem:$0x1FB80] =	vst v63  }
0x39f: {  	v3 =	vadd.s32 v1, v3;
	s18 =	simm.s32 $0x1BB80  }
0x3a0: {  	[tilespmem:s18], [sflag:$0x3] =	stream.indirect_vreg.gather [hbm4b:s5+s4], $0x80, v4, vm0, $0xb8;
	[tilespmem:$0x1FB80] =	vst v63  }
0x3a1: {  	s18 =	simm.s32 $0x1C380  }
0x3a2: {  	[tilespmem:s18], [sflag:$0x3] =	stream.indirect_vreg.gather [hbm4b:s6+s4], $0x80, v4, vm0, $0xb8;
	[tilespmem:$0x1FB80] =	vst v63  }
0x3a3: {  	s18 =	simm.s32 $0x1CB80  }
0x3a4: {  	[tilespmem:s18], [sflag:$0x3] =	stream.indirect_vreg.gather [hbm4b:s1+s4], $0x80, v3, vm0, $0xb8;
	[tilespmem:$0x1FB80] =	vst v63  }
0x3a5: {  	s18 =	simm.s32 $0x1D380  }
0x3a6: {  	[tilespmem:s18], [sflag:$0x3] =	stream.indirect_vreg.gather [hbm4b:s5+s4], $0x80, v3, vm0, $0xb8;
	[tilespmem:$0x1FB80] =	vst v63  }
0x3a7: {  	s18 =	simm.s32 $0x1DB80  }
0x3a8: {  	[tilespmem:s18], [sflag:$0x3] =	stream.indirect_vreg.gather [hbm4b:s6+s4], $0x80, v3, vm0, $0xb8;
	[tilespmem:$0x1FB80] =	vst v63  }
0x3a9: {  	v3 =	vld.msk [tilespmem:$0x298], $0xff;
	_ =	sdelay $0x4  }
0x3aa: {  	v55 =	vshrl.u32 v3, $0x3  }
0x3ab: {  	v4 =	vmul.u32 $0x30, v55  }
0x3ac: {  	v3 =	vand.u32 $0x7, v3  }
0x3ad: {  	v3 =	vor.u32 v3, v4  }
0x3ae: {  	v3 =	vperm.xlane v3, v0;
	_ =	sdelay $0x1  }
0x3af: {  	v3 =	vadd.s32 v1, v3;
	_ =	sdelay $0x3  }
0x3b0: {  	s18 =	simm.s32 $0x1E380  }
0x3b1: {  	[tilespmem:s18], [sflag:$0x3] =	stream.indirect_vreg.gather [hbm4b:s1+s4], $0x80, v3, vm0, $0xb8;
	[tilespmem:$0x1FB80] =	vst v63  }
0x3b2: {  	s18 =	simm.s32 $0x1EB80  }
0x3b3: {  	[tilespmem:s18], [sflag:$0x3] =	stream.indirect_vreg.gather [hbm4b:s5+s4], $0x80, v3, vm0, $0xb8;
	[tilespmem:$0x1FB80] =	vst v63  }
0x3b4: {  	s18 =	simm.s32 $0x1F380  }
0x3b5: {  	[tilespmem:s18], [sflag:$0x3] =	stream.indirect_vreg.gather [hbm4b:s6+s4], $0x80, v3, vm0, $0xb8;
	[tilespmem:$0x1FB80] =	vst v63  }
0x3b6: {  	_ =	swait.ge [sflag:s12], $0xA800  }
0x3b7: {  	[sflag:s12] =	ssyncset.done $0x0  }
0x3b8: {  	s10 =	simm.s32 $0x380;
	s18 =	rddreg [dreg:$0x10];
	[sflag:s12] =	ssyncadd.s32 $0xFFFF5800  }
0x3b9: {  	[hbm4b:s18+s4] =	stream.linear.scatter [tilespmem:s10], [sflag:$0x4], $0xA800, $0x38;
	[tilespmem:$0x1FB80] =	vst v63  }
0x3ba: {  	_ =	swait.ge [sflag:s13], $0xA800  }
0x3bb: {  	[sflag:s13] =	ssyncset.done $0x0  }
0x3bc: {  	[sflag:s13] =	ssyncadd.s32 $0xFFFF5800  }
0x3bd: {  	v3 =	vld [tilespmem:$0x2A0];
	_ =	sdelay $0x4  }
0x3be: {  	v56 =	vshrl.u32 v3, $0x3  }
0x3bf: {  	v4 =	vmul.u32 $0x30, v56  }
0x3c0: {  	v3 =	vand.u32 $0x7, v3  }
0x3c1: {  	v3 =	vor.u32 v3, v4  }
0x3c2: {  	v4 =	vperm.xlane v3, v0;
	_ =	sdelay $0x1  }
0x3c3: {  	v4 =	vadd.s32 v1, v4;
	_ =	sdelay $0x3  }
0x3c4: {  	v3 =	vperm.xlane v3, v2  }
0x3c5: {  	[tilespmem:s10], [sflag:$0x1] =	stream.indirect_vreg.gather [hbm4b:s1+s4], $0x80, v4, vm0, $0xb8;
	[tilespmem:$0x1FB80] =	vst v63  }
0x3c6: {  	s18 =	simm.s32 $0xB80;
	v3 =	vadd.s32 v1, v3  }
0x3c7: {  	[tilespmem:s18], [sflag:$0x1] =	stream.indirect_vreg.gather [hbm4b:s5+s4], $0x80, v4, vm0, $0xb8;
	[tilespmem:$0x1FB80] =	vst v63  }
0x3c8: {  	s18 =	simm.s32 $0x1380  }
0x3c9: {  	[tilespmem:s18], [sflag:$0x1] =	stream.indirect_vreg.gather [hbm4b:s6+s4], $0x80, v4, vm0, $0xb8;
	[tilespmem:$0x1FB80] =	vst v63  }
0x3ca: {  	s18 =	simm.s32 $0x1B80  }
0x3cb: {  	[tilespmem:s18], [sflag:$0x1] =	stream.indirect_vreg.gather [hbm4b:s1+s4], $0x80, v3, vm0, $0xb8;
	[tilespmem:$0x1FB80] =	vst v63  }
0x3cc: {  	s18 =	simm.s32 $0x2380  }
0x3cd: {  	[tilespmem:s18], [sflag:$0x1] =	stream.indirect_vreg.gather [hbm4b:s5+s4], $0x80, v3, vm0, $0xb8;
	[tilespmem:$0x1FB80] =	vst v63  }
0x3ce: {  	s18 =	simm.s32 $0x2B80  }
0x3cf: {  	[tilespmem:s18], [sflag:$0x1] =	stream.indirect_vreg.gather [hbm4b:s6+s4], $0x80, v3, vm0, $0xb8;
	[tilespmem:$0x1FB80] =	vst v63  }
0x3d0: {  	v3 =	vld [tilespmem:$0x2B0];
	_ =	sdelay $0x4  }
0x3d1: {  	v57 =	vshrl.u32 v3, $0x3  }
0x3d2: {  	v4 =	vmul.u32 $0x30, v57  }
0x3d3: {  	v3 =	vand.u32 $0x7, v3  }
0x3d4: {  	v3 =	vor.u32 v3, v4  }
0x3d5: {  	v4 =	vperm.xlane v3, v0;
	_ =	sdelay $0x1  }
0x3d6: {  	v4 =	vadd.s32 v1, v4;
	_ =	sdelay $0x3  }
0x3d7: {  	s18 =	simm.s32 $0x3380;
	v3 =	vperm.xlane v3, v2  }
0x3d8: {  	[tilespmem:s18], [sflag:$0x1] =	stream.indirect_vreg.gather [hbm4b:s1+s4], $0x80, v4, vm0, $0xb8;
	[tilespmem:$0x1FB80] =	vst v63  }
0x3d9: {  	v3 =	vadd.s32 v1, v3;
	s18 =	simm.s32 $0x3B80  }
0x3da: {  	[tilespmem:s18], [sflag:$0x1] =	stream.indirect_vreg.gather [hbm4b:s5+s4], $0x80, v4, vm0, $0xb8;
	[tilespmem:$0x1FB80] =	vst v63  }
0x3db: {  	s23 =	simm.s32 $0x4380  }
0x3dc: {  	[tilespmem:s23], [sflag:$0x1] =	stream.indirect_vreg.gather [hbm4b:s6+s4], $0x80, v4, vm0, $0xb8;
	[tilespmem:$0x1FB80] =	vst v63  }
0x3dd: {  	s24 =	simm.s32 $0x4B80  }
0x3de: {  	[tilespmem:s24], [sflag:$0x1] =	stream.indirect_vreg.gather [hbm4b:s1+s4], $0x80, v3, vm0, $0xb8;
	[tilespmem:$0x1FB80] =	vst v63  }
0x3df: {  	s25 =	simm.s32 $0x5380  }
0x3e0: {  	[tilespmem:s25], [sflag:$0x1] =	stream.indirect_vreg.gather [hbm4b:s5+s4], $0x80, v3, vm0, $0xb8;
	[tilespmem:$0x1FB80] =	vst v63  }
0x3e1: {  	s18 =	simm.s32 $0x5B80  }
0x3e2: {  	[tilespmem:s18], [sflag:$0x1] =	stream.indirect_vreg.gather [hbm4b:s6+s4], $0x80, v3, vm0, $0xb8;
	[tilespmem:$0x1FB80] =	vst v63  }
0x3e3: {  	v3 =	vld [tilespmem:$0x2C0];
	_ =	sdelay $0x4  }
0x3e4: {  	v58 =	vshrl.u32 v3, $0x3  }
0x3e5: {  	v4 =	vmul.u32 $0x30, v58  }
0x3e6: {  	v3 =	vand.u32 $0x7, v3  }
0x3e7: {  	v3 =	vor.u32 v3, v4  }
0x3e8: {  	v4 =	vperm.xlane v3, v0;
	_ =	sdelay $0x1  }
0x3e9: {  	v4 =	vadd.s32 v1, v4;
	_ =	sdelay $0x3  }
0x3ea: {  	s18 =	simm.s32 $0x6380;
	v3 =	vperm.xlane v3, v2  }
0x3eb: {  	[tilespmem:s18], [sflag:$0x1] =	stream.indirect_vreg.gather [hbm4b:s1+s4], $0x80, v4, vm0, $0xb8;
	[tilespmem:$0x1FB80] =	vst v63  }
0x3ec: {  	s26 =	simm.s32 $0x6B80;
	v3 =	vadd.s32 v1, v3  }
0x3ed: {  	[tilespmem:s26], [sflag:$0x1] =	stream.indirect_vreg.gather [hbm4b:s5+s4], $0x80, v4, vm0, $0xb8;
	[tilespmem:$0x1FB80] =	vst v63  }
0x3ee: {  	s28 =	simm.s32 $0x7380  }
0x3ef: {  	[tilespmem:s28], [sflag:$0x1] =	stream.indirect_vreg.gather [hbm4b:s6+s4], $0x80, v4, vm0, $0xb8;
	[tilespmem:$0x1FB80] =	vst v63  }
0x3f0: {  	s29 =	simm.s32 $0x7B80  }
0x3f1: {  	[tilespmem:s29], [sflag:$0x1] =	stream.indirect_vreg.gather [hbm4b:s1+s4], $0x80, v3, vm0, $0xb8;
	[tilespmem:$0x1FB80] =	vst v63  }
0x3f2: {  	s30 =	simm.s32 $0x8380  }
0x3f3: {  	[tilespmem:s30], [sflag:$0x1] =	stream.indirect_vreg.gather [hbm4b:s5+s4], $0x80, v3, vm0, $0xb8;
	[tilespmem:$0x1FB80] =	vst v63  }
0x3f4: {  	s18 =	simm.s32 $0x8B80  }
0x3f5: {  	[tilespmem:s18], [sflag:$0x1] =	stream.indirect_vreg.gather [hbm4b:s6+s4], $0x80, v3, vm0, $0xb8;
	[tilespmem:$0x1FB80] =	vst v63  }
0x3f6: {  	v3 =	vld.msk [tilespmem:$0x2D0], $0xff;
	_ =	sdelay $0x4  }
0x3f7: {  	v59 =	vshrl.u32 v3, $0x3  }
0x3f8: {  	v4 =	vmul.u32 $0x30, v59  }
0x3f9: {  	v3 =	vand.u32 $0x7, v3  }
0x3fa: {  	v3 =	vor.u32 v3, v4  }
0x3fb: {  	v3 =	vperm.xlane v3, v0;
	_ =	sdelay $0x1  }
0x3fc: {  	v3 =	vadd.s32 v1, v3;
	_ =	sdelay $0x3  }
0x3fd: {  	s31 =	simm.s32 $0x9380  }
0x3fe: {  	[tilespmem:s31], [sflag:$0x1] =	stream.indirect_vreg.gather [hbm4b:s1+s4], $0x80, v3, vm0, $0xb8;
	[tilespmem:$0x1FB80] =	vst v63  }
0x3ff: {  	s18 =	simm.s32 $0x9B80  }
0x400: {  	[tilespmem:s18], [sflag:$0x1] =	stream.indirect_vreg.gather [hbm4b:s5+s4], $0x80, v3, vm0, $0xb8;
	[tilespmem:$0x1FB80] =	vst v63  }
0x401: {  	_ = 	snop  }
0x402: {  	[tilespmem:s0], [sflag:$0x1] =	stream.indirect_vreg.gather [hbm4b:s6+s4], $0x80, v3, vm0, $0xb8;
	[tilespmem:$0x1FB80] =	vst v63  }
0x403: {  	_ =	swait.ge [sflag:s14], $0xA800  }
0x404: {  	[sflag:s14] =	ssyncset.done $0x0  }
0x405: {  	s0 =	rddreg [dreg:$0x11];
	[sflag:s14] =	ssyncadd.s32 $0xFFFF5800  }
0x406: {  	[hbm4b:s0+s4] =	stream.linear.scatter [tilespmem:s22], [sflag:$0x5], $0xA800, $0x38;
	[tilespmem:$0x1FB80] =	vst v63  }
0x407: {  	_ =	swait.ge [sflag:s3], $0xA800  }
0x408: {  	[sflag:s3] =	ssyncset.done $0x0  }
0x409: {  	[sflag:s3] =	ssyncadd.s32 $0xFFFF5800  }
0x40a: {  	v3 =	vld [tilespmem:$0x2D8];
	_ =	sdelay $0x4  }
0x40b: {  	v60 =	vshrl.u32 v3, $0x3  }
0x40c: {  	v4 =	vmul.u32 $0x30, v60  }
0x40d: {  	v3 =	vand.u32 $0x7, v3  }
0x40e: {  	v3 =	vor.u32 v3, v4  }
0x40f: {  	v4 =	vperm.xlane v3, v0;
	_ =	sdelay $0x1  }
0x410: {  	v4 =	vadd.s32 v1, v4;
	_ =	sdelay $0x3  }
0x411: {  	v3 =	vperm.xlane v3, v2  }
0x412: {  	[tilespmem:s22], [sflag:$0x2] =	stream.indirect_vreg.gather [hbm4b:s1+s4], $0x80, v4, vm0, $0xb8;
	[tilespmem:$0x1FB80] =	vst v63  }
0x413: {  	s21 =	simm.s32 $0xB380;
	v3 =	vadd.s32 v1, v3  }
0x414: {  	[tilespmem:s21], [sflag:$0x2] =	stream.indirect_vreg.gather [hbm4b:s5+s4], $0x80, v4, vm0, $0xb8;
	[tilespmem:$0x1FB80] =	vst v63  }
0x415: {  	s19 =	simm.s32 $0xBB80  }
0x416: {  	[tilespmem:s19], [sflag:$0x2] =	stream.indirect_vreg.gather [hbm4b:s6+s4], $0x80, v4, vm0, $0xb8;
	[tilespmem:$0x1FB80] =	vst v63  }
0x417: {  	s20 =	simm.s32 $0xC380  }
0x418: {  	[tilespmem:s20], [sflag:$0x2] =	stream.indirect_vreg.gather [hbm4b:s1+s4], $0x80, v3, vm0, $0xb8;
	[tilespmem:$0x1FB80] =	vst v63  }
0x419: {  	s19 =	simm.s32 $0xCB80  }
0x41a: {  	[tilespmem:s19], [sflag:$0x2] =	stream.indirect_vreg.gather [hbm4b:s5+s4], $0x80, v3, vm0, $0xb8;
	[tilespmem:$0x1FB80] =	vst v63  }
0x41b: {  	s19 =	simm.s32 $0xD380  }
0x41c: {  	[tilespmem:s19], [sflag:$0x2] =	stream.indirect_vreg.gather [hbm4b:s6+s4], $0x80, v3, vm0, $0xb8;
	[tilespmem:$0x1FB80] =	vst v63  }
0x41d: {  	v3 =	vld [tilespmem:$0x2E8];
	_ =	sdelay $0x4  }
0x41e: {  	v61 =	vshrl.u32 v3, $0x3  }
0x41f: {  	v4 =	vmul.u32 $0x30, v61  }
0x420: {  	v3 =	vand.u32 $0x7, v3  }
0x421: {  	v3 =	vor.u32 v3, v4  }
0x422: {  	v4 =	vperm.xlane v3, v0;
	_ =	sdelay $0x1  }
0x423: {  	v4 =	vadd.s32 v1, v4;
	_ =	sdelay $0x3  }
0x424: {  	s19 =	simm.s32 $0xDB80;
	v3 =	vperm.xlane v3, v2  }
0x425: {  	[tilespmem:s19], [sflag:$0x2] =	stream.indirect_vreg.gather [hbm4b:s1+s4], $0x80, v4, vm0, $0xb8;
	[tilespmem:$0x1FB80] =	vst v63  }
0x426: {  	v3 =	vadd.s32 v1, v3;
	s19 =	simm.s32 $0xE380  }
0x427: {  	[tilespmem:s19], [sflag:$0x2] =	stream.indirect_vreg.gather [hbm4b:s5+s4], $0x80, v4, vm0, $0xb8;
	[tilespmem:$0x1FB80] =	vst v63  }
0x428: {  	s19 =	simm.s32 $0xEB80  }
0x429: {  	[tilespmem:s19], [sflag:$0x2] =	stream.indirect_vreg.gather [hbm4b:s6+s4], $0x80, v4, vm0, $0xb8;
	[tilespmem:$0x1FB80] =	vst v63  }
0x42a: {  	s19 =	simm.s32 $0xF380  }
0x42b: {  	[tilespmem:s19], [sflag:$0x2] =	stream.indirect_vreg.gather [hbm4b:s1+s4], $0x80, v3, vm0, $0xb8;
	[tilespmem:$0x1FB80] =	vst v63  }
0x42c: {  	s19 =	simm.s32 $0xFB80  }
0x42d: {  	[tilespmem:s19], [sflag:$0x2] =	stream.indirect_vreg.gather [hbm4b:s5+s4], $0x80, v3, vm0, $0xb8;
	[tilespmem:$0x1FB80] =	vst v63  }
0x42e: {  	s19 =	simm.s32 $0x10380  }
0x42f: {  	[tilespmem:s19], [sflag:$0x2] =	stream.indirect_vreg.gather [hbm4b:s6+s4], $0x80, v3, vm0, $0xb8;
	[tilespmem:$0x1FB80] =	vst v63  }
0x430: {  	v3 =	vld [tilespmem:$0x2F8];
	_ =	sdelay $0x4  }
0x431: {  	v62 =	vshrl.u32 v3, $0x3  }
0x432: {  	v4 =	vmul.u32 $0x30, v62  }
0x433: {  	v3 =	vand.u32 $0x7, v3  }
0x434: {  	v3 =	vor.u32 v3, v4  }
0x435: {  	v4 =	vperm.xlane v3, v0;
	_ =	sdelay $0x1  }
0x436: {  	v4 =	vadd.s32 v1, v4;
	_ =	sdelay $0x3  }
0x437: {  	s19 =	simm.s32 $0x10B80;
	v3 =	vperm.xlane v3, v2  }
0x438: {  	[tilespmem:s19], [sflag:$0x2] =	stream.indirect_vreg.gather [hbm4b:s1+s4], $0x80, v4, vm0, $0xb8;
	[tilespmem:$0x1FB80] =	vst v63  }
0x439: {  	v3 =	vadd.s32 v1, v3;
	s19 =	simm.s32 $0x11380  }
0x43a: {  	[tilespmem:s19], [sflag:$0x2] =	stream.indirect_vreg.gather [hbm4b:s5+s4], $0x80, v4, vm0, $0xb8;
	[tilespmem:$0x1FB80] =	vst v63  }
0x43b: {  	s19 =	simm.s32 $0x11B80  }
0x43c: {  	[tilespmem:s19], [sflag:$0x2] =	stream.indirect_vreg.gather [hbm4b:s6+s4], $0x80, v4, vm0, $0xb8;
	[tilespmem:$0x1FB80] =	vst v63  }
0x43d: {  	s19 =	simm.s32 $0x12380  }
0x43e: {  	[tilespmem:s19], [sflag:$0x2] =	stream.indirect_vreg.gather [hbm4b:s1+s4], $0x80, v3, vm0, $0xb8;
	[tilespmem:$0x1FB80] =	vst v63  }
0x43f: {  	s19 =	simm.s32 $0x12B80  }
0x440: {  	[tilespmem:s19], [sflag:$0x2] =	stream.indirect_vreg.gather [hbm4b:s5+s4], $0x80, v3, vm0, $0xb8;
	[tilespmem:$0x1FB80] =	vst v63  }
0x441: {  	s19 =	simm.s32 $0x13380  }
0x442: {  	[tilespmem:s19], [sflag:$0x2] =	stream.indirect_vreg.gather [hbm4b:s6+s4], $0x80, v3, vm0, $0xb8;
	[tilespmem:$0x1FB80] =	vst v63  }
0x443: {  	v3 =	vld.msk [tilespmem:$0x308], $0xff;
	_ =	sdelay $0x4  }
0x444: {  	v63 =	vshrl.u32 v3, $0x3  }
0x445: {  	v4 =	vmul.u32 $0x30, v63  }
0x446: {  	v3 =	vand.u32 $0x7, v3  }
0x447: {  	v3 =	vor.u32 v3, v4  }
0x448: {  	v3 =	vperm.xlane v3, v0;
	_ =	sdelay $0x1  }
0x449: {  	v3 =	vadd.s32 v1, v3;
	_ =	sdelay $0x3  }
0x44a: {  	s19 =	simm.s32 $0x13B80  }
0x44b: {  	[tilespmem:s19], [sflag:$0x2] =	stream.indirect_vreg.gather [hbm4b:s1+s4], $0x80, v3, vm0, $0xb8;
	[tilespmem:$0x1FB80] =	vst v63  }
0x44c: {  	s19 =	simm.s32 $0x14380  }
0x44d: {  	[tilespmem:s19], [sflag:$0x2] =	stream.indirect_vreg.gather [hbm4b:s5+s4], $0x80, v3, vm0, $0xb8;
	[tilespmem:$0x1FB80] =	vst v63  }
0x44e: {  	s19 =	simm.s32 $0x14B80  }
0x44f: {  	[tilespmem:s19], [sflag:$0x2] =	stream.indirect_vreg.gather [hbm4b:s6+s4], $0x80, v3, vm0, $0xb8;
	[tilespmem:$0x1FB80] =	vst v63  }
0x450: {  	_ =	swait.ge [sflag:s16], $0xA800  }
0x451: {  	[sflag:s16] =	ssyncset.done $0x0  }
0x452: {  	s19 =	rddreg [dreg:$0x12];
	[sflag:s16] =	ssyncadd.s32 $0xFFFF5800  }
0x453: {  	[hbm4b:s19+s4] =	stream.linear.scatter [tilespmem:s9], [sflag:$0x6], $0xA800, $0x38;
	[tilespmem:$0x1FB80] =	vst v63  }
0x454: {  	_ =	swait.ge [sflag:s17], $0xA800  }
0x455: {  	[sflag:s17] =	ssyncset.done $0x0  }
0x456: {  	[sflag:s17] =	ssyncadd.s32 $0xFFFF5800  }
0x457: {  	v3 =	vld [tilespmem:$0x0];
	_ =	sdelay $0x4  }
0x458: {  	v8 =	vshrl.u32 v3, $0x3  }
0x459: {  	v4 =	vmul.u32 $0x30, v8  }
0x45a: {  	v3 =	vand.u32 $0x7, v3  }
0x45b: {  	v3 =	vor.u32 v3, v4  }
0x45c: {  	v4 =	vperm.xlane v3, v0;
	_ =	sdelay $0x1  }
0x45d: {  	v4 =	vadd.s32 v1, v4;
	_ =	sdelay $0x3  }
0x45e: {  	v3 =	vperm.xlane v3, v2  }
0x45f: {  	[tilespmem:s9], [sflag:$0x3] =	stream.indirect_vreg.gather [hbm4b:s2+s4], $0x80, v4, vm0, $0xb8;
	[tilespmem:$0x1FB80] =	vst v63  }
0x460: {  	s19 =	simm.s32 $0x15B80;
	v3 =	vadd.s32 v1, v3  }
0x461: {  	[tilespmem:s19], [sflag:$0x3] =	stream.indirect_vreg.gather [hbm4b:s7+s4], $0x80, v4, vm0, $0xb8;
	[tilespmem:$0x1FB80] =	vst v63  }
0x462: {  	s18 =	simm.s32 $0x16380  }
0x463: {  	[tilespmem:s18], [sflag:$0x3] =	stream.indirect_vreg.gather [hbm4b:s8+s4], $0x80, v4, vm0, $0xb8;
	[tilespmem:$0x1FB80] =	vst v63  }
0x464: {  	s11 =	simm.s32 $0x16B80  }
0x465: {  	[tilespmem:s11], [sflag:$0x3] =	stream.indirect_vreg.gather [hbm4b:s2+s4], $0x80, v3, vm0, $0xb8;
	[tilespmem:$0x1FB80] =	vst v63  }
0x466: {  	s15 =	simm.s32 $0x17380  }
0x467: {  	[tilespmem:s15], [sflag:$0x3] =	stream.indirect_vreg.gather [hbm4b:s7+s4], $0x80, v3, vm0, $0xb8;
	[tilespmem:$0x1FB80] =	vst v63  }
0x468: {  	s18 =	simm.s32 $0x17B80  }
0x469: {  	[tilespmem:s18], [sflag:$0x3] =	stream.indirect_vreg.gather [hbm4b:s8+s4], $0x80, v3, vm0, $0xb8;
	[tilespmem:$0x1FB80] =	vst v63  }
0x46a: {  	v3 =	vld [tilespmem:$0x10];
	_ =	sdelay $0x4  }
0x46b: {  	v9 =	vshrl.u32 v3, $0x3  }
0x46c: {  	v4 =	vmul.u32 $0x30, v9  }
0x46d: {  	v3 =	vand.u32 $0x7, v3  }
0x46e: {  	v3 =	vor.u32 v3, v4  }
0x46f: {  	v4 =	vperm.xlane v3, v0;
	_ =	sdelay $0x1  }
0x470: {  	v4 =	vadd.s32 v1, v4;
	_ =	sdelay $0x3  }
0x471: {  	s18 =	simm.s32 $0x18380;
	v3 =	vperm.xlane v3, v2  }
0x472: {  	[tilespmem:s18], [sflag:$0x3] =	stream.indirect_vreg.gather [hbm4b:s2+s4], $0x80, v4, vm0, $0xb8;
	[tilespmem:$0x1FB80] =	vst v63  }
0x473: {  	v3 =	vadd.s32 v1, v3;
	s18 =	simm.s32 $0x18B80  }
0x474: {  	[tilespmem:s18], [sflag:$0x3] =	stream.indirect_vreg.gather [hbm4b:s7+s4], $0x80, v4, vm0, $0xb8;
	[tilespmem:$0x1FB80] =	vst v63  }
0x475: {  	s18 =	simm.s32 $0x19380  }
0x476: {  	[tilespmem:s18], [sflag:$0x3] =	stream.indirect_vreg.gather [hbm4b:s8+s4], $0x80, v4, vm0, $0xb8;
	[tilespmem:$0x1FB80] =	vst v63  }
0x477: {  	s18 =	simm.s32 $0x19B80  }
0x478: {  	[tilespmem:s18], [sflag:$0x3] =	stream.indirect_vreg.gather [hbm4b:s2+s4], $0x80, v3, vm0, $0xb8;
	[tilespmem:$0x1FB80] =	vst v63  }
0x479: {  	s18 =	simm.s32 $0x1A380  }
0x47a: {  	[tilespmem:s18], [sflag:$0x3] =	stream.indirect_vreg.gather [hbm4b:s7+s4], $0x80, v3, vm0, $0xb8;
	[tilespmem:$0x1FB80] =	vst v63  }
0x47b: {  	s18 =	simm.s32 $0x1AB80  }
0x47c: {  	[tilespmem:s18], [sflag:$0x3] =	stream.indirect_vreg.gather [hbm4b:s8+s4], $0x80, v3, vm0, $0xb8;
	[tilespmem:$0x1FB80] =	vst v63  }
0x47d: {  	v3 =	vld [tilespmem:$0x20];
	_ =	sdelay $0x4  }
0x47e: {  	v10 =	vshrl.u32 v3, $0x3  }
0x47f: {  	v4 =	vmul.u32 $0x30, v10  }
0x480: {  	v3 =	vand.u32 $0x7, v3  }
0x481: {  	v3 =	vor.u32 v3, v4  }
0x482: {  	v4 =	vperm.xlane v3, v0;
	_ =	sdelay $0x1  }
0x483: {  	v4 =	vadd.s32 v1, v4;
	_ =	sdelay $0x3  }
0x484: {  	s18 =	simm.s32 $0x1B380;
	v3 =	vperm.xlane v3, v2  }
0x485: {  	[tilespmem:s18], [sflag:$0x3] =	stream.indirect_vreg.gather [hbm4b:s2+s4], $0x80, v4, vm0, $0xb8;
	[tilespmem:$0x1FB80] =	vst v63  }
0x486: {  	v3 =	vadd.s32 v1, v3;
	s18 =	simm.s32 $0x1BB80  }
0x487: {  	[tilespmem:s18], [sflag:$0x3] =	stream.indirect_vreg.gather [hbm4b:s7+s4], $0x80, v4, vm0, $0xb8;
	[tilespmem:$0x1FB80] =	vst v63  }
0x488: {  	s18 =	simm.s32 $0x1C380  }
0x489: {  	[tilespmem:s18], [sflag:$0x3] =	stream.indirect_vreg.gather [hbm4b:s8+s4], $0x80, v4, vm0, $0xb8;
	[tilespmem:$0x1FB80] =	vst v63  }
0x48a: {  	s18 =	simm.s32 $0x1CB80  }
0x48b: {  	[tilespmem:s18], [sflag:$0x3] =	stream.indirect_vreg.gather [hbm4b:s2+s4], $0x80, v3, vm0, $0xb8;
	[tilespmem:$0x1FB80] =	vst v63  }
0x48c: {  	s18 =	simm.s32 $0x1D380  }
0x48d: {  	[tilespmem:s18], [sflag:$0x3] =	stream.indirect_vreg.gather [hbm4b:s7+s4], $0x80, v3, vm0, $0xb8;
	[tilespmem:$0x1FB80] =	vst v63  }
0x48e: {  	s18 =	simm.s32 $0x1DB80  }
0x48f: {  	[tilespmem:s18], [sflag:$0x3] =	stream.indirect_vreg.gather [hbm4b:s8+s4], $0x80, v3, vm0, $0xb8;
	[tilespmem:$0x1FB80] =	vst v63  }
0x490: {  	v3 =	vld.msk [tilespmem:$0x30], $0xff;
	_ =	sdelay $0x4  }
0x491: {  	v11 =	vshrl.u32 v3, $0x3  }
0x492: {  	v4 =	vmul.u32 $0x30, v11  }
0x493: {  	v3 =	vand.u32 $0x7, v3  }
0x494: {  	v3 =	vor.u32 v3, v4  }
0x495: {  	v3 =	vperm.xlane v3, v0;
	_ =	sdelay $0x1  }
0x496: {  	v3 =	vadd.s32 v1, v3;
	_ =	sdelay $0x3  }
0x497: {  	s18 =	simm.s32 $0x1E380  }
0x498: {  	[tilespmem:s18], [sflag:$0x3] =	stream.indirect_vreg.gather [hbm4b:s2+s4], $0x80, v3, vm0, $0xb8;
	[tilespmem:$0x1FB80] =	vst v63  }
0x499: {  	s18 =	simm.s32 $0x1EB80  }
0x49a: {  	[tilespmem:s18], [sflag:$0x3] =	stream.indirect_vreg.gather [hbm4b:s7+s4], $0x80, v3, vm0, $0xb8;
	[tilespmem:$0x1FB80] =	vst v63  }
0x49b: {  	s18 =	simm.s32 $0x1F380  }
0x49c: {  	[tilespmem:s18], [sflag:$0x3] =	stream.indirect_vreg.gather [hbm4b:s8+s4], $0x80, v3, vm0, $0xb8;
	[tilespmem:$0x1FB80] =	vst v63  }
0x49d: {  	_ =	swait.ge [sflag:s12], $0xA800  }
0x49e: {  	[sflag:s12] =	ssyncset.done $0x0  }
0x49f: {  	s18 =	rddreg [dreg:$0x13];
	[sflag:s12] =	ssyncadd.s32 $0xFFFF5800  }
0x4a0: {  	[hbm4b:s18+s4] =	stream.linear.scatter [tilespmem:s10], [sflag:$0x4], $0xA800, $0x38;
	[tilespmem:$0x1FB80] =	vst v63  }
0x4a1: {  	_ =	swait.ge [sflag:s13], $0xA800  }
0x4a2: {  	[sflag:s13] =	ssyncset.done $0x0  }
0x4a3: {  	[sflag:s13] =	ssyncadd.s32 $0xFFFF5800  }
0x4a4: {  	v3 =	vld [tilespmem:$0x38];
	_ =	sdelay $0x4  }
0x4a5: {  	v12 =	vshrl.u32 v3, $0x3  }
0x4a6: {  	v4 =	vmul.u32 $0x30, v12  }
0x4a7: {  	v3 =	vand.u32 $0x7, v3  }
0x4a8: {  	v3 =	vor.u32 v3, v4  }
0x4a9: {  	v4 =	vperm.xlane v3, v0;
	_ =	sdelay $0x1  }
0x4aa: {  	v4 =	vadd.s32 v1, v4;
	_ =	sdelay $0x3  }
0x4ab: {  	v3 =	vperm.xlane v3, v2  }
0x4ac: {  	[tilespmem:s10], [sflag:$0x1] =	stream.indirect_vreg.gather [hbm4b:s2+s4], $0x80, v4, vm0, $0xb8;
	[tilespmem:$0x1FB80] =	vst v63  }
0x4ad: {  	s18 =	simm.s32 $0xB80;
	v3 =	vadd.s32 v1, v3  }
0x4ae: {  	[tilespmem:s18], [sflag:$0x1] =	stream.indirect_vreg.gather [hbm4b:s7+s4], $0x80, v4, vm0, $0xb8;
	[tilespmem:$0x1FB80] =	vst v63  }
0x4af: {  	s18 =	simm.s32 $0x1380  }
0x4b0: {  	[tilespmem:s18], [sflag:$0x1] =	stream.indirect_vreg.gather [hbm4b:s8+s4], $0x80, v4, vm0, $0xb8;
	[tilespmem:$0x1FB80] =	vst v63  }
0x4b1: {  	s18 =	simm.s32 $0x1B80  }
0x4b2: {  	[tilespmem:s18], [sflag:$0x1] =	stream.indirect_vreg.gather [hbm4b:s2+s4], $0x80, v3, vm0, $0xb8;
	[tilespmem:$0x1FB80] =	vst v63  }
0x4b3: {  	s18 =	simm.s32 $0x2380  }
0x4b4: {  	[tilespmem:s18], [sflag:$0x1] =	stream.indirect_vreg.gather [hbm4b:s7+s4], $0x80, v3, vm0, $0xb8;
	[tilespmem:$0x1FB80] =	vst v63  }
0x4b5: {  	s18 =	simm.s32 $0x2B80  }
0x4b6: {  	[tilespmem:s18], [sflag:$0x1] =	stream.indirect_vreg.gather [hbm4b:s8+s4], $0x80, v3, vm0, $0xb8;
	[tilespmem:$0x1FB80] =	vst v63  }
0x4b7: {  	v3 =	vld [tilespmem:$0x48];
	_ =	sdelay $0x4  }
0x4b8: {  	v13 =	vshrl.u32 v3, $0x3  }
0x4b9: {  	v4 =	vmul.u32 $0x30, v13  }
0x4ba: {  	v3 =	vand.u32 $0x7, v3  }
0x4bb: {  	v3 =	vor.u32 v3, v4  }
0x4bc: {  	v4 =	vperm.xlane v3, v0;
	_ =	sdelay $0x1  }
0x4bd: {  	v4 =	vadd.s32 v1, v4;
	_ =	sdelay $0x3  }
0x4be: {  	s18 =	simm.s32 $0x3380;
	v3 =	vperm.xlane v3, v2  }
0x4bf: {  	[tilespmem:s18], [sflag:$0x1] =	stream.indirect_vreg.gather [hbm4b:s2+s4], $0x80, v4, vm0, $0xb8;
	[tilespmem:$0x1FB80] =	vst v63  }
0x4c0: {  	v3 =	vadd.s32 v1, v3;
	s18 =	simm.s32 $0x3B80  }
0x4c1: {  	[tilespmem:s18], [sflag:$0x1] =	stream.indirect_vreg.gather [hbm4b:s7+s4], $0x80, v4, vm0, $0xb8;
	[tilespmem:$0x1FB80] =	vst v63  }
0x4c2: {  	s23 =	simm.s32 $0x4380  }
0x4c3: {  	[tilespmem:s23], [sflag:$0x1] =	stream.indirect_vreg.gather [hbm4b:s8+s4], $0x80, v4, vm0, $0xb8;
	[tilespmem:$0x1FB80] =	vst v63  }
0x4c4: {  	s24 =	simm.s32 $0x4B80  }
0x4c5: {  	[tilespmem:s24], [sflag:$0x1] =	stream.indirect_vreg.gather [hbm4b:s2+s4], $0x80, v3, vm0, $0xb8;
	[tilespmem:$0x1FB80] =	vst v63  }
0x4c6: {  	s25 =	simm.s32 $0x5380  }
0x4c7: {  	[tilespmem:s25], [sflag:$0x1] =	stream.indirect_vreg.gather [hbm4b:s7+s4], $0x80, v3, vm0, $0xb8;
	[tilespmem:$0x1FB80] =	vst v63  }
0x4c8: {  	s18 =	simm.s32 $0x5B80  }
0x4c9: {  	[tilespmem:s18], [sflag:$0x1] =	stream.indirect_vreg.gather [hbm4b:s8+s4], $0x80, v3, vm0, $0xb8;
	[tilespmem:$0x1FB80] =	vst v63  }
0x4ca: {  	v3 =	vld [tilespmem:$0x58];
	_ =	sdelay $0x4  }
0x4cb: {  	v14 =	vshrl.u32 v3, $0x3  }
0x4cc: {  	v4 =	vmul.u32 $0x30, v14  }
0x4cd: {  	v3 =	vand.u32 $0x7, v3  }
0x4ce: {  	v3 =	vor.u32 v3, v4  }
0x4cf: {  	v4 =	vperm.xlane v3, v0;
	_ =	sdelay $0x1  }
0x4d0: {  	v4 =	vadd.s32 v1, v4;
	_ =	sdelay $0x3  }
0x4d1: {  	s18 =	simm.s32 $0x6380;
	v3 =	vperm.xlane v3, v2  }
0x4d2: {  	[tilespmem:s18], [sflag:$0x1] =	stream.indirect_vreg.gather [hbm4b:s2+s4], $0x80, v4, vm0, $0xb8;
	[tilespmem:$0x1FB80] =	vst v63  }
0x4d3: {  	s26 =	simm.s32 $0x6B80;
	v3 =	vadd.s32 v1, v3  }
0x4d4: {  	[tilespmem:s26], [sflag:$0x1] =	stream.indirect_vreg.gather [hbm4b:s7+s4], $0x80, v4, vm0, $0xb8;
	[tilespmem:$0x1FB80] =	vst v63  }
0x4d5: {  	s28 =	simm.s32 $0x7380  }
0x4d6: {  	[tilespmem:s28], [sflag:$0x1] =	stream.indirect_vreg.gather [hbm4b:s8+s4], $0x80, v4, vm0, $0xb8;
	[tilespmem:$0x1FB80] =	vst v63  }
0x4d7: {  	s29 =	simm.s32 $0x7B80  }
0x4d8: {  	[tilespmem:s29], [sflag:$0x1] =	stream.indirect_vreg.gather [hbm4b:s2+s4], $0x80, v3, vm0, $0xb8;
	[tilespmem:$0x1FB80] =	vst v63  }
0x4d9: {  	s30 =	simm.s32 $0x8380  }
0x4da: {  	[tilespmem:s30], [sflag:$0x1] =	stream.indirect_vreg.gather [hbm4b:s7+s4], $0x80, v3, vm0, $0xb8;
	[tilespmem:$0x1FB80] =	vst v63  }
0x4db: {  	s18 =	simm.s32 $0x8B80  }
0x4dc: {  	[tilespmem:s18], [sflag:$0x1] =	stream.indirect_vreg.gather [hbm4b:s8+s4], $0x80, v3, vm0, $0xb8;
	[tilespmem:$0x1FB80] =	vst v63  }
0x4dd: {  	v3 =	vld.msk [tilespmem:$0x68], $0xff;
	_ =	sdelay $0x4  }
0x4de: {  	v15 =	vshrl.u32 v3, $0x3  }
0x4df: {  	v4 =	vmul.u32 $0x30, v15  }
0x4e0: {  	v3 =	vand.u32 $0x7, v3  }
0x4e1: {  	v3 =	vor.u32 v3, v4  }
0x4e2: {  	v3 =	vperm.xlane v3, v0;
	_ =	sdelay $0x1  }
0x4e3: {  	v3 =	vadd.s32 v1, v3;
	_ =	sdelay $0x3  }
0x4e4: {  	s31 =	simm.s32 $0x9380  }
0x4e5: {  	[tilespmem:s31], [sflag:$0x1] =	stream.indirect_vreg.gather [hbm4b:s2+s4], $0x80, v3, vm0, $0xb8;
	[tilespmem:$0x1FB80] =	vst v63  }
0x4e6: {  	s18 =	simm.s32 $0x9B80  }
0x4e7: {  	[tilespmem:s18], [sflag:$0x1] =	stream.indirect_vreg.gather [hbm4b:s7+s4], $0x80, v3, vm0, $0xb8;
	[tilespmem:$0x1FB80] =	vst v63  }
0x4e8: {  	s18 =	simm.s32 $0xA380  }
0x4e9: {  	[tilespmem:s18], [sflag:$0x1] =	stream.indirect_vreg.gather [hbm4b:s8+s4], $0x80, v3, vm0, $0xb8;
	[tilespmem:$0x1FB80] =	vst v63  }
0x4ea: {  	_ =	swait.ge [sflag:s14], $0xA800  }
0x4eb: {  	[sflag:s14] =	ssyncset.done $0x0  }
0x4ec: {  	s18 =	rddreg [dreg:$0x14];
	[sflag:s14] =	ssyncadd.s32 $0xFFFF5800  }
0x4ed: {  	[hbm4b:s18+s4] =	stream.linear.scatter [tilespmem:s22], [sflag:$0x5], $0xA800, $0x38;
	[tilespmem:$0x1FB80] =	vst v63  }
0x4ee: {  	_ =	swait.ge [sflag:s3], $0xA800  }
0x4ef: {  	[sflag:s3] =	ssyncset.done $0x0  }
0x4f0: {  	[sflag:s3] =	ssyncadd.s32 $0xFFFF5800  }
0x4f1: {  	v3 =	vld [tilespmem:$0x70];
	_ =	sdelay $0x4  }
0x4f2: {  	v16 =	vshrl.u32 v3, $0x3  }
0x4f3: {  	v4 =	vmul.u32 $0x30, v16  }
0x4f4: {  	v3 =	vand.u32 $0x7, v3  }
0x4f5: {  	v3 =	vor.u32 v3, v4  }
0x4f6: {  	v4 =	vperm.xlane v3, v0;
	_ =	sdelay $0x1  }
0x4f7: {  	v4 =	vadd.s32 v1, v4;
	_ =	sdelay $0x3  }
0x4f8: {  	v3 =	vperm.xlane v3, v2  }
0x4f9: {  	[tilespmem:s22], [sflag:$0x2] =	stream.indirect_vreg.gather [hbm4b:s2+s4], $0x80, v4, vm0, $0xb8;
	[tilespmem:$0x1FB80] =	vst v63  }
0x4fa: {  	s0 =	simm.s32 $0xB380;
	v3 =	vadd.s32 v1, v3  }
0x4fb: {  	[tilespmem:s0], [sflag:$0x2] =	stream.indirect_vreg.gather [hbm4b:s7+s4], $0x80, v4, vm0, $0xb8;
	[tilespmem:$0x1FB80] =	vst v63  }
0x4fc: {  	s21 =	simm.s32 $0xBB80  }
0x4fd: {  	[tilespmem:s21], [sflag:$0x2] =	stream.indirect_vreg.gather [hbm4b:s8+s4], $0x80, v4, vm0, $0xb8;
	[tilespmem:$0x1FB80] =	vst v63  }
0x4fe: {  	s20 =	simm.s32 $0xC380  }
0x4ff: {  	[tilespmem:s20], [sflag:$0x2] =	stream.indirect_vreg.gather [hbm4b:s2+s4], $0x80, v3, vm0, $0xb8;
	[tilespmem:$0x1FB80] =	vst v63  }
0x500: {  	s18 =	simm.s32 $0xCB80  }
0x501: {  	[tilespmem:s18], [sflag:$0x2] =	stream.indirect_vreg.gather [hbm4b:s7+s4], $0x80, v3, vm0, $0xb8;
	[tilespmem:$0x1FB80] =	vst v63  }
0x502: {  	s18 =	simm.s32 $0xD380  }
0x503: {  	[tilespmem:s18], [sflag:$0x2] =	stream.indirect_vreg.gather [hbm4b:s8+s4], $0x80, v3, vm0, $0xb8;
	[tilespmem:$0x1FB80] =	vst v63  }
0x504: {  	v3 =	vld [tilespmem:$0x80];
	_ =	sdelay $0x4  }
0x505: {  	v17 =	vshrl.u32 v3, $0x3  }
0x506: {  	v4 =	vmul.u32 $0x30, v17  }
0x507: {  	v3 =	vand.u32 $0x7, v3  }
0x508: {  	v3 =	vor.u32 v3, v4  }
0x509: {  	v4 =	vperm.xlane v3, v0;
	_ =	sdelay $0x1  }
0x50a: {  	v4 =	vadd.s32 v1, v4;
	_ =	sdelay $0x3  }
0x50b: {  	s18 =	simm.s32 $0xDB80;
	v3 =	vperm.xlane v3, v2  }
0x50c: {  	[tilespmem:s18], [sflag:$0x2] =	stream.indirect_vreg.gather [hbm4b:s2+s4], $0x80, v4, vm0, $0xb8;
	[tilespmem:$0x1FB80] =	vst v63  }
0x50d: {  	v3 =	vadd.s32 v1, v3;
	s18 =	simm.s32 $0xE380  }
0x50e: {  	[tilespmem:s18], [sflag:$0x2] =	stream.indirect_vreg.gather [hbm4b:s7+s4], $0x80, v4, vm0, $0xb8;
	[tilespmem:$0x1FB80] =	vst v63  }
0x50f: {  	s18 =	simm.s32 $0xEB80  }
0x510: {  	[tilespmem:s18], [sflag:$0x2] =	stream.indirect_vreg.gather [hbm4b:s8+s4], $0x80, v4, vm0, $0xb8;
	[tilespmem:$0x1FB80] =	vst v63  }
0x511: {  	s18 =	simm.s32 $0xF380  }
0x512: {  	[tilespmem:s18], [sflag:$0x2] =	stream.indirect_vreg.gather [hbm4b:s2+s4], $0x80, v3, vm0, $0xb8;
	[tilespmem:$0x1FB80] =	vst v63  }
0x513: {  	s18 =	simm.s32 $0xFB80  }
0x514: {  	[tilespmem:s18], [sflag:$0x2] =	stream.indirect_vreg.gather [hbm4b:s7+s4], $0x80, v3, vm0, $0xb8;
	[tilespmem:$0x1FB80] =	vst v63  }
0x515: {  	s18 =	simm.s32 $0x10380  }
0x516: {  	[tilespmem:s18], [sflag:$0x2] =	stream.indirect_vreg.gather [hbm4b:s8+s4], $0x80, v3, vm0, $0xb8;
	[tilespmem:$0x1FB80] =	vst v63  }
0x517: {  	v3 =	vld [tilespmem:$0x90];
	_ =	sdelay $0x4  }
0x518: {  	v18 =	vshrl.u32 v3, $0x3  }
0x519: {  	v4 =	vmul.u32 $0x30, v18  }
0x51a: {  	v3 =	vand.u32 $0x7, v3  }
0x51b: {  	v3 =	vor.u32 v3, v4  }
0x51c: {  	v4 =	vperm.xlane v3, v0;
	_ =	sdelay $0x1  }
0x51d: {  	v4 =	vadd.s32 v1, v4;
	_ =	sdelay $0x3  }
0x51e: {  	s18 =	simm.s32 $0x10B80;
	v3 =	vperm.xlane v3, v2  }
0x51f: {  	[tilespmem:s18], [sflag:$0x2] =	stream.indirect_vreg.gather [hbm4b:s2+s4], $0x80, v4, vm0, $0xb8;
	[tilespmem:$0x1FB80] =	vst v63  }
0x520: {  	v3 =	vadd.s32 v1, v3;
	s18 =	simm.s32 $0x11380  }
0x521: {  	[tilespmem:s18], [sflag:$0x2] =	stream.indirect_vreg.gather [hbm4b:s7+s4], $0x80, v4, vm0, $0xb8;
	[tilespmem:$0x1FB80] =	vst v63  }
0x522: {  	s18 =	simm.s32 $0x11B80  }
0x523: {  	[tilespmem:s18], [sflag:$0x2] =	stream.indirect_vreg.gather [hbm4b:s8+s4], $0x80, v4, vm0, $0xb8;
	[tilespmem:$0x1FB80] =	vst v63  }
0x524: {  	s18 =	simm.s32 $0x12380  }
0x525: {  	[tilespmem:s18], [sflag:$0x2] =	stream.indirect_vreg.gather [hbm4b:s2+s4], $0x80, v3, vm0, $0xb8;
	[tilespmem:$0x1FB80] =	vst v63  }
0x526: {  	s18 =	simm.s32 $0x12B80  }
0x527: {  	[tilespmem:s18], [sflag:$0x2] =	stream.indirect_vreg.gather [hbm4b:s7+s4], $0x80, v3, vm0, $0xb8;
	[tilespmem:$0x1FB80] =	vst v63  }
0x528: {  	s18 =	simm.s32 $0x13380  }
0x529: {  	[tilespmem:s18], [sflag:$0x2] =	stream.indirect_vreg.gather [hbm4b:s8+s4], $0x80, v3, vm0, $0xb8;
	[tilespmem:$0x1FB80] =	vst v63  }
0x52a: {  	v3 =	vld.msk [tilespmem:$0xA0], $0xff;
	_ =	sdelay $0x4  }
0x52b: {  	v19 =	vshrl.u32 v3, $0x3  }
0x52c: {  	v4 =	vmul.u32 $0x30, v19  }
0x52d: {  	v3 =	vand.u32 $0x7, v3  }
0x52e: {  	v3 =	vor.u32 v3, v4  }
0x52f: {  	v3 =	vperm.xlane v3, v0;
	_ =	sdelay $0x1  }
0x530: {  	v3 =	vadd.s32 v1, v3;
	_ =	sdelay $0x3  }
0x531: {  	s18 =	simm.s32 $0x13B80  }
0x532: {  	[tilespmem:s18], [sflag:$0x2] =	stream.indirect_vreg.gather [hbm4b:s2+s4], $0x80, v3, vm0, $0xb8;
	[tilespmem:$0x1FB80] =	vst v63  }
0x533: {  	s18 =	simm.s32 $0x14380  }
0x534: {  	[tilespmem:s18], [sflag:$0x2] =	stream.indirect_vreg.gather [hbm4b:s7+s4], $0x80, v3, vm0, $0xb8;
	[tilespmem:$0x1FB80] =	vst v63  }
0x535: {  	s18 =	simm.s32 $0x14B80  }
0x536: {  	[tilespmem:s18], [sflag:$0x2] =	stream.indirect_vreg.gather [hbm4b:s8+s4], $0x80, v3, vm0, $0xb8;
	[tilespmem:$0x1FB80] =	vst v63  }
0x537: {  	_ =	swait.ge [sflag:s16], $0xA800  }
0x538: {  	[sflag:s16] =	ssyncset.done $0x0  }
0x539: {  	s18 =	rddreg [dreg:$0x15];
	[sflag:s16] =	ssyncadd.s32 $0xFFFF5800  }
0x53a: {  	[hbm4b:s18+s4] =	stream.linear.scatter [tilespmem:s9], [sflag:$0x6], $0xA800, $0x38;
	[tilespmem:$0x1FB80] =	vst v63  }
0x53b: {  	_ =	swait.ge [sflag:s17], $0xA800  }
0x53c: {  	[sflag:s17] =	ssyncset.done $0x0  }
0x53d: {  	[sflag:s17] =	ssyncadd.s32 $0xFFFF5800  }
0x53e: {  	v3 =	vld [tilespmem:$0xA8];
	_ =	sdelay $0x4  }
0x53f: {  	v20 =	vshrl.u32 v3, $0x3  }
0x540: {  	v4 =	vmul.u32 $0x30, v20  }
0x541: {  	v3 =	vand.u32 $0x7, v3  }
0x542: {  	v3 =	vor.u32 v3, v4  }
0x543: {  	v4 =	vperm.xlane v3, v0;
	_ =	sdelay $0x1  }
0x544: {  	v4 =	vadd.s32 v1, v4;
	_ =	sdelay $0x3  }
0x545: {  	v3 =	vperm.xlane v3, v2  }
0x546: {  	[tilespmem:s9], [sflag:$0x3] =	stream.indirect_vreg.gather [hbm4b:s2+s4], $0x80, v4, vm0, $0xb8;
	[tilespmem:$0x1FB80] =	vst v63  }
0x547: {  	s19 =	simm.s32 $0x15B80;
	v3 =	vadd.s32 v1, v3  }
0x548: {  	[tilespmem:s19], [sflag:$0x3] =	stream.indirect_vreg.gather [hbm4b:s7+s4], $0x80, v4, vm0, $0xb8;
	[tilespmem:$0x1FB80] =	vst v63  }
0x549: {  	s18 =	simm.s32 $0x16380  }
0x54a: {  	[tilespmem:s18], [sflag:$0x3] =	stream.indirect_vreg.gather [hbm4b:s8+s4], $0x80, v4, vm0, $0xb8;
	[tilespmem:$0x1FB80] =	vst v63  }
0x54b: {  	s11 =	simm.s32 $0x16B80  }
0x54c: {  	[tilespmem:s11], [sflag:$0x3] =	stream.indirect_vreg.gather [hbm4b:s2+s4], $0x80, v3, vm0, $0xb8;
	[tilespmem:$0x1FB80] =	vst v63  }
0x54d: {  	s15 =	simm.s32 $0x17380  }
0x54e: {  	[tilespmem:s15], [sflag:$0x3] =	stream.indirect_vreg.gather [hbm4b:s7+s4], $0x80, v3, vm0, $0xb8;
	[tilespmem:$0x1FB80] =	vst v63  }
0x54f: {  	s18 =	simm.s32 $0x17B80  }
0x550: {  	[tilespmem:s18], [sflag:$0x3] =	stream.indirect_vreg.gather [hbm4b:s8+s4], $0x80, v3, vm0, $0xb8;
	[tilespmem:$0x1FB80] =	vst v63  }
0x551: {  	v3 =	vld [tilespmem:$0xB8];
	_ =	sdelay $0x4  }
0x552: {  	v21 =	vshrl.u32 v3, $0x3  }
0x553: {  	v4 =	vmul.u32 $0x30, v21  }
0x554: {  	v3 =	vand.u32 $0x7, v3  }
0x555: {  	v3 =	vor.u32 v3, v4  }
0x556: {  	v4 =	vperm.xlane v3, v0;
	_ =	sdelay $0x1  }
0x557: {  	v4 =	vadd.s32 v1, v4;
	_ =	sdelay $0x3  }
0x558: {  	s18 =	simm.s32 $0x18380;
	v3 =	vperm.xlane v3, v2  }
0x559: {  	[tilespmem:s18], [sflag:$0x3] =	stream.indirect_vreg.gather [hbm4b:s2+s4], $0x80, v4, vm0, $0xb8;
	[tilespmem:$0x1FB80] =	vst v63  }
0x55a: {  	v3 =	vadd.s32 v1, v3;
	s18 =	simm.s32 $0x18B80  }
0x55b: {  	[tilespmem:s18], [sflag:$0x3] =	stream.indirect_vreg.gather [hbm4b:s7+s4], $0x80, v4, vm0, $0xb8;
	[tilespmem:$0x1FB80] =	vst v63  }
0x55c: {  	s18 =	simm.s32 $0x19380  }
0x55d: {  	[tilespmem:s18], [sflag:$0x3] =	stream.indirect_vreg.gather [hbm4b:s8+s4], $0x80, v4, vm0, $0xb8;
	[tilespmem:$0x1FB80] =	vst v63  }
0x55e: {  	s18 =	simm.s32 $0x19B80  }
0x55f: {  	[tilespmem:s18], [sflag:$0x3] =	stream.indirect_vreg.gather [hbm4b:s2+s4], $0x80, v3, vm0, $0xb8;
	[tilespmem:$0x1FB80] =	vst v63  }
0x560: {  	s18 =	simm.s32 $0x1A380  }
0x561: {  	[tilespmem:s18], [sflag:$0x3] =	stream.indirect_vreg.gather [hbm4b:s7+s4], $0x80, v3, vm0, $0xb8;
	[tilespmem:$0x1FB80] =	vst v63  }
0x562: {  	s18 =	simm.s32 $0x1AB80  }
0x563: {  	[tilespmem:s18], [sflag:$0x3] =	stream.indirect_vreg.gather [hbm4b:s8+s4], $0x80, v3, vm0, $0xb8;
	[tilespmem:$0x1FB80] =	vst v63  }
0x564: {  	v3 =	vld [tilespmem:$0xC8];
	_ =	sdelay $0x4  }
0x565: {  	v22 =	vshrl.u32 v3, $0x3  }
0x566: {  	v4 =	vmul.u32 $0x30, v22  }
0x567: {  	v3 =	vand.u32 $0x7, v3  }
0x568: {  	v3 =	vor.u32 v3, v4  }
0x569: {  	v4 =	vperm.xlane v3, v0;
	_ =	sdelay $0x1  }
0x56a: {  	v4 =	vadd.s32 v1, v4;
	_ =	sdelay $0x3  }
0x56b: {  	s18 =	simm.s32 $0x1B380;
	v3 =	vperm.xlane v3, v2  }
0x56c: {  	[tilespmem:s18], [sflag:$0x3] =	stream.indirect_vreg.gather [hbm4b:s2+s4], $0x80, v4, vm0, $0xb8;
	[tilespmem:$0x1FB80] =	vst v63  }
0x56d: {  	v3 =	vadd.s32 v1, v3;
	s18 =	simm.s32 $0x1BB80  }
0x56e: {  	[tilespmem:s18], [sflag:$0x3] =	stream.indirect_vreg.gather [hbm4b:s7+s4], $0x80, v4, vm0, $0xb8;
	[tilespmem:$0x1FB80] =	vst v63  }
0x56f: {  	s18 =	simm.s32 $0x1C380  }
0x570: {  	[tilespmem:s18], [sflag:$0x3] =	stream.indirect_vreg.gather [hbm4b:s8+s4], $0x80, v4, vm0, $0xb8;
	[tilespmem:$0x1FB80] =	vst v63  }
0x571: {  	s18 =	simm.s32 $0x1CB80  }
0x572: {  	[tilespmem:s18], [sflag:$0x3] =	stream.indirect_vreg.gather [hbm4b:s2+s4], $0x80, v3, vm0, $0xb8;
	[tilespmem:$0x1FB80] =	vst v63  }
0x573: {  	s18 =	simm.s32 $0x1D380  }
0x574: {  	[tilespmem:s18], [sflag:$0x3] =	stream.indirect_vreg.gather [hbm4b:s7+s4], $0x80, v3, vm0, $0xb8;
	[tilespmem:$0x1FB80] =	vst v63  }
0x575: {  	s18 =	simm.s32 $0x1DB80  }
0x576: {  	[tilespmem:s18], [sflag:$0x3] =	stream.indirect_vreg.gather [hbm4b:s8+s4], $0x80, v3, vm0, $0xb8;
	[tilespmem:$0x1FB80] =	vst v63  }
0x577: {  	v3 =	vld.msk [tilespmem:$0xD8], $0xff;
	_ =	sdelay $0x4  }
0x578: {  	v23 =	vshrl.u32 v3, $0x3  }
0x579: {  	v4 =	vmul.u32 $0x30, v23  }
0x57a: {  	v3 =	vand.u32 $0x7, v3  }
0x57b: {  	v3 =	vor.u32 v3, v4  }
0x57c: {  	v3 =	vperm.xlane v3, v0;
	_ =	sdelay $0x1  }
0x57d: {  	v3 =	vadd.s32 v1, v3;
	_ =	sdelay $0x3  }
0x57e: {  	s18 =	simm.s32 $0x1E380  }
0x57f: {  	[tilespmem:s18], [sflag:$0x3] =	stream.indirect_vreg.gather [hbm4b:s2+s4], $0x80, v3, vm0, $0xb8;
	[tilespmem:$0x1FB80] =	vst v63  }
0x580: {  	s18 =	simm.s32 $0x1EB80  }
0x581: {  	[tilespmem:s18], [sflag:$0x3] =	stream.indirect_vreg.gather [hbm4b:s7+s4], $0x80, v3, vm0, $0xb8;
	[tilespmem:$0x1FB80] =	vst v63  }
0x582: {  	s18 =	simm.s32 $0x1F380  }
0x583: {  	[tilespmem:s18], [sflag:$0x3] =	stream.indirect_vreg.gather [hbm4b:s8+s4], $0x80, v3, vm0, $0xb8;
	[tilespmem:$0x1FB80] =	vst v63  }
0x584: {  	_ =	swait.ge [sflag:s12], $0xA800  }
0x585: {  	[sflag:s12] =	ssyncset.done $0x0  }
0x586: {  	s18 =	rddreg [dreg:$0x16];
	[sflag:s12] =	ssyncadd.s32 $0xFFFF5800  }
0x587: {  	[hbm4b:s18+s4] =	stream.linear.scatter [tilespmem:s10], [sflag:$0x4], $0xA800, $0x38;
	[tilespmem:$0x1FB80] =	vst v63  }
0x588: {  	_ =	swait.ge [sflag:s13], $0xA800  }
0x589: {  	[sflag:s13] =	ssyncset.done $0x0  }
0x58a: {  	[sflag:s13] =	ssyncadd.s32 $0xFFFF5800  }
0x58b: {  	v3 =	vld [tilespmem:$0xE0];
	_ =	sdelay $0x4  }
0x58c: {  	v24 =	vshrl.u32 v3, $0x3  }
0x58d: {  	v4 =	vmul.u32 $0x30, v24  }
0x58e: {  	v3 =	vand.u32 $0x7, v3  }
0x58f: {  	v3 =	vor.u32 v3, v4  }
0x590: {  	v4 =	vperm.xlane v3, v0;
	_ =	sdelay $0x1  }
0x591: {  	v4 =	vadd.s32 v1, v4;
	_ =	sdelay $0x3  }
0x592: {  	v3 =	vperm.xlane v3, v2  }
0x593: {  	[tilespmem:s10], [sflag:$0x1] =	stream.indirect_vreg.gather [hbm4b:s2+s4], $0x80, v4, vm0, $0xb8;
	[tilespmem:$0x1FB80] =	vst v63  }
0x594: {  	s18 =	simm.s32 $0xB80;
	v3 =	vadd.s32 v1, v3  }
0x595: {  	[tilespmem:s18], [sflag:$0x1] =	stream.indirect_vreg.gather [hbm4b:s7+s4], $0x80, v4, vm0, $0xb8;
	[tilespmem:$0x1FB80] =	vst v63  }
0x596: {  	s18 =	simm.s32 $0x1380  }
0x597: {  	[tilespmem:s18], [sflag:$0x1] =	stream.indirect_vreg.gather [hbm4b:s8+s4], $0x80, v4, vm0, $0xb8;
	[tilespmem:$0x1FB80] =	vst v63  }
0x598: {  	s18 =	simm.s32 $0x1B80  }
0x599: {  	[tilespmem:s18], [sflag:$0x1] =	stream.indirect_vreg.gather [hbm4b:s2+s4], $0x80, v3, vm0, $0xb8;
	[tilespmem:$0x1FB80] =	vst v63  }
0x59a: {  	s18 =	simm.s32 $0x2380  }
0x59b: {  	[tilespmem:s18], [sflag:$0x1] =	stream.indirect_vreg.gather [hbm4b:s7+s4], $0x80, v3, vm0, $0xb8;
	[tilespmem:$0x1FB80] =	vst v63  }
0x59c: {  	s18 =	simm.s32 $0x2B80  }
0x59d: {  	[tilespmem:s18], [sflag:$0x1] =	stream.indirect_vreg.gather [hbm4b:s8+s4], $0x80, v3, vm0, $0xb8;
	[tilespmem:$0x1FB80] =	vst v63  }
0x59e: {  	v3 =	vld [tilespmem:$0xF0];
	_ =	sdelay $0x4  }
0x59f: {  	v25 =	vshrl.u32 v3, $0x3  }
0x5a0: {  	v4 =	vmul.u32 $0x30, v25  }
0x5a1: {  	v3 =	vand.u32 $0x7, v3  }
0x5a2: {  	v3 =	vor.u32 v3, v4  }
0x5a3: {  	v4 =	vperm.xlane v3, v0;
	_ =	sdelay $0x1  }
0x5a4: {  	v4 =	vadd.s32 v1, v4;
	_ =	sdelay $0x3  }
0x5a5: {  	s18 =	simm.s32 $0x3380;
	v3 =	vperm.xlane v3, v2  }
0x5a6: {  	[tilespmem:s18], [sflag:$0x1] =	stream.indirect_vreg.gather [hbm4b:s2+s4], $0x80, v4, vm0, $0xb8;
	[tilespmem:$0x1FB80] =	vst v63  }
0x5a7: {  	v3 =	vadd.s32 v1, v3;
	s18 =	simm.s32 $0x3B80  }
0x5a8: {  	[tilespmem:s18], [sflag:$0x1] =	stream.indirect_vreg.gather [hbm4b:s7+s4], $0x80, v4, vm0, $0xb8;
	[tilespmem:$0x1FB80] =	vst v63  }
0x5a9: {  	s23 =	simm.s32 $0x4380  }
0x5aa: {  	[tilespmem:s23], [sflag:$0x1] =	stream.indirect_vreg.gather [hbm4b:s8+s4], $0x80, v4, vm0, $0xb8;
	[tilespmem:$0x1FB80] =	vst v63  }
0x5ab: {  	s24 =	simm.s32 $0x4B80  }
0x5ac: {  	[tilespmem:s24], [sflag:$0x1] =	stream.indirect_vreg.gather [hbm4b:s2+s4], $0x80, v3, vm0, $0xb8;
	[tilespmem:$0x1FB80] =	vst v63  }
0x5ad: {  	s25 =	simm.s32 $0x5380  }
0x5ae: {  	[tilespmem:s25], [sflag:$0x1] =	stream.indirect_vreg.gather [hbm4b:s7+s4], $0x80, v3, vm0, $0xb8;
	[tilespmem:$0x1FB80] =	vst v63  }
0x5af: {  	s18 =	simm.s32 $0x5B80  }
0x5b0: {  	[tilespmem:s18], [sflag:$0x1] =	stream.indirect_vreg.gather [hbm4b:s8+s4], $0x80, v3, vm0, $0xb8;
	[tilespmem:$0x1FB80] =	vst v63  }
0x5b1: {  	v3 =	vld [tilespmem:$0x100];
	_ =	sdelay $0x4  }
0x5b2: {  	v26 =	vshrl.u32 v3, $0x3  }
0x5b3: {  	v4 =	vmul.u32 $0x30, v26  }
0x5b4: {  	v3 =	vand.u32 $0x7, v3  }
0x5b5: {  	v3 =	vor.u32 v3, v4  }
0x5b6: {  	v4 =	vperm.xlane v3, v0;
	_ =	sdelay $0x1  }
0x5b7: {  	v4 =	vadd.s32 v1, v4;
	_ =	sdelay $0x3  }
0x5b8: {  	s18 =	simm.s32 $0x6380;
	v3 =	vperm.xlane v3, v2  }
0x5b9: {  	[tilespmem:s18], [sflag:$0x1] =	stream.indirect_vreg.gather [hbm4b:s2+s4], $0x80, v4, vm0, $0xb8;
	[tilespmem:$0x1FB80] =	vst v63  }
0x5ba: {  	s26 =	simm.s32 $0x6B80;
	v3 =	vadd.s32 v1, v3  }
0x5bb: {  	[tilespmem:s26], [sflag:$0x1] =	stream.indirect_vreg.gather [hbm4b:s7+s4], $0x80, v4, vm0, $0xb8;
	[tilespmem:$0x1FB80] =	vst v63  }
0x5bc: {  	s28 =	simm.s32 $0x7380  }
0x5bd: {  	[tilespmem:s28], [sflag:$0x1] =	stream.indirect_vreg.gather [hbm4b:s8+s4], $0x80, v4, vm0, $0xb8;
	[tilespmem:$0x1FB80] =	vst v63  }
0x5be: {  	s29 =	simm.s32 $0x7B80  }
0x5bf: {  	[tilespmem:s29], [sflag:$0x1] =	stream.indirect_vreg.gather [hbm4b:s2+s4], $0x80, v3, vm0, $0xb8;
	[tilespmem:$0x1FB80] =	vst v63  }
0x5c0: {  	s30 =	simm.s32 $0x8380  }
0x5c1: {  	[tilespmem:s30], [sflag:$0x1] =	stream.indirect_vreg.gather [hbm4b:s7+s4], $0x80, v3, vm0, $0xb8;
	[tilespmem:$0x1FB80] =	vst v63  }
0x5c2: {  	s18 =	simm.s32 $0x8B80  }
0x5c3: {  	[tilespmem:s18], [sflag:$0x1] =	stream.indirect_vreg.gather [hbm4b:s8+s4], $0x80, v3, vm0, $0xb8;
	[tilespmem:$0x1FB80] =	vst v63  }
0x5c4: {  	v3 =	vld.msk [tilespmem:$0x110], $0xff;
	_ =	sdelay $0x4  }
0x5c5: {  	v27 =	vshrl.u32 v3, $0x3  }
0x5c6: {  	v4 =	vmul.u32 $0x30, v27  }
0x5c7: {  	v3 =	vand.u32 $0x7, v3  }
0x5c8: {  	v3 =	vor.u32 v3, v4  }
0x5c9: {  	v3 =	vperm.xlane v3, v0;
	_ =	sdelay $0x1  }
0x5ca: {  	v3 =	vadd.s32 v1, v3;
	_ =	sdelay $0x3  }
0x5cb: {  	s31 =	simm.s32 $0x9380  }
0x5cc: {  	[tilespmem:s31], [sflag:$0x1] =	stream.indirect_vreg.gather [hbm4b:s2+s4], $0x80, v3, vm0, $0xb8;
	[tilespmem:$0x1FB80] =	vst v63  }
0x5cd: {  	s18 =	simm.s32 $0x9B80  }
0x5ce: {  	[tilespmem:s18], [sflag:$0x1] =	stream.indirect_vreg.gather [hbm4b:s7+s4], $0x80, v3, vm0, $0xb8;
	[tilespmem:$0x1FB80] =	vst v63  }
0x5cf: {  	s18 =	simm.s32 $0xA380  }
0x5d0: {  	[tilespmem:s18], [sflag:$0x1] =	stream.indirect_vreg.gather [hbm4b:s8+s4], $0x80, v3, vm0, $0xb8;
	[tilespmem:$0x1FB80] =	vst v63  }
0x5d1: {  	_ =	swait.ge [sflag:s14], $0xA800  }
0x5d2: {  	[sflag:s14] =	ssyncset.done $0x0  }
0x5d3: {  	s18 =	rddreg [dreg:$0x17];
	[sflag:s14] =	ssyncadd.s32 $0xFFFF5800  }
0x5d4: {  	[hbm4b:s18+s4] =	stream.linear.scatter [tilespmem:s22], [sflag:$0x5], $0xA800, $0x38;
	[tilespmem:$0x1FB80] =	vst v63  }
0x5d5: {  	_ =	swait.ge [sflag:s3], $0xA800  }
0x5d6: {  	[sflag:s3] =	ssyncset.done $0x0  }
0x5d7: {  	[sflag:s3] =	ssyncadd.s32 $0xFFFF5800  }
0x5d8: {  	v3 =	vld [tilespmem:$0x118];
	_ =	sdelay $0x4  }
0x5d9: {  	v28 =	vshrl.u32 v3, $0x3  }
0x5da: {  	v4 =	vmul.u32 $0x30, v28  }
0x5db: {  	v3 =	vand.u32 $0x7, v3  }
0x5dc: {  	v3 =	vor.u32 v3, v4  }
0x5dd: {  	v4 =	vperm.xlane v3, v0;
	_ =	sdelay $0x1  }
0x5de: {  	v4 =	vadd.s32 v1, v4;
	_ =	sdelay $0x3  }
0x5df: {  	v3 =	vperm.xlane v3, v2  }
0x5e0: {  	[tilespmem:s22], [sflag:$0x2] =	stream.indirect_vreg.gather [hbm4b:s2+s4], $0x80, v4, vm0, $0xb8;
	[tilespmem:$0x1FB80] =	vst v63  }
0x5e1: {  	s0 =	simm.s32 $0xB380;
	v3 =	vadd.s32 v1, v3  }
0x5e2: {  	[tilespmem:s0], [sflag:$0x2] =	stream.indirect_vreg.gather [hbm4b:s7+s4], $0x80, v4, vm0, $0xb8;
	[tilespmem:$0x1FB80] =	vst v63  }
0x5e3: {  	s21 =	simm.s32 $0xBB80  }
0x5e4: {  	[tilespmem:s21], [sflag:$0x2] =	stream.indirect_vreg.gather [hbm4b:s8+s4], $0x80, v4, vm0, $0xb8;
	[tilespmem:$0x1FB80] =	vst v63  }
0x5e5: {  	s20 =	simm.s32 $0xC380  }
0x5e6: {  	[tilespmem:s20], [sflag:$0x2] =	stream.indirect_vreg.gather [hbm4b:s2+s4], $0x80, v3, vm0, $0xb8;
	[tilespmem:$0x1FB80] =	vst v63  }
0x5e7: {  	s18 =	simm.s32 $0xCB80  }
0x5e8: {  	[tilespmem:s18], [sflag:$0x2] =	stream.indirect_vreg.gather [hbm4b:s7+s4], $0x80, v3, vm0, $0xb8;
	[tilespmem:$0x1FB80] =	vst v63  }
0x5e9: {  	s18 =	simm.s32 $0xD380  }
0x5ea: {  	[tilespmem:s18], [sflag:$0x2] =	stream.indirect_vreg.gather [hbm4b:s8+s4], $0x80, v3, vm0, $0xb8;
	[tilespmem:$0x1FB80] =	vst v63  }
0x5eb: {  	v3 =	vld [tilespmem:$0x128];
	_ =	sdelay $0x4  }
0x5ec: {  	v29 =	vshrl.u32 v3, $0x3  }
0x5ed: {  	v4 =	vmul.u32 $0x30, v29  }
0x5ee: {  	v3 =	vand.u32 $0x7, v3  }
0x5ef: {  	v3 =	vor.u32 v3, v4  }
0x5f0: {  	v4 =	vperm.xlane v3, v0;
	_ =	sdelay $0x1  }
0x5f1: {  	v4 =	vadd.s32 v1, v4;
	_ =	sdelay $0x3  }
0x5f2: {  	s18 =	simm.s32 $0xDB80;
	v3 =	vperm.xlane v3, v2  }
0x5f3: {  	[tilespmem:s18], [sflag:$0x2] =	stream.indirect_vreg.gather [hbm4b:s2+s4], $0x80, v4, vm0, $0xb8;
	[tilespmem:$0x1FB80] =	vst v63  }
0x5f4: {  	v3 =	vadd.s32 v1, v3;
	s18 =	simm.s32 $0xE380  }
0x5f5: {  	[tilespmem:s18], [sflag:$0x2] =	stream.indirect_vreg.gather [hbm4b:s7+s4], $0x80, v4, vm0, $0xb8;
	[tilespmem:$0x1FB80] =	vst v63  }
0x5f6: {  	s18 =	simm.s32 $0xEB80  }
0x5f7: {  	[tilespmem:s18], [sflag:$0x2] =	stream.indirect_vreg.gather [hbm4b:s8+s4], $0x80, v4, vm0, $0xb8;
	[tilespmem:$0x1FB80] =	vst v63  }
0x5f8: {  	s18 =	simm.s32 $0xF380  }
0x5f9: {  	[tilespmem:s18], [sflag:$0x2] =	stream.indirect_vreg.gather [hbm4b:s2+s4], $0x80, v3, vm0, $0xb8;
	[tilespmem:$0x1FB80] =	vst v63  }
0x5fa: {  	s18 =	simm.s32 $0xFB80  }
0x5fb: {  	[tilespmem:s18], [sflag:$0x2] =	stream.indirect_vreg.gather [hbm4b:s7+s4], $0x80, v3, vm0, $0xb8;
	[tilespmem:$0x1FB80] =	vst v63  }
0x5fc: {  	s18 =	simm.s32 $0x10380  }
0x5fd: {  	[tilespmem:s18], [sflag:$0x2] =	stream.indirect_vreg.gather [hbm4b:s8+s4], $0x80, v3, vm0, $0xb8;
	[tilespmem:$0x1FB80] =	vst v63  }
0x5fe: {  	v3 =	vld [tilespmem:$0x138];
	_ =	sdelay $0x4  }
0x5ff: {  	v30 =	vshrl.u32 v3, $0x3  }
0x600: {  	v4 =	vmul.u32 $0x30, v30  }
0x601: {  	v3 =	vand.u32 $0x7, v3  }
0x602: {  	v3 =	vor.u32 v3, v4  }
0x603: {  	v4 =	vperm.xlane v3, v0;
	_ =	sdelay $0x1  }
0x604: {  	v4 =	vadd.s32 v1, v4;
	_ =	sdelay $0x3  }
0x605: {  	s18 =	simm.s32 $0x10B80;
	v3 =	vperm.xlane v3, v2  }
0x606: {  	[tilespmem:s18], [sflag:$0x2] =	stream.indirect_vreg.gather [hbm4b:s2+s4], $0x80, v4, vm0, $0xb8;
	[tilespmem:$0x1FB80] =	vst v63  }
0x607: {  	v3 =	vadd.s32 v1, v3;
	s18 =	simm.s32 $0x11380  }
0x608: {  	[tilespmem:s18], [sflag:$0x2] =	stream.indirect_vreg.gather [hbm4b:s7+s4], $0x80, v4, vm0, $0xb8;
	[tilespmem:$0x1FB80] =	vst v63  }
0x609: {  	s18 =	simm.s32 $0x11B80  }
0x60a: {  	[tilespmem:s18], [sflag:$0x2] =	stream.indirect_vreg.gather [hbm4b:s8+s4], $0x80, v4, vm0, $0xb8;
	[tilespmem:$0x1FB80] =	vst v63  }
0x60b: {  	s18 =	simm.s32 $0x12380  }
0x60c: {  	[tilespmem:s18], [sflag:$0x2] =	stream.indirect_vreg.gather [hbm4b:s2+s4], $0x80, v3, vm0, $0xb8;
	[tilespmem:$0x1FB80] =	vst v63  }
0x60d: {  	s18 =	simm.s32 $0x12B80  }
0x60e: {  	[tilespmem:s18], [sflag:$0x2] =	stream.indirect_vreg.gather [hbm4b:s7+s4], $0x80, v3, vm0, $0xb8;
	[tilespmem:$0x1FB80] =	vst v63  }
0x60f: {  	s18 =	simm.s32 $0x13380  }
0x610: {  	[tilespmem:s18], [sflag:$0x2] =	stream.indirect_vreg.gather [hbm4b:s8+s4], $0x80, v3, vm0, $0xb8;
	[tilespmem:$0x1FB80] =	vst v63  }
0x611: {  	v3 =	vld.msk [tilespmem:$0x148], $0xff;
	_ =	sdelay $0x4  }
0x612: {  	v31 =	vshrl.u32 v3, $0x3  }
0x613: {  	v4 =	vmul.u32 $0x30, v31  }
0x614: {  	v3 =	vand.u32 $0x7, v3  }
0x615: {  	v3 =	vor.u32 v3, v4  }
0x616: {  	v3 =	vperm.xlane v3, v0;
	_ =	sdelay $0x1  }
0x617: {  	v3 =	vadd.s32 v1, v3;
	_ =	sdelay $0x3  }
0x618: {  	s18 =	simm.s32 $0x13B80  }
0x619: {  	[tilespmem:s18], [sflag:$0x2] =	stream.indirect_vreg.gather [hbm4b:s2+s4], $0x80, v3, vm0, $0xb8;
	[tilespmem:$0x1FB80] =	vst v63  }
0x61a: {  	s18 =	simm.s32 $0x14380  }
0x61b: {  	[tilespmem:s18], [sflag:$0x2] =	stream.indirect_vreg.gather [hbm4b:s7+s4], $0x80, v3, vm0, $0xb8;
	[tilespmem:$0x1FB80] =	vst v63  }
0x61c: {  	s18 =	simm.s32 $0x14B80  }
0x61d: {  	[tilespmem:s18], [sflag:$0x2] =	stream.indirect_vreg.gather [hbm4b:s8+s4], $0x80, v3, vm0, $0xb8;
	[tilespmem:$0x1FB80] =	vst v63  }
0x61e: {  	_ =	swait.ge [sflag:s16], $0xA800  }
0x61f: {  	[sflag:s16] =	ssyncset.done $0x0  }
0x620: {  	s18 =	rddreg [dreg:$0x18];
	[sflag:s16] =	ssyncadd.s32 $0xFFFF5800  }
0x621: {  	[hbm4b:s18+s4] =	stream.linear.scatter [tilespmem:s9], [sflag:$0x6], $0xA800, $0x38;
	[tilespmem:$0x1FB80] =	vst v63  }
0x622: {  	_ =	swait.ge [sflag:s17], $0xA800  }
0x623: {  	[sflag:s17] =	ssyncset.done $0x0  }
0x624: {  	[sflag:s17] =	ssyncadd.s32 $0xFFFF5800  }
0x625: {  	v3 =	vld [tilespmem:$0x150];
	_ =	sdelay $0x4  }
0x626: {  	v32 =	vshrl.u32 v3, $0x3  }
0x627: {  	v4 =	vmul.u32 $0x30, v32  }
0x628: {  	v3 =	vand.u32 $0x7, v3  }
0x629: {  	v3 =	vor.u32 v3, v4  }
0x62a: {  	v4 =	vperm.xlane v3, v0;
	_ =	sdelay $0x1  }
0x62b: {  	v4 =	vadd.s32 v1, v4;
	_ =	sdelay $0x3  }
0x62c: {  	v3 =	vperm.xlane v3, v2  }
0x62d: {  	[tilespmem:s9], [sflag:$0x3] =	stream.indirect_vreg.gather [hbm4b:s2+s4], $0x80, v4, vm0, $0xb8;
	[tilespmem:$0x1FB80] =	vst v63  }
0x62e: {  	s19 =	simm.s32 $0x15B80;
	v3 =	vadd.s32 v1, v3  }
0x62f: {  	[tilespmem:s19], [sflag:$0x3] =	stream.indirect_vreg.gather [hbm4b:s7+s4], $0x80, v4, vm0, $0xb8;
	[tilespmem:$0x1FB80] =	vst v63  }
0x630: {  	s18 =	simm.s32 $0x16380  }
0x631: {  	[tilespmem:s18], [sflag:$0x3] =	stream.indirect_vreg.gather [hbm4b:s8+s4], $0x80, v4, vm0, $0xb8;
	[tilespmem:$0x1FB80] =	vst v63  }
0x632: {  	s11 =	simm.s32 $0x16B80  }
0x633: {  	[tilespmem:s11], [sflag:$0x3] =	stream.indirect_vreg.gather [hbm4b:s2+s4], $0x80, v3, vm0, $0xb8;
	[tilespmem:$0x1FB80] =	vst v63  }
0x634: {  	s15 =	simm.s32 $0x17380  }
0x635: {  	[tilespmem:s15], [sflag:$0x3] =	stream.indirect_vreg.gather [hbm4b:s7+s4], $0x80, v3, vm0, $0xb8;
	[tilespmem:$0x1FB80] =	vst v63  }
0x636: {  	s15 =	simm.s32 $0x17B80  }
0x637: {  	[tilespmem:s15], [sflag:$0x3] =	stream.indirect_vreg.gather [hbm4b:s8+s4], $0x80, v3, vm0, $0xb8;
	[tilespmem:$0x1FB80] =	vst v63  }
0x638: {  	v3 =	vld [tilespmem:$0x160];
	_ =	sdelay $0x4  }
0x639: {  	v33 =	vshrl.u32 v3, $0x3  }
0x63a: {  	v4 =	vmul.u32 $0x30, v33  }
0x63b: {  	v3 =	vand.u32 $0x7, v3  }
0x63c: {  	v3 =	vor.u32 v3, v4  }
0x63d: {  	v4 =	vperm.xlane v3, v0;
	_ =	sdelay $0x1  }
0x63e: {  	v4 =	vadd.s32 v1, v4;
	_ =	sdelay $0x3  }
0x63f: {  	s18 =	simm.s32 $0x18380;
	v3 =	vperm.xlane v3, v2  }
0x640: {  	[tilespmem:s18], [sflag:$0x3] =	stream.indirect_vreg.gather [hbm4b:s2+s4], $0x80, v4, vm0, $0xb8;
	[tilespmem:$0x1FB80] =	vst v63  }
0x641: {  	s15 =	simm.s32 $0x18B80;
	v3 =	vadd.s32 v1, v3  }
0x642: {  	[tilespmem:s15], [sflag:$0x3] =	stream.indirect_vreg.gather [hbm4b:s7+s4], $0x80, v4, vm0, $0xb8;
	[tilespmem:$0x1FB80] =	vst v63  }
0x643: {  	s18 =	simm.s32 $0x19380  }
0x644: {  	[tilespmem:s18], [sflag:$0x3] =	stream.indirect_vreg.gather [hbm4b:s8+s4], $0x80, v4, vm0, $0xb8;
	[tilespmem:$0x1FB80] =	vst v63  }
0x645: {  	s15 =	simm.s32 $0x19B80  }
0x646: {  	[tilespmem:s15], [sflag:$0x3] =	stream.indirect_vreg.gather [hbm4b:s2+s4], $0x80, v3, vm0, $0xb8;
	[tilespmem:$0x1FB80] =	vst v63  }
0x647: {  	s18 =	simm.s32 $0x1A380  }
0x648: {  	[tilespmem:s18], [sflag:$0x3] =	stream.indirect_vreg.gather [hbm4b:s7+s4], $0x80, v3, vm0, $0xb8;
	[tilespmem:$0x1FB80] =	vst v63  }
0x649: {  	s15 =	simm.s32 $0x1AB80  }
0x64a: {  	[tilespmem:s15], [sflag:$0x3] =	stream.indirect_vreg.gather [hbm4b:s8+s4], $0x80, v3, vm0, $0xb8;
	[tilespmem:$0x1FB80] =	vst v63  }
0x64b: {  	v3 =	vld [tilespmem:$0x170];
	_ =	sdelay $0x4  }
0x64c: {  	v34 =	vshrl.u32 v3, $0x3  }
0x64d: {  	v4 =	vmul.u32 $0x30, v34  }
0x64e: {  	v3 =	vand.u32 $0x7, v3  }
0x64f: {  	v3 =	vor.u32 v3, v4  }
0x650: {  	v4 =	vperm.xlane v3, v0;
	_ =	sdelay $0x1  }
0x651: {  	v4 =	vadd.s32 v1, v4;
	_ =	sdelay $0x3  }
0x652: {  	s18 =	simm.s32 $0x1B380;
	v3 =	vperm.xlane v3, v2  }
0x653: {  	[tilespmem:s18], [sflag:$0x3] =	stream.indirect_vreg.gather [hbm4b:s2+s4], $0x80, v4, vm0, $0xb8;
	[tilespmem:$0x1FB80] =	vst v63  }
0x654: {  	s15 =	simm.s32 $0x1BB80;
	v3 =	vadd.s32 v1, v3  }
0x655: {  	[tilespmem:s15], [sflag:$0x3] =	stream.indirect_vreg.gather [hbm4b:s7+s4], $0x80, v4, vm0, $0xb8;
	[tilespmem:$0x1FB80] =	vst v63  }
0x656: {  	s18 =	simm.s32 $0x1C380  }
0x657: {  	[tilespmem:s18], [sflag:$0x3] =	stream.indirect_vreg.gather [hbm4b:s8+s4], $0x80, v4, vm0, $0xb8;
	[tilespmem:$0x1FB80] =	vst v63  }
0x658: {  	s15 =	simm.s32 $0x1CB80  }
0x659: {  	[tilespmem:s15], [sflag:$0x3] =	stream.indirect_vreg.gather [hbm4b:s2+s4], $0x80, v3, vm0, $0xb8;
	[tilespmem:$0x1FB80] =	vst v63  }
0x65a: {  	s18 =	simm.s32 $0x1D380  }
0x65b: {  	[tilespmem:s18], [sflag:$0x3] =	stream.indirect_vreg.gather [hbm4b:s7+s4], $0x80, v3, vm0, $0xb8;
	[tilespmem:$0x1FB80] =	vst v63  }
0x65c: {  	s15 =	simm.s32 $0x1DB80  }
0x65d: {  	[tilespmem:s15], [sflag:$0x3] =	stream.indirect_vreg.gather [hbm4b:s8+s4], $0x80, v3, vm0, $0xb8;
	[tilespmem:$0x1FB80] =	vst v63  }
0x65e: {  	v3 =	vld.msk [tilespmem:$0x180], $0xff;
	_ =	sdelay $0x4  }
0x65f: {  	v35 =	vshrl.u32 v3, $0x3  }
0x660: {  	v4 =	vmul.u32 $0x30, v35  }
0x661: {  	v3 =	vand.u32 $0x7, v3  }
0x662: {  	v3 =	vor.u32 v3, v4  }
0x663: {  	v3 =	vperm.xlane v3, v0;
	_ =	sdelay $0x1  }
0x664: {  	v3 =	vadd.s32 v1, v3;
	_ =	sdelay $0x3  }
0x665: {  	s18 =	simm.s32 $0x1E380  }
0x666: {  	[tilespmem:s18], [sflag:$0x3] =	stream.indirect_vreg.gather [hbm4b:s2+s4], $0x80, v3, vm0, $0xb8;
	[tilespmem:$0x1FB80] =	vst v63  }
0x667: {  	s15 =	simm.s32 $0x1EB80  }
0x668: {  	[tilespmem:s15], [sflag:$0x3] =	stream.indirect_vreg.gather [hbm4b:s7+s4], $0x80, v3, vm0, $0xb8;
	[tilespmem:$0x1FB80] =	vst v63  }
0x669: {  	s18 =	simm.s32 $0x1F380  }
0x66a: {  	[tilespmem:s18], [sflag:$0x3] =	stream.indirect_vreg.gather [hbm4b:s8+s4], $0x80, v3, vm0, $0xb8;
	[tilespmem:$0x1FB80] =	vst v63  }
0x66b: {  	_ =	swait.ge [sflag:s12], $0xA800  }
0x66c: {  	[sflag:s12] =	ssyncset.done $0x0  }
0x66d: {  	s15 =	rddreg [dreg:$0x19];
	[sflag:s12] =	ssyncadd.s32 $0xFFFF5800  }
0x66e: {  	[hbm4b:s15+s4] =	stream.linear.scatter [tilespmem:s10], [sflag:$0x4], $0xA800, $0x38;
	[tilespmem:$0x1FB80] =	vst v63  }
0x66f: {  	_ =	swait.ge [sflag:s13], $0xA800  }
0x670: {  	[sflag:s13] =	ssyncset.done $0x0  }
0x671: {  	[sflag:s13] =	ssyncadd.s32 $0xFFFF5800  }
0x672: {  	v3 =	vld [tilespmem:$0x188];
	_ =	sdelay $0x4  }
0x673: {  	v36 =	vshrl.u32 v3, $0x3  }
0x674: {  	v4 =	vmul.u32 $0x30, v36  }
0x675: {  	v3 =	vand.u32 $0x7, v3  }
0x676: {  	v3 =	vor.u32 v3, v4  }
0x677: {  	v4 =	vperm.xlane v3, v0;
	_ =	sdelay $0x1  }
0x678: {  	v4 =	vadd.s32 v1, v4;
	_ =	sdelay $0x3  }
0x679: {  	v3 =	vperm.xlane v3, v2  }
0x67a: {  	[tilespmem:s10], [sflag:$0x1] =	stream.indirect_vreg.gather [hbm4b:s2+s4], $0x80, v4, vm0, $0xb8;
	[tilespmem:$0x1FB80] =	vst v63  }
0x67b: {  	s18 =	simm.s32 $0xB80;
	v3 =	vadd.s32 v1, v3  }
0x67c: {  	[tilespmem:s18], [sflag:$0x1] =	stream.indirect_vreg.gather [hbm4b:s7+s4], $0x80, v4, vm0, $0xb8;
	[tilespmem:$0x1FB80] =	vst v63  }
0x67d: {  	s15 =	simm.s32 $0x1380  }
0x67e: {  	[tilespmem:s15], [sflag:$0x1] =	stream.indirect_vreg.gather [hbm4b:s8+s4], $0x80, v4, vm0, $0xb8;
	[tilespmem:$0x1FB80] =	vst v63  }
0x67f: {  	s18 =	simm.s32 $0x1B80  }
0x680: {  	[tilespmem:s18], [sflag:$0x1] =	stream.indirect_vreg.gather [hbm4b:s2+s4], $0x80, v3, vm0, $0xb8;
	[tilespmem:$0x1FB80] =	vst v63  }
0x681: {  	s15 =	simm.s32 $0x2380  }
0x682: {  	[tilespmem:s15], [sflag:$0x1] =	stream.indirect_vreg.gather [hbm4b:s7+s4], $0x80, v3, vm0, $0xb8;
	[tilespmem:$0x1FB80] =	vst v63  }
0x683: {  	s18 =	simm.s32 $0x2B80  }
0x684: {  	[tilespmem:s18], [sflag:$0x1] =	stream.indirect_vreg.gather [hbm4b:s8+s4], $0x80, v3, vm0, $0xb8;
	[tilespmem:$0x1FB80] =	vst v63  }
0x685: {  	v3 =	vld [tilespmem:$0x198];
	_ =	sdelay $0x4  }
0x686: {  	v37 =	vshrl.u32 v3, $0x3  }
0x687: {  	v4 =	vmul.u32 $0x30, v37  }
0x688: {  	v3 =	vand.u32 $0x7, v3  }
0x689: {  	v3 =	vor.u32 v3, v4  }
0x68a: {  	v4 =	vperm.xlane v3, v0;
	_ =	sdelay $0x1  }
0x68b: {  	v4 =	vadd.s32 v1, v4;
	_ =	sdelay $0x3  }
0x68c: {  	s15 =	simm.s32 $0x3380;
	v3 =	vperm.xlane v3, v2  }
0x68d: {  	[tilespmem:s15], [sflag:$0x1] =	stream.indirect_vreg.gather [hbm4b:s2+s4], $0x80, v4, vm0, $0xb8;
	[tilespmem:$0x1FB80] =	vst v63  }
0x68e: {  	s18 =	simm.s32 $0x3B80;
	v3 =	vadd.s32 v1, v3  }
0x68f: {  	[tilespmem:s18], [sflag:$0x1] =	stream.indirect_vreg.gather [hbm4b:s7+s4], $0x80, v4, vm0, $0xb8;
	[tilespmem:$0x1FB80] =	vst v63  }
0x690: {  	s23 =	simm.s32 $0x4380  }
0x691: {  	[tilespmem:s23], [sflag:$0x1] =	stream.indirect_vreg.gather [hbm4b:s8+s4], $0x80, v4, vm0, $0xb8;
	[tilespmem:$0x1FB80] =	vst v63  }
0x692: {  	s24 =	simm.s32 $0x4B80  }
0x693: {  	[tilespmem:s24], [sflag:$0x1] =	stream.indirect_vreg.gather [hbm4b:s2+s4], $0x80, v3, vm0, $0xb8;
	[tilespmem:$0x1FB80] =	vst v63  }
0x694: {  	s25 =	simm.s32 $0x5380  }
0x695: {  	[tilespmem:s25], [sflag:$0x1] =	stream.indirect_vreg.gather [hbm4b:s7+s4], $0x80, v3, vm0, $0xb8;
	[tilespmem:$0x1FB80] =	vst v63  }
0x696: {  	s24 =	simm.s32 $0x5B80  }
0x697: {  	[tilespmem:s24], [sflag:$0x1] =	stream.indirect_vreg.gather [hbm4b:s8+s4], $0x80, v3, vm0, $0xb8;
	[tilespmem:$0x1FB80] =	vst v63  }
0x698: {  	v3 =	vld [tilespmem:$0x1A8];
	_ =	sdelay $0x4  }
0x699: {  	v38 =	vshrl.u32 v3, $0x3  }
0x69a: {  	v4 =	vmul.u32 $0x30, v38  }
0x69b: {  	v3 =	vand.u32 $0x7, v3  }
0x69c: {  	v3 =	vor.u32 v3, v4  }
0x69d: {  	v4 =	vperm.xlane v3, v0;
	_ =	sdelay $0x1  }
0x69e: {  	v4 =	vadd.s32 v1, v4;
	_ =	sdelay $0x3  }
0x69f: {  	s25 =	simm.s32 $0x6380;
	v3 =	vperm.xlane v3, v2  }
0x6a0: {  	[tilespmem:s25], [sflag:$0x1] =	stream.indirect_vreg.gather [hbm4b:s2+s4], $0x80, v4, vm0, $0xb8;
	[tilespmem:$0x1FB80] =	vst v63  }
0x6a1: {  	s26 =	simm.s32 $0x6B80;
	v3 =	vadd.s32 v1, v3  }
0x6a2: {  	[tilespmem:s26], [sflag:$0x1] =	stream.indirect_vreg.gather [hbm4b:s7+s4], $0x80, v4, vm0, $0xb8;
	[tilespmem:$0x1FB80] =	vst v63  }
0x6a3: {  	s28 =	simm.s32 $0x7380  }
0x6a4: {  	[tilespmem:s28], [sflag:$0x1] =	stream.indirect_vreg.gather [hbm4b:s8+s4], $0x80, v4, vm0, $0xb8;
	[tilespmem:$0x1FB80] =	vst v63  }
0x6a5: {  	s29 =	simm.s32 $0x7B80  }
0x6a6: {  	[tilespmem:s29], [sflag:$0x1] =	stream.indirect_vreg.gather [hbm4b:s2+s4], $0x80, v3, vm0, $0xb8;
	[tilespmem:$0x1FB80] =	vst v63  }
0x6a7: {  	s30 =	simm.s32 $0x8380  }
0x6a8: {  	[tilespmem:s30], [sflag:$0x1] =	stream.indirect_vreg.gather [hbm4b:s7+s4], $0x80, v3, vm0, $0xb8;
	[tilespmem:$0x1FB80] =	vst v63  }
0x6a9: {  	s30 =	simm.s32 $0x8B80  }
0x6aa: {  	[tilespmem:s30], [sflag:$0x1] =	stream.indirect_vreg.gather [hbm4b:s8+s4], $0x80, v3, vm0, $0xb8;
	[tilespmem:$0x1FB80] =	vst v63  }
0x6ab: {  	v3 =	vld.msk [tilespmem:$0x1B8], $0xff;
	_ =	sdelay $0x4  }
0x6ac: {  	v39 =	vshrl.u32 v3, $0x3  }
0x6ad: {  	v4 =	vmul.u32 $0x30, v39  }
0x6ae: {  	v3 =	vand.u32 $0x7, v3  }
0x6af: {  	v3 =	vor.u32 v3, v4  }
0x6b0: {  	v3 =	vperm.xlane v3, v0;
	_ =	sdelay $0x1  }
0x6b1: {  	v3 =	vadd.s32 v1, v3;
	_ =	sdelay $0x3  }
0x6b2: {  	s31 =	simm.s32 $0x9380  }
0x6b3: {  	[tilespmem:s31], [sflag:$0x1] =	stream.indirect_vreg.gather [hbm4b:s2+s4], $0x80, v3, vm0, $0xb8;
	[tilespmem:$0x1FB80] =	vst v63  }
0x6b4: {  	s15 =	simm.s32 $0x9B80  }
0x6b5: {  	[tilespmem:s15], [sflag:$0x1] =	stream.indirect_vreg.gather [hbm4b:s7+s4], $0x80, v3, vm0, $0xb8;
	[tilespmem:$0x1FB80] =	vst v63  }
0x6b6: {  	s18 =	simm.s32 $0xA380  }
0x6b7: {  	[tilespmem:s18], [sflag:$0x1] =	stream.indirect_vreg.gather [hbm4b:s8+s4], $0x80, v3, vm0, $0xb8;
	[tilespmem:$0x1FB80] =	vst v63  }
0x6b8: {  	_ =	swait.ge [sflag:s14], $0xA800  }
0x6b9: {  	[sflag:s14] =	ssyncset.done $0x0  }
0x6ba: {  	s23 =	rddreg [dreg:$0x1a];
	[sflag:s14] =	ssyncadd.s32 $0xFFFF5800  }
0x6bb: {  	[hbm4b:s23+s4] =	stream.linear.scatter [tilespmem:s22], [sflag:$0x5], $0xA800, $0x38;
	[tilespmem:$0x1FB80] =	vst v63  }
0x6bc: {  	_ =	swait.ge [sflag:s3], $0xA800  }
0x6bd: {  	[sflag:s3] =	ssyncset.done $0x0  }
0x6be: {  	[sflag:s3] =	ssyncadd.s32 $0xFFFF5800  }
0x6bf: {  	v3 =	vld [tilespmem:$0x1C0];
	_ =	sdelay $0x4  }
0x6c0: {  	v40 =	vshrl.u32 v3, $0x3  }
0x6c1: {  	v4 =	vmul.u32 $0x30, v40  }
0x6c2: {  	v3 =	vand.u32 $0x7, v3  }
0x6c3: {  	v3 =	vor.u32 v3, v4  }
0x6c4: {  	v4 =	vperm.xlane v3, v0;
	_ =	sdelay $0x1  }
0x6c5: {  	v4 =	vadd.s32 v1, v4;
	_ =	sdelay $0x3  }
0x6c6: {  	v3 =	vperm.xlane v3, v2  }
0x6c7: {  	[tilespmem:s22], [sflag:$0x2] =	stream.indirect_vreg.gather [hbm4b:s2+s4], $0x80, v4, vm0, $0xb8;
	[tilespmem:$0x1FB80] =	vst v63  }
0x6c8: {  	s0 =	simm.s32 $0xB380;
	v3 =	vadd.s32 v1, v3  }
0x6c9: {  	[tilespmem:s0], [sflag:$0x2] =	stream.indirect_vreg.gather [hbm4b:s7+s4], $0x80, v4, vm0, $0xb8;
	[tilespmem:$0x1FB80] =	vst v63  }
0x6ca: {  	s21 =	simm.s32 $0xBB80  }
0x6cb: {  	[tilespmem:s21], [sflag:$0x2] =	stream.indirect_vreg.gather [hbm4b:s8+s4], $0x80, v4, vm0, $0xb8;
	[tilespmem:$0x1FB80] =	vst v63  }
0x6cc: {  	s20 =	simm.s32 $0xC380  }
0x6cd: {  	[tilespmem:s20], [sflag:$0x2] =	stream.indirect_vreg.gather [hbm4b:s2+s4], $0x80, v3, vm0, $0xb8;
	[tilespmem:$0x1FB80] =	vst v63  }
0x6ce: {  	s24 =	simm.s32 $0xCB80  }
0x6cf: {  	[tilespmem:s24], [sflag:$0x2] =	stream.indirect_vreg.gather [hbm4b:s7+s4], $0x80, v3, vm0, $0xb8;
	[tilespmem:$0x1FB80] =	vst v63  }
0x6d0: {  	s25 =	simm.s32 $0xD380  }
0x6d1: {  	[tilespmem:s25], [sflag:$0x2] =	stream.indirect_vreg.gather [hbm4b:s8+s4], $0x80, v3, vm0, $0xb8;
	[tilespmem:$0x1FB80] =	vst v63  }
0x6d2: {  	v3 =	vld [tilespmem:$0x1D0];
	_ =	sdelay $0x4  }
0x6d3: {  	v41 =	vshrl.u32 v3, $0x3  }
0x6d4: {  	v4 =	vmul.u32 $0x30, v41  }
0x6d5: {  	v3 =	vand.u32 $0x7, v3  }
0x6d6: {  	v3 =	vor.u32 v3, v4  }
0x6d7: {  	v4 =	vperm.xlane v3, v0;
	_ =	sdelay $0x1  }
0x6d8: {  	v4 =	vadd.s32 v1, v4;
	_ =	sdelay $0x3  }
0x6d9: {  	s26 =	simm.s32 $0xDB80;
	v3 =	vperm.xlane v3, v2  }
0x6da: {  	[tilespmem:s26], [sflag:$0x2] =	stream.indirect_vreg.gather [hbm4b:s2+s4], $0x80, v4, vm0, $0xb8;
	[tilespmem:$0x1FB80] =	vst v63  }
0x6db: {  	s28 =	simm.s32 $0xE380;
	v3 =	vadd.s32 v1, v3  }
0x6dc: {  	[tilespmem:s28], [sflag:$0x2] =	stream.indirect_vreg.gather [hbm4b:s7+s4], $0x80, v4, vm0, $0xb8;
	[tilespmem:$0x1FB80] =	vst v63  }
0x6dd: {  	s29 =	simm.s32 $0xEB80  }
0x6de: {  	[tilespmem:s29], [sflag:$0x2] =	stream.indirect_vreg.gather [hbm4b:s8+s4], $0x80, v4, vm0, $0xb8;
	[tilespmem:$0x1FB80] =	vst v63  }
0x6df: {  	s30 =	simm.s32 $0xF380  }
0x6e0: {  	[tilespmem:s30], [sflag:$0x2] =	stream.indirect_vreg.gather [hbm4b:s2+s4], $0x80, v3, vm0, $0xb8;
	[tilespmem:$0x1FB80] =	vst v63  }
0x6e1: {  	s31 =	simm.s32 $0xFB80  }
0x6e2: {  	[tilespmem:s31], [sflag:$0x2] =	stream.indirect_vreg.gather [hbm4b:s7+s4], $0x80, v3, vm0, $0xb8;
	[tilespmem:$0x1FB80] =	vst v63  }
0x6e3: {  	s18 =	simm.s32 $0x10380  }
0x6e4: {  	[tilespmem:s18], [sflag:$0x2] =	stream.indirect_vreg.gather [hbm4b:s8+s4], $0x80, v3, vm0, $0xb8;
	[tilespmem:$0x1FB80] =	vst v63  }
0x6e5: {  	v3 =	vld [tilespmem:$0x1E0];
	_ =	sdelay $0x4  }
0x6e6: {  	v42 =	vshrl.u32 v3, $0x3  }
0x6e7: {  	v4 =	vmul.u32 $0x30, v42  }
0x6e8: {  	v3 =	vand.u32 $0x7, v3  }
0x6e9: {  	v3 =	vor.u32 v3, v4  }
0x6ea: {  	v4 =	vperm.xlane v3, v0;
	_ =	sdelay $0x1  }
0x6eb: {  	v4 =	vadd.s32 v1, v4;
	_ =	sdelay $0x3  }
0x6ec: {  	s21 =	simm.s32 $0x10B80;
	v3 =	vperm.xlane v3, v2  }
0x6ed: {  	[tilespmem:s21], [sflag:$0x2] =	stream.indirect_vreg.gather [hbm4b:s2+s4], $0x80, v4, vm0, $0xb8;
	[tilespmem:$0x1FB80] =	vst v63  }
0x6ee: {  	s23 =	simm.s32 $0x11380;
	v3 =	vadd.s32 v1, v3  }
0x6ef: {  	[tilespmem:s23], [sflag:$0x2] =	stream.indirect_vreg.gather [hbm4b:s7+s4], $0x80, v4, vm0, $0xb8;
	[tilespmem:$0x1FB80] =	vst v63  }
0x6f0: {  	s24 =	simm.s32 $0x11B80  }
0x6f1: {  	[tilespmem:s24], [sflag:$0x2] =	stream.indirect_vreg.gather [hbm4b:s8+s4], $0x80, v4, vm0, $0xb8;
	[tilespmem:$0x1FB80] =	vst v63  }
0x6f2: {  	s25 =	simm.s32 $0x12380  }
0x6f3: {  	[tilespmem:s25], [sflag:$0x2] =	stream.indirect_vreg.gather [hbm4b:s2+s4], $0x80, v3, vm0, $0xb8;
	[tilespmem:$0x1FB80] =	vst v63  }
0x6f4: {  	s26 =	simm.s32 $0x12B80  }
0x6f5: {  	[tilespmem:s26], [sflag:$0x2] =	stream.indirect_vreg.gather [hbm4b:s7+s4], $0x80, v3, vm0, $0xb8;
	[tilespmem:$0x1FB80] =	vst v63  }
0x6f6: {  	s28 =	simm.s32 $0x13380  }
0x6f7: {  	[tilespmem:s28], [sflag:$0x2] =	stream.indirect_vreg.gather [hbm4b:s8+s4], $0x80, v3, vm0, $0xb8;
	[tilespmem:$0x1FB80] =	vst v63  }
0x6f8: {  	v3 =	vld.msk [tilespmem:$0x1F0], $0xff;
	_ =	sdelay $0x4  }
0x6f9: {  	v43 =	vshrl.u32 v3, $0x3  }
0x6fa: {  	v4 =	vmul.u32 $0x30, v43  }
0x6fb: {  	v3 =	vand.u32 $0x7, v3  }
0x6fc: {  	v3 =	vor.u32 v3, v4  }
0x6fd: {  	v3 =	vperm.xlane v3, v0;
	_ =	sdelay $0x1  }
0x6fe: {  	v3 =	vadd.s32 v1, v3;
	_ =	sdelay $0x3  }
0x6ff: {  	s29 =	simm.s32 $0x13B80  }
0x700: {  	[tilespmem:s29], [sflag:$0x2] =	stream.indirect_vreg.gather [hbm4b:s2+s4], $0x80, v3, vm0, $0xb8;
	[tilespmem:$0x1FB80] =	vst v63  }
0x701: {  	s30 =	simm.s32 $0x14380  }
0x702: {  	[tilespmem:s30], [sflag:$0x2] =	stream.indirect_vreg.gather [hbm4b:s7+s4], $0x80, v3, vm0, $0xb8;
	[tilespmem:$0x1FB80] =	vst v63  }
0x703: {  	s31 =	simm.s32 $0x14B80  }
0x704: {  	[tilespmem:s31], [sflag:$0x2] =	stream.indirect_vreg.gather [hbm4b:s8+s4], $0x80, v3, vm0, $0xb8;
	[tilespmem:$0x1FB80] =	vst v63  }
0x705: {  	_ =	swait.ge [sflag:s16], $0xA800  }
0x706: {  	[sflag:s16] =	ssyncset.done $0x0  }
0x707: {  	s0 =	rddreg [dreg:$0x1b];
	[sflag:s16] =	ssyncadd.s32 $0xFFFF5800  }
0x708: {  	[hbm4b:s0+s4] =	stream.linear.scatter [tilespmem:s9], [sflag:$0x6], $0xA800, $0x38;
	[tilespmem:$0x1FB80] =	vst v63  }
0x709: {  	_ =	swait.ge [sflag:s17], $0xA800  }
0x70a: {  	[sflag:s17] =	ssyncset.done $0x0  }
0x70b: {  	[sflag:s17] =	ssyncadd.s32 $0xFFFF5800  }
0x70c: {  	v3 =	vld [tilespmem:$0x1F8];
	_ =	sdelay $0x4  }
0x70d: {  	v44 =	vshrl.u32 v3, $0x3  }
0x70e: {  	v4 =	vmul.u32 $0x30, v44  }
0x70f: {  	v3 =	vand.u32 $0x7, v3  }
0x710: {  	v3 =	vor.u32 v3, v4  }
0x711: {  	v4 =	vperm.xlane v3, v0;
	_ =	sdelay $0x1  }
0x712: {  	v4 =	vadd.s32 v1, v4;
	_ =	sdelay $0x3  }
0x713: {  	v3 =	vperm.xlane v3, v2  }
0x714: {  	[tilespmem:s9], [sflag:$0x3] =	stream.indirect_vreg.gather [hbm4b:s2+s4], $0x80, v4, vm0, $0xb8;
	[tilespmem:$0x1FB80] =	vst v63  }
0x715: {  	s19 =	simm.s32 $0x15B80;
	v3 =	vadd.s32 v1, v3  }
0x716: {  	[tilespmem:s19], [sflag:$0x3] =	stream.indirect_vreg.gather [hbm4b:s7+s4], $0x80, v4, vm0, $0xb8;
	[tilespmem:$0x1FB80] =	vst v63  }
0x717: {  	s21 =	simm.s32 $0x16380  }
0x718: {  	[tilespmem:s21], [sflag:$0x3] =	stream.indirect_vreg.gather [hbm4b:s8+s4], $0x80, v4, vm0, $0xb8;
	[tilespmem:$0x1FB80] =	vst v63  }
0x719: {  	s23 =	simm.s32 $0x16B80  }
0x71a: {  	[tilespmem:s23], [sflag:$0x3] =	stream.indirect_vreg.gather [hbm4b:s2+s4], $0x80, v3, vm0, $0xb8;
	[tilespmem:$0x1FB80] =	vst v63  }
0x71b: {  	s24 =	simm.s32 $0x17380  }
0x71c: {  	[tilespmem:s24], [sflag:$0x3] =	stream.indirect_vreg.gather [hbm4b:s7+s4], $0x80, v3, vm0, $0xb8;
	[tilespmem:$0x1FB80] =	vst v63  }
0x71d: {  	s25 =	simm.s32 $0x17B80  }
0x71e: {  	[tilespmem:s25], [sflag:$0x3] =	stream.indirect_vreg.gather [hbm4b:s8+s4], $0x80, v3, vm0, $0xb8;
	[tilespmem:$0x1FB80] =	vst v63  }
0x71f: {  	v3 =	vld [tilespmem:$0x208];
	_ =	sdelay $0x4  }
0x720: {  	v45 =	vshrl.u32 v3, $0x3  }
0x721: {  	v4 =	vmul.u32 $0x30, v45  }
0x722: {  	v3 =	vand.u32 $0x7, v3  }
0x723: {  	v3 =	vor.u32 v3, v4  }
0x724: {  	v4 =	vperm.xlane v3, v0;
	_ =	sdelay $0x1  }
0x725: {  	v4 =	vadd.s32 v1, v4;
	_ =	sdelay $0x3  }
0x726: {  	s26 =	simm.s32 $0x18380;
	v3 =	vperm.xlane v3, v2  }
0x727: {  	[tilespmem:s26], [sflag:$0x3] =	stream.indirect_vreg.gather [hbm4b:s2+s4], $0x80, v4, vm0, $0xb8;
	[tilespmem:$0x1FB80] =	vst v63  }
0x728: {  	s28 =	simm.s32 $0x18B80;
	v3 =	vadd.s32 v1, v3  }
0x729: {  	[tilespmem:s28], [sflag:$0x3] =	stream.indirect_vreg.gather [hbm4b:s7+s4], $0x80, v4, vm0, $0xb8;
	[tilespmem:$0x1FB80] =	vst v63  }
0x72a: {  	s29 =	simm.s32 $0x19380  }
0x72b: {  	[tilespmem:s29], [sflag:$0x3] =	stream.indirect_vreg.gather [hbm4b:s8+s4], $0x80, v4, vm0, $0xb8;
	[tilespmem:$0x1FB80] =	vst v63  }
0x72c: {  	s30 =	simm.s32 $0x19B80  }
0x72d: {  	[tilespmem:s30], [sflag:$0x3] =	stream.indirect_vreg.gather [hbm4b:s2+s4], $0x80, v3, vm0, $0xb8;
	[tilespmem:$0x1FB80] =	vst v63  }
0x72e: {  	s31 =	simm.s32 $0x1A380  }
0x72f: {  	[tilespmem:s31], [sflag:$0x3] =	stream.indirect_vreg.gather [hbm4b:s7+s4], $0x80, v3, vm0, $0xb8;
	[tilespmem:$0x1FB80] =	vst v63  }
0x730: {  	s18 =	simm.s32 $0x1AB80  }
0x731: {  	[tilespmem:s18], [sflag:$0x3] =	stream.indirect_vreg.gather [hbm4b:s8+s4], $0x80, v3, vm0, $0xb8;
	[tilespmem:$0x1FB80] =	vst v63  }
0x732: {  	v3 =	vld [tilespmem:$0x218];
	_ =	sdelay $0x4  }
0x733: {  	v46 =	vshrl.u32 v3, $0x3  }
0x734: {  	v4 =	vmul.u32 $0x30, v46  }
0x735: {  	v3 =	vand.u32 $0x7, v3  }
0x736: {  	v3 =	vor.u32 v3, v4  }
0x737: {  	v4 =	vperm.xlane v3, v0;
	_ =	sdelay $0x1  }
0x738: {  	v4 =	vadd.s32 v1, v4;
	_ =	sdelay $0x3  }
0x739: {  	s21 =	simm.s32 $0x1B380;
	v3 =	vperm.xlane v3, v2  }
0x73a: {  	[tilespmem:s21], [sflag:$0x3] =	stream.indirect_vreg.gather [hbm4b:s2+s4], $0x80, v4, vm0, $0xb8;
	[tilespmem:$0x1FB80] =	vst v63  }
0x73b: {  	s30 =	simm.s32 $0x1BB80;
	v3 =	vadd.s32 v1, v3  }
0x73c: {  	[tilespmem:s30], [sflag:$0x3] =	stream.indirect_vreg.gather [hbm4b:s7+s4], $0x80, v4, vm0, $0xb8;
	[tilespmem:$0x1FB80] =	vst v63  }
0x73d: {  	s31 =	simm.s32 $0x1C380  }
0x73e: {  	[tilespmem:s31], [sflag:$0x3] =	stream.indirect_vreg.gather [hbm4b:s8+s4], $0x80, v4, vm0, $0xb8;
	[tilespmem:$0x1FB80] =	vst v63  }
0x73f: {  	s18 =	simm.s32 $0x1CB80  }
0x740: {  	[tilespmem:s18], [sflag:$0x3] =	stream.indirect_vreg.gather [hbm4b:s2+s4], $0x80, v3, vm0, $0xb8;
	[tilespmem:$0x1FB80] =	vst v63  }
0x741: {  	s21 =	simm.s32 $0x1D380  }
0x742: {  	[tilespmem:s21], [sflag:$0x3] =	stream.indirect_vreg.gather [hbm4b:s7+s4], $0x80, v3, vm0, $0xb8;
	[tilespmem:$0x1FB80] =	vst v63  }
0x743: {  	s18 =	simm.s32 $0x1DB80  }
0x744: {  	[tilespmem:s18], [sflag:$0x3] =	stream.indirect_vreg.gather [hbm4b:s8+s4], $0x80, v3, vm0, $0xb8;
	[tilespmem:$0x1FB80] =	vst v63  }
0x745: {  	v3 =	vld.msk [tilespmem:$0x228], $0xff;
	_ =	sdelay $0x4  }
0x746: {  	v47 =	vshrl.u32 v3, $0x3  }
0x747: {  	v4 =	vmul.u32 $0x30, v47  }
0x748: {  	v3 =	vand.u32 $0x7, v3  }
0x749: {  	v3 =	vor.u32 v3, v4  }
0x74a: {  	v3 =	vperm.xlane v3, v0;
	_ =	sdelay $0x1  }
0x74b: {  	v3 =	vadd.s32 v1, v3;
	_ =	sdelay $0x3  }
0x74c: {  	s21 =	simm.s32 $0x1E380  }
0x74d: {  	[tilespmem:s21], [sflag:$0x3] =	stream.indirect_vreg.gather [hbm4b:s2+s4], $0x80, v3, vm0, $0xb8;
	[tilespmem:$0x1FB80] =	vst v63  }
0x74e: {  	s18 =	simm.s32 $0x1EB80  }
0x74f: {  	[tilespmem:s18], [sflag:$0x3] =	stream.indirect_vreg.gather [hbm4b:s7+s4], $0x80, v3, vm0, $0xb8;
	[tilespmem:$0x1FB80] =	vst v63  }
0x750: {  	s21 =	simm.s32 $0x1F380  }
0x751: {  	[tilespmem:s21], [sflag:$0x3] =	stream.indirect_vreg.gather [hbm4b:s8+s4], $0x80, v3, vm0, $0xb8;
	[tilespmem:$0x1FB80] =	vst v63  }
0x752: {  	_ =	swait.ge [sflag:s12], $0xA800  }
0x753: {  	[sflag:s12] =	ssyncset.done $0x0  }
0x754: {  	s0 =	rddreg [dreg:$0x1c];
	[sflag:s12] =	ssyncadd.s32 $0xFFFF5800  }
0x755: {  	[hbm4b:s0+s4] =	stream.linear.scatter [tilespmem:s10], [sflag:$0x4], $0xA800, $0x38;
	[tilespmem:$0x1FB80] =	vst v63  }
0x756: {  	_ =	swait.ge [sflag:s13], $0xA800  }
0x757: {  	[sflag:s13] =	ssyncset.done $0x0  }
0x758: {  	[sflag:s13] =	ssyncadd.s32 $0xFFFF5800  }
0x759: {  	v3 =	vld [tilespmem:$0x230];
	_ =	sdelay $0x4  }
0x75a: {  	v48 =	vshrl.u32 v3, $0x3  }
0x75b: {  	v4 =	vmul.u32 $0x30, v48  }
0x75c: {  	v3 =	vand.u32 $0x7, v3  }
0x75d: {  	v3 =	vor.u32 v3, v4  }
0x75e: {  	v4 =	vperm.xlane v3, v0;
	_ =	sdelay $0x1  }
0x75f: {  	v4 =	vadd.s32 v1, v4;
	_ =	sdelay $0x3  }
0x760: {  	v3 =	vperm.xlane v3, v2  }
0x761: {  	[tilespmem:s10], [sflag:$0x1] =	stream.indirect_vreg.gather [hbm4b:s2+s4], $0x80, v4, vm0, $0xb8;
	[tilespmem:$0x1FB80] =	vst v63  }
0x762: {  	s21 =	simm.s32 $0xB80;
	v3 =	vadd.s32 v1, v3  }
0x763: {  	[tilespmem:s21], [sflag:$0x1] =	stream.indirect_vreg.gather [hbm4b:s7+s4], $0x80, v4, vm0, $0xb8;
	[tilespmem:$0x1FB80] =	vst v63  }
0x764: {  	s10 =	simm.s32 $0x1380  }
0x765: {  	[tilespmem:s10], [sflag:$0x1] =	stream.indirect_vreg.gather [hbm4b:s8+s4], $0x80, v4, vm0, $0xb8;
	[tilespmem:$0x1FB80] =	vst v63  }
0x766: {  	s18 =	simm.s32 $0x1B80  }
0x767: {  	[tilespmem:s18], [sflag:$0x1] =	stream.indirect_vreg.gather [hbm4b:s2+s4], $0x80, v3, vm0, $0xb8;
	[tilespmem:$0x1FB80] =	vst v63  }
0x768: {  	s21 =	simm.s32 $0x2380  }
0x769: {  	[tilespmem:s21], [sflag:$0x1] =	stream.indirect_vreg.gather [hbm4b:s7+s4], $0x80, v3, vm0, $0xb8;
	[tilespmem:$0x1FB80] =	vst v63  }
0x76a: {  	s10 =	simm.s32 $0x2B80  }
0x76b: {  	[tilespmem:s10], [sflag:$0x1] =	stream.indirect_vreg.gather [hbm4b:s8+s4], $0x80, v3, vm0, $0xb8;
	[tilespmem:$0x1FB80] =	vst v63  }
0x76c: {  	v3 =	vld [tilespmem:$0x240];
	_ =	sdelay $0x4  }
0x76d: {  	v49 =	vshrl.u32 v3, $0x3  }
0x76e: {  	v4 =	vmul.u32 $0x30, v49  }
0x76f: {  	v3 =	vand.u32 $0x7, v3  }
0x770: {  	v3 =	vor.u32 v3, v4  }
0x771: {  	v4 =	vperm.xlane v3, v0;
	_ =	sdelay $0x1  }
0x772: {  	v4 =	vadd.s32 v1, v4;
	_ =	sdelay $0x3  }
0x773: {  	s18 =	simm.s32 $0x3380;
	v3 =	vperm.xlane v3, v2  }
0x774: {  	[tilespmem:s18], [sflag:$0x1] =	stream.indirect_vreg.gather [hbm4b:s2+s4], $0x80, v4, vm0, $0xb8;
	[tilespmem:$0x1FB80] =	vst v63  }
0x775: {  	s21 =	simm.s32 $0x3B80;
	v3 =	vadd.s32 v1, v3  }
0x776: {  	[tilespmem:s21], [sflag:$0x1] =	stream.indirect_vreg.gather [hbm4b:s7+s4], $0x80, v4, vm0, $0xb8;
	[tilespmem:$0x1FB80] =	vst v63  }
0x777: {  	s10 =	simm.s32 $0x4380  }
0x778: {  	[tilespmem:s10], [sflag:$0x1] =	stream.indirect_vreg.gather [hbm4b:s8+s4], $0x80, v4, vm0, $0xb8;
	[tilespmem:$0x1FB80] =	vst v63  }
0x779: {  	s18 =	simm.s32 $0x4B80  }
0x77a: {  	[tilespmem:s18], [sflag:$0x1] =	stream.indirect_vreg.gather [hbm4b:s2+s4], $0x80, v3, vm0, $0xb8;
	[tilespmem:$0x1FB80] =	vst v63  }
0x77b: {  	s21 =	simm.s32 $0x5380  }
0x77c: {  	[tilespmem:s21], [sflag:$0x1] =	stream.indirect_vreg.gather [hbm4b:s7+s4], $0x80, v3, vm0, $0xb8;
	[tilespmem:$0x1FB80] =	vst v63  }
0x77d: {  	s10 =	simm.s32 $0x5B80  }
0x77e: {  	[tilespmem:s10], [sflag:$0x1] =	stream.indirect_vreg.gather [hbm4b:s8+s4], $0x80, v3, vm0, $0xb8;
	[tilespmem:$0x1FB80] =	vst v63  }
0x77f: {  	v3 =	vld [tilespmem:$0x250];
	_ =	sdelay $0x4  }
0x780: {  	v50 =	vshrl.u32 v3, $0x3  }
0x781: {  	v4 =	vmul.u32 $0x30, v50  }
0x782: {  	v3 =	vand.u32 $0x7, v3  }
0x783: {  	v3 =	vor.u32 v3, v4  }
0x784: {  	v4 =	vperm.xlane v3, v0;
	_ =	sdelay $0x1  }
0x785: {  	v4 =	vadd.s32 v1, v4;
	_ =	sdelay $0x3  }
0x786: {  	s18 =	simm.s32 $0x6380;
	v3 =	vperm.xlane v3, v2  }
0x787: {  	[tilespmem:s18], [sflag:$0x1] =	stream.indirect_vreg.gather [hbm4b:s2+s4], $0x80, v4, vm0, $0xb8;
	[tilespmem:$0x1FB80] =	vst v63  }
0x788: {  	s21 =	simm.s32 $0x6B80;
	v3 =	vadd.s32 v1, v3  }
0x789: {  	[tilespmem:s21], [sflag:$0x1] =	stream.indirect_vreg.gather [hbm4b:s7+s4], $0x80, v4, vm0, $0xb8;
	[tilespmem:$0x1FB80] =	vst v63  }
0x78a: {  	s10 =	simm.s32 $0x7380  }
0x78b: {  	[tilespmem:s10], [sflag:$0x1] =	stream.indirect_vreg.gather [hbm4b:s8+s4], $0x80, v4, vm0, $0xb8;
	[tilespmem:$0x1FB80] =	vst v63  }
0x78c: {  	s18 =	simm.s32 $0x7B80  }
0x78d: {  	[tilespmem:s18], [sflag:$0x1] =	stream.indirect_vreg.gather [hbm4b:s2+s4], $0x80, v3, vm0, $0xb8;
	[tilespmem:$0x1FB80] =	vst v63  }
0x78e: {  	s21 =	simm.s32 $0x8380  }
0x78f: {  	[tilespmem:s21], [sflag:$0x1] =	stream.indirect_vreg.gather [hbm4b:s7+s4], $0x80, v3, vm0, $0xb8;
	[tilespmem:$0x1FB80] =	vst v63  }
0x790: {  	s10 =	simm.s32 $0x8B80  }
0x791: {  	[tilespmem:s10], [sflag:$0x1] =	stream.indirect_vreg.gather [hbm4b:s8+s4], $0x80, v3, vm0, $0xb8;
	[tilespmem:$0x1FB80] =	vst v63  }
0x792: {  	v3 =	vld.msk [tilespmem:$0x260], $0xff;
	_ =	sdelay $0x4  }
0x793: {  	v51 =	vshrl.u32 v3, $0x3  }
0x794: {  	v4 =	vmul.u32 $0x30, v51  }
0x795: {  	v3 =	vand.u32 $0x7, v3  }
0x796: {  	v3 =	vor.u32 v3, v4  }
0x797: {  	v3 =	vperm.xlane v3, v0;
	_ =	sdelay $0x1  }
0x798: {  	v3 =	vadd.s32 v1, v3;
	_ =	sdelay $0x3  }
0x799: {  	s18 =	simm.s32 $0x9380  }
0x79a: {  	[tilespmem:s18], [sflag:$0x1] =	stream.indirect_vreg.gather [hbm4b:s2+s4], $0x80, v3, vm0, $0xb8;
	[tilespmem:$0x1FB80] =	vst v63  }
0x79b: {  	s21 =	simm.s32 $0x9B80  }
0x79c: {  	[tilespmem:s21], [sflag:$0x1] =	stream.indirect_vreg.gather [hbm4b:s7+s4], $0x80, v3, vm0, $0xb8;
	[tilespmem:$0x1FB80] =	vst v63  }
0x79d: {  	s15 =	simm.s32 $0xA380  }
0x79e: {  	[tilespmem:s15], [sflag:$0x1] =	stream.indirect_vreg.gather [hbm4b:s8+s4], $0x80, v3, vm0, $0xb8;
	[tilespmem:$0x1FB80] =	vst v63  }
0x79f: {  	_ =	swait.ge [sflag:s14], $0xA800  }
0x7a0: {  	[sflag:s14] =	ssyncset.done $0x0  }
0x7a1: {  	s10 =	simm.s32 $0xAB80;
	s0 =	rddreg [dreg:$0x1d];
	[sflag:s14] =	ssyncadd.s32 $0xFFFF5800  }
0x7a2: {  	[hbm4b:s0+s4] =	stream.linear.scatter [tilespmem:s10], [sflag:$0x5], $0xA800, $0x38;
	[tilespmem:$0x1FB80] =	vst v63  }
0x7a3: {  	_ =	swait.ge [sflag:s3], $0xA800  }
0x7a4: {  	[sflag:s3] =	ssyncset.done $0x0  }
0x7a5: {  	[sflag:s3] =	ssyncadd.s32 $0xFFFF5800  }
0x7a6: {  	v3 =	vld [tilespmem:$0x268];
	_ =	sdelay $0x4  }
0x7a7: {  	v52 =	vshrl.u32 v3, $0x3  }
0x7a8: {  	v4 =	vmul.u32 $0x30, v52  }
0x7a9: {  	v3 =	vand.u32 $0x7, v3  }
0x7aa: {  	v3 =	vor.u32 v3, v4  }
0x7ab: {  	v4 =	vperm.xlane v3, v0;
	_ =	sdelay $0x1  }
0x7ac: {  	v4 =	vadd.s32 v1, v4;
	_ =	sdelay $0x3  }
0x7ad: {  	v3 =	vperm.xlane v3, v2  }
0x7ae: {  	[tilespmem:s10], [sflag:$0x2] =	stream.indirect_vreg.gather [hbm4b:s2+s4], $0x80, v4, vm0, $0xb8;
	[tilespmem:$0x1FB80] =	vst v63  }
0x7af: {  	s22 =	simm.s32 $0xB380;
	v3 =	vadd.s32 v1, v3  }
0x7b0: {  	[tilespmem:s22], [sflag:$0x2] =	stream.indirect_vreg.gather [hbm4b:s7+s4], $0x80, v4, vm0, $0xb8;
	[tilespmem:$0x1FB80] =	vst v63  }
0x7b1: {  	s11 =	simm.s32 $0xBB80  }
0x7b2: {  	[tilespmem:s11], [sflag:$0x2] =	stream.indirect_vreg.gather [hbm4b:s8+s4], $0x80, v4, vm0, $0xb8;
	[tilespmem:$0x1FB80] =	vst v63  }
0x7b3: {  	s20 =	simm.s32 $0xC380  }
0x7b4: {  	[tilespmem:s20], [sflag:$0x2] =	stream.indirect_vreg.gather [hbm4b:s2+s4], $0x80, v3, vm0, $0xb8;
	[tilespmem:$0x1FB80] =	vst v63  }
0x7b5: {  	s15 =	simm.s32 $0xCB80  }
0x7b6: {  	[tilespmem:s15], [sflag:$0x2] =	stream.indirect_vreg.gather [hbm4b:s7+s4], $0x80, v3, vm0, $0xb8;
	[tilespmem:$0x1FB80] =	vst v63  }
0x7b7: {  	s18 =	simm.s32 $0xD380  }
0x7b8: {  	[tilespmem:s18], [sflag:$0x2] =	stream.indirect_vreg.gather [hbm4b:s8+s4], $0x80, v3, vm0, $0xb8;
	[tilespmem:$0x1FB80] =	vst v63  }
0x7b9: {  	v3 =	vld [tilespmem:$0x278];
	_ =	sdelay $0x4  }
0x7ba: {  	v53 =	vshrl.u32 v3, $0x3  }
0x7bb: {  	v4 =	vmul.u32 $0x30, v53  }
0x7bc: {  	v3 =	vand.u32 $0x7, v3  }
0x7bd: {  	v3 =	vor.u32 v3, v4  }
0x7be: {  	v4 =	vperm.xlane v3, v0;
	_ =	sdelay $0x1  }
0x7bf: {  	v4 =	vadd.s32 v1, v4;
	_ =	sdelay $0x3  }
0x7c0: {  	s20 =	simm.s32 $0xDB80;
	v3 =	vperm.xlane v3, v2  }
0x7c1: {  	[tilespmem:s20], [sflag:$0x2] =	stream.indirect_vreg.gather [hbm4b:s2+s4], $0x80, v4, vm0, $0xb8;
	[tilespmem:$0x1FB80] =	vst v63  }
0x7c2: {  	s22 =	simm.s32 $0xE380;
	v3 =	vadd.s32 v1, v3  }
0x7c3: {  	[tilespmem:s22], [sflag:$0x2] =	stream.indirect_vreg.gather [hbm4b:s7+s4], $0x80, v4, vm0, $0xb8;
	[tilespmem:$0x1FB80] =	vst v63  }
0x7c4: {  	s11 =	simm.s32 $0xEB80  }
0x7c5: {  	[tilespmem:s11], [sflag:$0x2] =	stream.indirect_vreg.gather [hbm4b:s8+s4], $0x80, v4, vm0, $0xb8;
	[tilespmem:$0x1FB80] =	vst v63  }
0x7c6: {  	s15 =	simm.s32 $0xF380  }
0x7c7: {  	[tilespmem:s15], [sflag:$0x2] =	stream.indirect_vreg.gather [hbm4b:s2+s4], $0x80, v3, vm0, $0xb8;
	[tilespmem:$0x1FB80] =	vst v63  }
0x7c8: {  	s18 =	simm.s32 $0xFB80  }
0x7c9: {  	[tilespmem:s18], [sflag:$0x2] =	stream.indirect_vreg.gather [hbm4b:s7+s4], $0x80, v3, vm0, $0xb8;
	[tilespmem:$0x1FB80] =	vst v63  }
0x7ca: {  	s20 =	simm.s32 $0x10380  }
0x7cb: {  	[tilespmem:s20], [sflag:$0x2] =	stream.indirect_vreg.gather [hbm4b:s8+s4], $0x80, v3, vm0, $0xb8;
	[tilespmem:$0x1FB80] =	vst v63  }
0x7cc: {  	v3 =	vld [tilespmem:$0x288];
	_ =	sdelay $0x4  }
0x7cd: {  	v54 =	vshrl.u32 v3, $0x3  }
0x7ce: {  	v4 =	vmul.u32 $0x30, v54  }
0x7cf: {  	v3 =	vand.u32 $0x7, v3  }
0x7d0: {  	v3 =	vor.u32 v3, v4  }
0x7d1: {  	v4 =	vperm.xlane v3, v0;
	_ =	sdelay $0x1  }
0x7d2: {  	v4 =	vadd.s32 v1, v4;
	_ =	sdelay $0x3  }
0x7d3: {  	s22 =	simm.s32 $0x10B80;
	v3 =	vperm.xlane v3, v2  }
0x7d4: {  	[tilespmem:s22], [sflag:$0x2] =	stream.indirect_vreg.gather [hbm4b:s2+s4], $0x80, v4, vm0, $0xb8;
	[tilespmem:$0x1FB80] =	vst v63  }
0x7d5: {  	s11 =	simm.s32 $0x11380;
	v3 =	vadd.s32 v1, v3  }
0x7d6: {  	[tilespmem:s11], [sflag:$0x2] =	stream.indirect_vreg.gather [hbm4b:s7+s4], $0x80, v4, vm0, $0xb8;
	[tilespmem:$0x1FB80] =	vst v63  }
0x7d7: {  	s15 =	simm.s32 $0x11B80  }
0x7d8: {  	[tilespmem:s15], [sflag:$0x2] =	stream.indirect_vreg.gather [hbm4b:s8+s4], $0x80, v4, vm0, $0xb8;
	[tilespmem:$0x1FB80] =	vst v63  }
0x7d9: {  	s18 =	simm.s32 $0x12380  }
0x7da: {  	[tilespmem:s18], [sflag:$0x2] =	stream.indirect_vreg.gather [hbm4b:s2+s4], $0x80, v3, vm0, $0xb8;
	[tilespmem:$0x1FB80] =	vst v63  }
0x7db: {  	s20 =	simm.s32 $0x12B80  }
0x7dc: {  	[tilespmem:s20], [sflag:$0x2] =	stream.indirect_vreg.gather [hbm4b:s7+s4], $0x80, v3, vm0, $0xb8;
	[tilespmem:$0x1FB80] =	vst v63  }
0x7dd: {  	s22 =	simm.s32 $0x13380  }
0x7de: {  	[tilespmem:s22], [sflag:$0x2] =	stream.indirect_vreg.gather [hbm4b:s8+s4], $0x80, v3, vm0, $0xb8;
	[tilespmem:$0x1FB80] =	vst v63  }
0x7df: {  	v3 =	vld.msk [tilespmem:$0x298], $0xff;
	_ =	sdelay $0x4  }
0x7e0: {  	v55 =	vshrl.u32 v3, $0x3  }
0x7e1: {  	v4 =	vmul.u32 $0x30, v55  }
0x7e2: {  	v3 =	vand.u32 $0x7, v3  }
0x7e3: {  	v3 =	vor.u32 v3, v4  }
0x7e4: {  	v3 =	vperm.xlane v3, v0;
	_ =	sdelay $0x1  }
0x7e5: {  	v3 =	vadd.s32 v1, v3;
	_ =	sdelay $0x3  }
0x7e6: {  	s11 =	simm.s32 $0x13B80  }
0x7e7: {  	[tilespmem:s11], [sflag:$0x2] =	stream.indirect_vreg.gather [hbm4b:s2+s4], $0x80, v3, vm0, $0xb8;
	[tilespmem:$0x1FB80] =	vst v63  }
0x7e8: {  	s15 =	simm.s32 $0x14380  }
0x7e9: {  	[tilespmem:s15], [sflag:$0x2] =	stream.indirect_vreg.gather [hbm4b:s7+s4], $0x80, v3, vm0, $0xb8;
	[tilespmem:$0x1FB80] =	vst v63  }
0x7ea: {  	s18 =	simm.s32 $0x14B80  }
0x7eb: {  	[tilespmem:s18], [sflag:$0x2] =	stream.indirect_vreg.gather [hbm4b:s8+s4], $0x80, v3, vm0, $0xb8;
	[tilespmem:$0x1FB80] =	vst v63  }
0x7ec: {  	s3 =	sld [smem:$0x7FA];
	_ =	swait.ge [sflag:s16], $0xA800  }
0x7ed: {  	[sflag:s16] =	ssyncset.done $0x0  }
0x7ee: {  	s22 =	simm.s32 $0x15380;
	s20 =	rddreg [dreg:$0x1e];
	[sflag:s16] =	ssyncadd.s32 $0xFFFF5800  }
0x7ef: {  	[hbm4b:s20+s4] =	stream.linear.scatter [tilespmem:s22], [sflag:$0x6], $0xA800, $0x38;
	[tilespmem:$0x1FB80] =	vst v63  }
0x7f0: {  	_ =	swait.ge [sflag:s17], $0xA800  }
0x7f1: {  	[sflag:s17] =	ssyncset.done $0x0  }
0x7f2: {  	[sflag:s17] =	ssyncadd.s32 $0xFFFF5800  }
0x7f3: {  	v3 =	vld [tilespmem:$0x2A0];
	_ =	sdelay $0x4  }
0x7f4: {  	v56 =	vshrl.u32 v3, $0x3  }
0x7f5: {  	v4 =	vmul.u32 $0x30, v56  }
0x7f6: {  	v3 =	vand.u32 $0x7, v3  }
0x7f7: {  	v3 =	vor.u32 v3, v4  }
0x7f8: {  	v4 =	vperm.xlane v3, v0;
	_ =	sdelay $0x1  }
0x7f9: {  	v4 =	vadd.s32 v1, v4;
	_ =	sdelay $0x3  }
0x7fa: {  	v3 =	vperm.xlane v3, v2  }
0x7fb: {  	[tilespmem:s22], [sflag:$0x3] =	stream.indirect_vreg.gather [hbm4b:s2+s4], $0x80, v4, vm0, $0xb8;
	[tilespmem:$0x1FB80] =	vst v63  }
0x7fc: {  	s9 =	simm.s32 $0x15B80;
	v3 =	vadd.s32 v1, v3  }
0x7fd: {  	[tilespmem:s9], [sflag:$0x3] =	stream.indirect_vreg.gather [hbm4b:s7+s4], $0x80, v4, vm0, $0xb8;
	[tilespmem:$0x1FB80] =	vst v63  }
0x7fe: {  	s19 =	simm.s32 $0x16380  }
0x7ff: {  	[tilespmem:s19], [sflag:$0x3] =	stream.indirect_vreg.gather [hbm4b:s8+s4], $0x80, v4, vm0, $0xb8;
	[tilespmem:$0x1FB80] =	vst v63  }
0x800: {  	s23 =	simm.s32 $0x16B80  }
0x801: {  	[tilespmem:s23], [sflag:$0x3] =	stream.indirect_vreg.gather [hbm4b:s2+s4], $0x80, v3, vm0, $0xb8;
	[tilespmem:$0x1FB80] =	vst v63  }
0x802: {  	s24 =	simm.s32 $0x17380  }
0x803: {  	[tilespmem:s24], [sflag:$0x3] =	stream.indirect_vreg.gather [hbm4b:s7+s4], $0x80, v3, vm0, $0xb8;
	[tilespmem:$0x1FB80] =	vst v63  }
0x804: {  	s23 =	simm.s32 $0x17B80  }
0x805: {  	[tilespmem:s23], [sflag:$0x3] =	stream.indirect_vreg.gather [hbm4b:s8+s4], $0x80, v3, vm0, $0xb8;
	[tilespmem:$0x1FB80] =	vst v63  }
0x806: {  	v3 =	vld [tilespmem:$0x2B0];
	_ =	sdelay $0x4  }
0x807: {  	v57 =	vshrl.u32 v3, $0x3  }
0x808: {  	v4 =	vmul.u32 $0x30, v57  }
0x809: {  	v3 =	vand.u32 $0x7, v3  }
0x80a: {  	v3 =	vor.u32 v3, v4  }
0x80b: {  	v4 =	vperm.xlane v3, v0;
	_ =	sdelay $0x1  }
0x80c: {  	v4 =	vadd.s32 v1, v4;
	_ =	sdelay $0x3  }
0x80d: {  	s24 =	simm.s32 $0x18380;
	v3 =	vperm.xlane v3, v2  }
0x80e: {  	[tilespmem:s24], [sflag:$0x3] =	stream.indirect_vreg.gather [hbm4b:s2+s4], $0x80, v4, vm0, $0xb8;
	[tilespmem:$0x1FB80] =	vst v63  }
0x80f: {  	s25 =	simm.s32 $0x18B80;
	v3 =	vadd.s32 v1, v3  }
0x810: {  	[tilespmem:s25], [sflag:$0x3] =	stream.indirect_vreg.gather [hbm4b:s7+s4], $0x80, v4, vm0, $0xb8;
	[tilespmem:$0x1FB80] =	vst v63  }
0x811: {  	s26 =	simm.s32 $0x19380  }
0x812: {  	[tilespmem:s26], [sflag:$0x3] =	stream.indirect_vreg.gather [hbm4b:s8+s4], $0x80, v4, vm0, $0xb8;
	[tilespmem:$0x1FB80] =	vst v63  }
0x813: {  	s28 =	simm.s32 $0x19B80  }
0x814: {  	[tilespmem:s28], [sflag:$0x3] =	stream.indirect_vreg.gather [hbm4b:s2+s4], $0x80, v3, vm0, $0xb8;
	[tilespmem:$0x1FB80] =	vst v63  }
0x815: {  	s29 =	simm.s32 $0x1A380  }
0x816: {  	[tilespmem:s29], [sflag:$0x3] =	stream.indirect_vreg.gather [hbm4b:s7+s4], $0x80, v3, vm0, $0xb8;
	[tilespmem:$0x1FB80] =	vst v63  }
0x817: {  	s26 =	simm.s32 $0x1AB80  }
0x818: {  	[tilespmem:s26], [sflag:$0x3] =	stream.indirect_vreg.gather [hbm4b:s8+s4], $0x80, v3, vm0, $0xb8;
	[tilespmem:$0x1FB80] =	vst v63  }
0x819: {  	v3 =	vld [tilespmem:$0x2C0];
	_ =	sdelay $0x4  }
0x81a: {  	v58 =	vshrl.u32 v3, $0x3  }
0x81b: {  	v4 =	vmul.u32 $0x30, v58  }
0x81c: {  	v3 =	vand.u32 $0x7, v3  }
0x81d: {  	v3 =	vor.u32 v3, v4  }
0x81e: {  	v4 =	vperm.xlane v3, v0;
	_ =	sdelay $0x1  }
0x81f: {  	v4 =	vadd.s32 v1, v4;
	_ =	sdelay $0x3  }
0x820: {  	s28 =	simm.s32 $0x1B380;
	v3 =	vperm.xlane v3, v2  }
0x821: {  	[tilespmem:s28], [sflag:$0x3] =	stream.indirect_vreg.gather [hbm4b:s2+s4], $0x80, v4, vm0, $0xb8;
	[tilespmem:$0x1FB80] =	vst v63  }
0x822: {  	s30 =	simm.s32 $0x1BB80;
	v3 =	vadd.s32 v1, v3  }
0x823: {  	[tilespmem:s30], [sflag:$0x3] =	stream.indirect_vreg.gather [hbm4b:s7+s4], $0x80, v4, vm0, $0xb8;
	[tilespmem:$0x1FB80] =	vst v63  }
0x824: {  	s31 =	simm.s32 $0x1C380  }
0x825: {  	[tilespmem:s31], [sflag:$0x3] =	stream.indirect_vreg.gather [hbm4b:s8+s4], $0x80, v4, vm0, $0xb8;
	[tilespmem:$0x1FB80] =	vst v63  }
0x826: {  	s29 =	simm.s32 $0x1CB80  }
0x827: {  	[tilespmem:s29], [sflag:$0x3] =	stream.indirect_vreg.gather [hbm4b:s2+s4], $0x80, v3, vm0, $0xb8;
	[tilespmem:$0x1FB80] =	vst v63  }
0x828: {  	s30 =	simm.s32 $0x1D380  }
0x829: {  	[tilespmem:s30], [sflag:$0x3] =	stream.indirect_vreg.gather [hbm4b:s7+s4], $0x80, v3, vm0, $0xb8;
	[tilespmem:$0x1FB80] =	vst v63  }
0x82a: {  	s31 =	simm.s32 $0x1DB80  }
0x82b: {  	[tilespmem:s31], [sflag:$0x3] =	stream.indirect_vreg.gather [hbm4b:s8+s4], $0x80, v3, vm0, $0xb8;
	[tilespmem:$0x1FB80] =	vst v63  }
0x82c: {  	v3 =	vld.msk [tilespmem:$0x2D0], $0xff;
	_ =	sdelay $0x4  }
0x82d: {  	v59 =	vshrl.u32 v3, $0x3  }
0x82e: {  	v4 =	vmul.u32 $0x30, v59  }
0x82f: {  	v3 =	vand.u32 $0x7, v3  }
0x830: {  	v3 =	vor.u32 v3, v4  }
0x831: {  	v3 =	vperm.xlane v3, v0;
	_ =	sdelay $0x1  }
0x832: {  	v3 =	vadd.s32 v1, v3;
	_ =	sdelay $0x3  }
0x833: {  	s11 =	simm.s32 $0x1E380  }
0x834: {  	[tilespmem:s11], [sflag:$0x3] =	stream.indirect_vreg.gather [hbm4b:s2+s4], $0x80, v3, vm0, $0xb8;
	[tilespmem:$0x1FB80] =	vst v63  }
0x835: {  	s15 =	simm.s32 $0x1EB80  }
0x836: {  	[tilespmem:s15], [sflag:$0x3] =	stream.indirect_vreg.gather [hbm4b:s7+s4], $0x80, v3, vm0, $0xb8;
	[tilespmem:$0x1FB80] =	vst v63  }
0x837: {  	s18 =	simm.s32 $0x1F380  }
0x838: {  	[tilespmem:s18], [sflag:$0x3] =	stream.indirect_vreg.gather [hbm4b:s8+s4], $0x80, v3, vm0, $0xb8;
	[tilespmem:$0x1FB80] =	vst v63  }
0x839: {  	_ =	swait.ge [sflag:s12], $0xA800  }
0x83a: {  	[sflag:s12] =	ssyncset.done $0x0  }
0x83b: {  	s20 =	simm.s32 $0x380;
	s19 =	rddreg [dreg:$0x1f];
	[sflag:s12] =	ssyncadd.s32 $0xFFFF5800  }
0x83c: {  	[hbm4b:s19+s4] =	stream.linear.scatter [tilespmem:s20], [sflag:$0x4], $0xA800, $0x38;
	[tilespmem:$0x1FB80] =	vst v63  }
0x83d: {  	_ =	swait.ge [sflag:s13], $0xA800  }
0x83e: {  	[sflag:s13] =	ssyncset.done $0x0  }
0x83f: {  	[sflag:s13] =	ssyncadd.s32 $0xFFFF5800  }
0x840: {  	v3 =	vld [tilespmem:$0x2D8];
	_ =	sdelay $0x4  }
0x841: {  	v60 =	vshrl.u32 v3, $0x3  }
0x842: {  	v4 =	vmul.u32 $0x30, v60  }
0x843: {  	v3 =	vand.u32 $0x7, v3  }
0x844: {  	v3 =	vor.u32 v3, v4  }
0x845: {  	v4 =	vperm.xlane v3, v0;
	_ =	sdelay $0x1  }
0x846: {  	v4 =	vadd.s32 v1, v4;
	_ =	sdelay $0x3  }
0x847: {  	v3 =	vperm.xlane v3, v2  }
0x848: {  	[tilespmem:s20], [sflag:$0x1] =	stream.indirect_vreg.gather [hbm4b:s2+s4], $0x80, v4, vm0, $0xb8;
	[tilespmem:$0x1FB80] =	vst v63  }
0x849: {  	s22 =	simm.s32 $0xB80;
	v3 =	vadd.s32 v1, v3  }
0x84a: {  	[tilespmem:s22], [sflag:$0x1] =	stream.indirect_vreg.gather [hbm4b:s7+s4], $0x80, v4, vm0, $0xb8;
	[tilespmem:$0x1FB80] =	vst v63  }
0x84b: {  	s23 =	simm.s32 $0x1380  }
0x84c: {  	[tilespmem:s23], [sflag:$0x1] =	stream.indirect_vreg.gather [hbm4b:s8+s4], $0x80, v4, vm0, $0xb8;
	[tilespmem:$0x1FB80] =	vst v63  }
0x84d: {  	s24 =	simm.s32 $0x1B80  }
0x84e: {  	[tilespmem:s24], [sflag:$0x1] =	stream.indirect_vreg.gather [hbm4b:s2+s4], $0x80, v3, vm0, $0xb8;
	[tilespmem:$0x1FB80] =	vst v63  }
0x84f: {  	s25 =	simm.s32 $0x2380  }
0x850: {  	[tilespmem:s25], [sflag:$0x1] =	stream.indirect_vreg.gather [hbm4b:s7+s4], $0x80, v3, vm0, $0xb8;
	[tilespmem:$0x1FB80] =	vst v63  }
0x851: {  	s26 =	simm.s32 $0x2B80  }
0x852: {  	[tilespmem:s26], [sflag:$0x1] =	stream.indirect_vreg.gather [hbm4b:s8+s4], $0x80, v3, vm0, $0xb8;
	[tilespmem:$0x1FB80] =	vst v63  }
0x853: {  	v3 =	vld [tilespmem:$0x2E8];
	_ =	sdelay $0x4  }
0x854: {  	v61 =	vshrl.u32 v3, $0x3  }
0x855: {  	v4 =	vmul.u32 $0x30, v61  }
0x856: {  	v3 =	vand.u32 $0x7, v3  }
0x857: {  	v3 =	vor.u32 v3, v4  }
0x858: {  	v4 =	vperm.xlane v3, v0;
	_ =	sdelay $0x1  }
0x859: {  	v4 =	vadd.s32 v1, v4;
	_ =	sdelay $0x3  }
0x85a: {  	s28 =	simm.s32 $0x3380;
	v3 =	vperm.xlane v3, v2  }
0x85b: {  	[tilespmem:s28], [sflag:$0x1] =	stream.indirect_vreg.gather [hbm4b:s2+s4], $0x80, v4, vm0, $0xb8;
	[tilespmem:$0x1FB80] =	vst v63  }
0x85c: {  	s29 =	simm.s32 $0x3B80;
	v3 =	vadd.s32 v1, v3  }
0x85d: {  	[tilespmem:s29], [sflag:$0x1] =	stream.indirect_vreg.gather [hbm4b:s7+s4], $0x80, v4, vm0, $0xb8;
	[tilespmem:$0x1FB80] =	vst v63  }
0x85e: {  	s30 =	simm.s32 $0x4380  }
0x85f: {  	[tilespmem:s30], [sflag:$0x1] =	stream.indirect_vreg.gather [hbm4b:s8+s4], $0x80, v4, vm0, $0xb8;
	[tilespmem:$0x1FB80] =	vst v63  }
0x860: {  	s31 =	simm.s32 $0x4B80  }
0x861: {  	[tilespmem:s31], [sflag:$0x1] =	stream.indirect_vreg.gather [hbm4b:s2+s4], $0x80, v3, vm0, $0xb8;
	[tilespmem:$0x1FB80] =	vst v63  }
0x862: {  	s15 =	simm.s32 $0x5380  }
0x863: {  	[tilespmem:s15], [sflag:$0x1] =	stream.indirect_vreg.gather [hbm4b:s7+s4], $0x80, v3, vm0, $0xb8;
	[tilespmem:$0x1FB80] =	vst v63  }
0x864: {  	s18 =	simm.s32 $0x5B80  }
0x865: {  	[tilespmem:s18], [sflag:$0x1] =	stream.indirect_vreg.gather [hbm4b:s8+s4], $0x80, v3, vm0, $0xb8;
	[tilespmem:$0x1FB80] =	vst v63  }
0x866: {  	v3 =	vld [tilespmem:$0x2F8];
	_ =	sdelay $0x4  }
0x867: {  	v62 =	vshrl.u32 v3, $0x3  }
0x868: {  	v4 =	vmul.u32 $0x30, v62  }
0x869: {  	v3 =	vand.u32 $0x7, v3  }
0x86a: {  	v3 =	vor.u32 v3, v4  }
0x86b: {  	v4 =	vperm.xlane v3, v0;
	_ =	sdelay $0x1  }
0x86c: {  	v4 =	vadd.s32 v1, v4;
	_ =	sdelay $0x3  }
0x86d: {  	s19 =	simm.s32 $0x6380;
	v3 =	vperm.xlane v3, v2  }
0x86e: {  	[tilespmem:s19], [sflag:$0x1] =	stream.indirect_vreg.gather [hbm4b:s2+s4], $0x80, v4, vm0, $0xb8;
	[tilespmem:$0x1FB80] =	vst v63  }
0x86f: {  	s20 =	simm.s32 $0x6B80;
	v3 =	vadd.s32 v1, v3  }
0x870: {  	[tilespmem:s20], [sflag:$0x1] =	stream.indirect_vreg.gather [hbm4b:s7+s4], $0x80, v4, vm0, $0xb8;
	[tilespmem:$0x1FB80] =	vst v63  }
0x871: {  	s22 =	simm.s32 $0x7380  }
0x872: {  	[tilespmem:s22], [sflag:$0x1] =	stream.indirect_vreg.gather [hbm4b:s8+s4], $0x80, v4, vm0, $0xb8;
	[tilespmem:$0x1FB80] =	vst v63  }
0x873: {  	s23 =	simm.s32 $0x7B80  }
0x874: {  	[tilespmem:s23], [sflag:$0x1] =	stream.indirect_vreg.gather [hbm4b:s2+s4], $0x80, v3, vm0, $0xb8;
	[tilespmem:$0x1FB80] =	vst v63  }
0x875: {  	s24 =	simm.s32 $0x8380  }
0x876: {  	[tilespmem:s24], [sflag:$0x1] =	stream.indirect_vreg.gather [hbm4b:s7+s4], $0x80, v3, vm0, $0xb8;
	[tilespmem:$0x1FB80] =	vst v63  }
0x877: {  	s25 =	simm.s32 $0x8B80  }
0x878: {  	[tilespmem:s25], [sflag:$0x1] =	stream.indirect_vreg.gather [hbm4b:s8+s4], $0x80, v3, vm0, $0xb8;
	[tilespmem:$0x1FB80] =	vst v63  }
0x879: {  	v3 =	vld.msk [tilespmem:$0x308], $0xff;
	_ =	sdelay $0x4  }
0x87a: {  	v63 =	vshrl.u32 v3, $0x3  }
0x87b: {  	v4 =	vmul.u32 $0x30, v63  }
0x87c: {  	v3 =	vand.u32 $0x7, v3  }
0x87d: {  	v3 =	vor.u32 v3, v4  }
0x87e: {  	v3 =	vperm.xlane v3, v0;
	_ =	sdelay $0x1  }
0x87f: {  	v3 =	vadd.s32 v1, v3;
	_ =	sdelay $0x3  }
0x880: {  	s26 =	simm.s32 $0x9380  }
0x881: {  	[tilespmem:s26], [sflag:$0x1] =	stream.indirect_vreg.gather [hbm4b:s2+s4], $0x80, v3, vm0, $0xb8;
	[tilespmem:$0x1FB80] =	vst v63  }
0x882: {  	s28 =	simm.s32 $0x9B80  }
0x883: {  	[tilespmem:s28], [sflag:$0x1] =	stream.indirect_vreg.gather [hbm4b:s7+s4], $0x80, v3, vm0, $0xb8;
	[tilespmem:$0x1FB80] =	vst v63  }
0x884: {  	s21 =	simm.s32 $0xA380  }
0x885: {  	[tilespmem:s21], [sflag:$0x1] =	stream.indirect_vreg.gather [hbm4b:s8+s4], $0x80, v3, vm0, $0xb8;
	[tilespmem:$0x1FB80] =	vst v63  }
0x886: {  	_ =	swait.ge [sflag:s14], $0xA800  }
0x887: {  	s29 =	sld [smem:$0x7FB]  }
0x888: {  	[sflag:s14] =	ssyncset.done $0x0  }
0x889: {  	s0 =	simm.s32 $0xAB80;
	[sflag:s14] =	ssyncadd.s32 $0xFFFF5800  }
0x88a: {  	[hbm4b:s29+s4] =	stream.linear.scatter [tilespmem:s0], [sflag:$0x5], $0xA800, $0x38;
	[tilespmem:$0x1FB80] =	vst v63  }
0x88b: {  	_ =	swait.ge [sflag:s16], $0xA800  }
0x88c: {  	s30 =	sld [smem:$0x7FC]  }
0x88d: {  	[sflag:s16] =	ssyncset.done $0x0  }
0x88e: {  	s10 =	simm.s32 $0x15380;
	[sflag:s16] =	ssyncadd.s32 $0xFFFF5800  }
0x88f: {  	[hbm4b:s30+s4] =	stream.linear.scatter [tilespmem:s10], [sflag:$0x6], $0xA800, $0x38;
	[tilespmem:$0x1FB80] =	vst v63  }
0x890: {  	_ =	swait.ge [sflag:s12], $0xA800  }
0x891: {  	s31 =	sld [smem:$0x7FD]  }
0x892: {  	[sflag:s12] =	ssyncset.done $0x0  }
0x893: {  	s9 =	simm.s32 $0x380;
	[sflag:s12] =	ssyncadd.s32 $0xFFFF5800  }
0x894: {  	[hbm4b:s31+s4] =	stream.linear.scatter [tilespmem:s9], [sflag:$0x4], $0xA800, $0x38;
	[tilespmem:$0x1FB80] =	vst v63  }
0x895: {  	p0 =	sne.s32 s3, $0x1;
	_ =	swait.ge [sflag:s17], $0xA800  }
.Ltmp0:
0x896: {  	[sflag:s17] =	ssyncset.done $0x0;
	(pc) =	sbr.rel @p0 .LBB2_1-.Ltmp0, $4  }
0x897: {  	[sflag:s17] =	ssyncadd.s32 $0xFFFF5800  }
0x898: {  	_ =	swait.ge [sflag:s13], $0xA800  }
0x899: {  	[sflag:s13] =	ssyncset.done $0x0  }
0x89a: {  	s3 =	sadd.s32 $0xFFFFFFFF, s3;
	[sflag:s13] =	ssyncadd.s32 $0xFFFF5800  }
0x89b: {  	_ =	sfence.sel $0x180000  }
0x89c: {  	[bflag:$0x0] =	sbarrier.arrive $0xFFFF  }
0x89d: {  	_ =	strace $0x90000047  }
0x89e: {  	s0 =	stileid.u32;
	[bflag:$0x2] =	sbarrier.arrive $0xFFFF  }
0x89f: {  	p0 =	sne.s32 s0, $0x0;
	s0 =	rddreg [dreg:$0x5]  }
0x8a0: {  	s0 =	sadd.s32 @!p0 $0x100000, s0  }
0x8a1: {  	[sflag:s0] =	ssyncadd.tile.s32 @!p0 $0x1;
	_ =	shalt  }
.Lfunc_end2:
_tile_overlayer_lowered:
.L_overlay_start_2:
0x8a2: {  	(tag) =	ssettag $0x2  }
0x8a3: {  	s0 =	rddreg [dreg:$0x0];
	s2 =	stileid.u32  }
0x8a4: {  	s1 =	rddreg [dreg:$0x1];
	p0 =	sne.s32 s2, $0x0  }
0x8a5: {  	s3 =	rddreg [dreg:$0x2];
	[bflag:$0x3] =	sbarrier.arrive $0xFFFF;
	s2 =	simm.s32 @!p0 $0x1C07  }
0x8a6: {  	[timem:s3], [sflag:s2] =	dma.local @!p0 [hbm:s0], s1  }
0x8a7: {  	s0 =	simm.s32 @!p0 $0x7  }
0x8a8: {  	_ =	swait.ge @!p0 [sflag:s0], s1  }
0x8a9: {  	s1 =	ssub.s32 @!p0 $0x0, s1;
	[sflag:s0] =	ssyncset.done @!p0 $0x0  }
0x8aa: {  	[sflag:s0] =	ssyncadd.s32 @!p0 s1  }
0x8ab: {  	[bflag:$0x3] =	sbarrier.arrive $0xFFFF  }
0x8ac: {  	_ =	shalt  }

</sc_bundles>
